<compile_context>
chip_gen: v7x
topology: tpu7x:2x2x1
jax: 0.10.2.dev20260603
libtpu: 0.0.44.dev20260713+nightly
codegen_flags: <defaults>
</compile_context>

<pallas_src>
import functools

import jax
import jax.numpy as jnp
from jax import lax
from jax.experimental import pallas as pl
from jax.experimental.pallas import tpu as pltpu
from jax.experimental.pallas import tpu_sc as plsc

_TOPK = 8
_E = 64
_T = 16384
_NC = 2
_NS = 16
_L = 16
_NW = _NC * _NS
_TPW = _T // _NW
_BPW = _TPW // 128
_SLAB = _TPW * _E


def _sigmoid(x):
    return 1.0 / (1.0 + jnp.exp(-x))


def _merge_top16(ka, va, kb, vb):
    gt = ka > kb
    eq = ka == kb
    km = jnp.maximum(ka, kb)
    vm = jnp.where(gt, va, vb)
    vm = jnp.where(eq, jnp.minimum(va, vb), vm)
    return km, vm


def _routing_body(logits_hbm, bias_hbm, idx_hbm, w_hbm,
                  slab, skew, bias_v, idx_tm, w_tm, idx_st, w_st, dsem, osem):
    wid = lax.axis_index("s") * _NC + lax.axis_index("c")

    copies = []
    for et in range(_E // 8):
        copies.append(pltpu.async_copy(
            logits_hbm.at[pl.ds(et * (_T * 8) + wid * (_BPW * 1024),
                                _BPW * 1024)],
            slab.at[pl.ds(et * (_BPW * 1024), _BPW * 1024)], dsem))
    pltpu.sync_copy(bias_hbm, bias_v)
    for c in copies:
        c.wait()

    lane = lax.iota(jnp.int32, _L)
    low8 = lane < _TOPK
    bias_r = [bias_v[pl.ds(j * _L, _L)] for j in range(_E // _L)]
    vids = [lane + j * _L for j in range(_E // _L)]

    def relayout(i):
        r = i >> 3
        ec = jnp.bitwise_and(i, 7) * 8
        tv = r * _L + lane
        tv64 = tv * _E
        srow = ((r >> 3) << 10) + ((r & 7) << 4)
        tvm = tv + ec
        for k in range(8):
            src = ec * (_BPW * 128) + k * 128 + srow
            x = slab[pl.ds(src, _L)]
            addr = tv64 + jnp.bitwise_and(tvm + k, _E - 1)
            plsc.store_scatter(skew, [addr], x)

    plsc.parallel_loop(0, (_TPW // _L) * 8, 1, unroll=4)(relayout)

    def body(t):
        t64v = jnp.full((_L,), t * _E, dtype=jnp.int32)
        lt = lane + t
        sorted_kv = []
        for j in range(_E // _L):
            gaddr = t64v + jnp.bitwise_and(lt + j * _L, _E - 1)
            x = plsc.load_gather(skew, [gaddr])
            k = _sigmoid(x) + bias_r[j]
            sorted_kv.append(
                plsc.sort_key_val(k, vids[j], descending=(j % 2 == 0)))
        k01, v01 = _merge_top16(sorted_kv[0][0], sorted_kv[0][1],
                                sorted_kv[1][0], sorted_kv[1][1])
        k23, v23 = _merge_top16(sorted_kv[2][0], sorted_kv[2][1],
                                sorted_kv[3][0], sorted_kv[3][1])
        k01, v01 = plsc.sort_key_val(k01, v01, descending=True)
        k23, v23 = plsc.sort_key_val(k23, v23, descending=False)
        kt, vt = _merge_top16(k01, v01, k23, v23)
        _, top_ids = plsc.sort_key_val(kt, vt, descending=True)

        gaddr = t64v + jnp.bitwise_and(top_ids + t, _E - 1)
        xg = plsc.load_gather(skew, [gaddr])
        sg = jnp.where(low8, _sigmoid(xg), 0.0)
        total = jnp.broadcast_to(jnp.sum(sg), (_L,)) + 1e-20
        w = sg / total

        out_pos = t * _TOPK + jnp.bitwise_and(lane + t, _TOPK - 1)
        plsc.store_scatter(idx_tm, [out_pos], top_ids, mask=low8)
        plsc.store_scatter(w_tm, [out_pos], w, mask=low8)

    plsc.parallel_loop(0, _TPW, 1, unroll=4)(body)

    def unstage(r):
        t0 = r * _L
        tv = t0 + lane
        tv8 = tv * _TOPK
        drow = ((r >> 3) << 10) + ((r & 7) << 4)
        for k in range(_TOPK):
            src = tv8 + jnp.bitwise_and(tv + k, _TOPK - 1)
            iv = plsc.load_gather(idx_tm, [src])
            wv = plsc.load_gather(w_tm, [src])
            idx_st[pl.ds(k * 128 + drow, _L)] = iv
            w_st[pl.ds(k * 128 + drow, _L)] = wv

    plsc.parallel_loop(0, _TPW // _L, 1, unroll=4)(unstage)

    oc1 = pltpu.async_copy(
        idx_st, idx_hbm.at[pl.ds(wid * (_BPW * 1024), _BPW * 1024)], osem)
    oc2 = pltpu.async_copy(
        w_st, w_hbm.at[pl.ds(wid * (_BPW * 1024), _BPW * 1024)], osem)
    oc1.wait()
    oc2.wait()


@jax.jit
def kernel(router_logits, e_score_correction_bias):
    routing = functools.partial(
        pl.kernel,
        out_type=(
            jax.ShapeDtypeStruct((_T * _TOPK,), jnp.int32),
            jax.ShapeDtypeStruct((_T * _TOPK,), jnp.float32),
        ),
        mesh=plsc.VectorSubcoreMesh(
            core_axis_name="c", subcore_axis_name="s",
            num_cores=_NC, num_subcores=_NS),
        scratch_types=[
            pltpu.VMEM((_SLAB,), jnp.float32),
            pltpu.VMEM((_SLAB,), jnp.float32),
            pltpu.VMEM((_E,), jnp.float32),
            pltpu.VMEM((_TPW * _TOPK,), jnp.int32),
            pltpu.VMEM((_TPW * _TOPK,), jnp.float32),
            pltpu.VMEM((_BPW * 1024,), jnp.int32),
            pltpu.VMEM((_BPW * 1024,), jnp.float32),
            pltpu.SemaphoreType.DMA,
            pltpu.SemaphoreType.DMA,
        ],
        compiler_params=pltpu.CompilerParams(needs_layout_passes=False),
    )(_routing_body)
    xl = (router_logits.T.reshape(8, 8, 128, 128)
          .transpose(0, 2, 1, 3).reshape(_T * _E))
    idx_flat, w_flat = routing(xl, e_score_correction_bias)
    idx2d = idx_flat.reshape(128, 8, 128).transpose(1, 0, 2).reshape(8, _T).T
    w2d = w_flat.reshape(128, 8, 128).transpose(1, 0, 2).reshape(8, _T).T
    return (idx2d, w2d)

# --- scband reference (transcript-rebuilt; emitter-appended) ---
"""Pipeline reference for scband-mini-max-m2-moe-routing-method-66340064854662 (READ-ONLY COPY).

The authoritative reference and input builder live on the scoring server;
editing this copy changes nothing except your own understanding.
"""

import jax, jax.numpy as jnp
import numpy as np

TOP_K = 8
NUM_EXPERTS = 64
NUM_TOKENS = 16384


def setup_inputs(seed: int = 0) -> dict:
    key = jax.random.key(seed)
    k1, k2 = jax.random.split(key)
    router_logits = jax.random.normal(k1, (NUM_TOKENS, NUM_EXPERTS), dtype=jnp.float32)
    # learned correction bias (returned by callable_e_score_correction_bias in torch)
    e_score_correction_bias = jax.random.normal(k2, (NUM_EXPERTS,), dtype=jnp.float32) * 0.02
    return {"router_logits": router_logits, "e_score_correction_bias": e_score_correction_bias}


def reference(router_logits, e_score_correction_bias):
    # get_scores
    scores = jax.nn.sigmoid(router_logits)
    scores_with_bias = scores + e_score_correction_bias
    # topk on biased scores (sorted=False in torch; order does not affect semantics)
    _, topk_idx = jax.lax.top_k(scores_with_bias, TOP_K)
    # gather unbiased scores at selected experts
    top_k_weights = jnp.take_along_axis(scores, topk_idx, axis=1)
    # renormalize
    top_k_weights = top_k_weights / (jnp.sum(top_k_weights, axis=-1, keepdims=True) + 1e-20)
    return (topk_idx.astype(jnp.int32), top_k_weights.astype(jnp.float32))

if __name__ == "__main__":
    import jax
    _d = setup_inputs()
    print(jax.jit(kernel)(*tuple(_d.values())))

</pallas_src>

<mosaic_0001>
#map = affine_map<(d0, d1) -> (0)>
module attributes {stable_mosaic.version = 14 : i64} {
  func.func @_routing_body(%arg0: i32, %arg1: i32, %arg2: memref<1048576xf32, #tpu.memory_space<hbm>>, %arg3: memref<64xf32, #tpu.memory_space<hbm>>, %arg4: memref<131072xi32, #tpu.memory_space<hbm>>, %arg5: memref<131072xf32, #tpu.memory_space<hbm>>, %arg6: memref<32768xf32, #tpu.memory_space<vmem>>, %arg7: memref<32768xf32, #tpu.memory_space<vmem>>, %arg8: memref<64xf32, #tpu.memory_space<vmem>>, %arg9: memref<4096xi32, #tpu.memory_space<vmem>>, %arg10: memref<4096xf32, #tpu.memory_space<vmem>>, %arg11: memref<4096xi32, #tpu.memory_space<vmem>>, %arg12: memref<4096xf32, #tpu.memory_space<vmem>>, %arg13: memref<!tpu.dma_semaphore, #tpu.memory_space<semaphore_mem>>, %arg14: memref<!tpu.dma_semaphore, #tpu.memory_space<semaphore_mem>>) attributes {dimension_semantics = [#tpu.dimension_semantics<core_parallel>, #tpu.dimension_semantics<subcore_parallel>], iteration_bounds = array<i64: 2, 16>, scalar_prefetch = 0 : i64, scratch_operands = 9 : i64, tpu.core_type = #tpu.core_type<sc_vector_subcore>, window_params = [{transform_indices = #map}, {transform_indices = #map}, {transform_indices = #map}, {transform_indices = #map}]} {
    %mul3A = arith.constant 2 : i32
    %mul3A_0 = arith.muli %arg1, %mul3A : i32
    %add3A = arith.addi %mul3A_0, %arg0 : i32
    %mul3A_1 = arith.constant 4096 : i32
    %mul3A_2 = arith.muli %add3A, %mul3A_1 : i32
    %add3A_3 = arith.constant 0 : i32
    %add3A_4 = arith.addi %add3A_3, %mul3A_2 : i32
    %dma_start3A = arith.constant 0 : i32
    %dma_start3A_5 = tpu.memref_slice %arg6[%dma_start3A] : memref<32768xf32, #tpu.memory_space<vmem>> -> memref<4096xf32, #tpu.memory_space<vmem>>
    %dma_start3A_6 = tpu.memref_slice %arg2[%add3A_4] : memref<1048576xf32, #tpu.memory_space<hbm>> -> memref<4096xf32, #tpu.memory_space<hbm>>
    %dma_start3A_7 = arith.constant 0 : i32
    %dma_start3A_8 = tpu.memref_slice %arg6[%dma_start3A_7] : memref<32768xf32, #tpu.memory_space<vmem>> -> memref<4096xf32, #tpu.memory_space<vmem>>
    %dma_start3A_9 = tpu.memref_slice %arg2[%add3A_4] : memref<1048576xf32, #tpu.memory_space<hbm>> -> memref<4096xf32, #tpu.memory_space<hbm>>
    tpu.enqueue_dma source(%dma_start3A_9 : memref<4096xf32, #tpu.memory_space<hbm>>) target(%dma_start3A_8 : memref<4096xf32, #tpu.memory_space<vmem>>) target_semaphore(%arg13 : memref<!tpu.dma_semaphore, #tpu.memory_space<semaphore_mem>>)
    %mul3A_10 = arith.constant 4096 : i32
    %mul3A_11 = arith.muli %add3A, %mul3A_10 : i32
    %add3A_12 = arith.constant 131072 : i32
    %add3A_13 = arith.addi %add3A_12, %mul3A_11 : i32
    %dma_start3A_14 = arith.constant 4096 : i32
    %dma_start3A_15 = tpu.memref_slice %arg6[%dma_start3A_14] : memref<32768xf32, #tpu.memory_space<vmem>> -> memref<4096xf32, #tpu.memory_space<vmem>>
    %dma_start3A_16 = tpu.memref_slice %arg2[%add3A_13] : memref<1048576xf32, #tpu.memory_space<hbm>> -> memref<4096xf32, #tpu.memory_space<hbm>>
    %dma_start3A_17 = arith.constant 4096 : i32
    %dma_start3A_18 = tpu.memref_slice %arg6[%dma_start3A_17] : memref<32768xf32, #tpu.memory_space<vmem>> -> memref<4096xf32, #tpu.memory_space<vmem>>
    %dma_start3A_19 = tpu.memref_slice %arg2[%add3A_13] : memref<1048576xf32, #tpu.memory_space<hbm>> -> memref<4096xf32, #tpu.memory_space<hbm>>
    tpu.enqueue_dma source(%dma_start3A_19 : memref<4096xf32, #tpu.memory_space<hbm>>) target(%dma_start3A_18 : memref<4096xf32, #tpu.memory_space<vmem>>) target_semaphore(%arg13 : memref<!tpu.dma_semaphore, #tpu.memory_space<semaphore_mem>>)
    %mul3A_20 = arith.constant 4096 : i32
    %mul3A_21 = arith.muli %add3A, %mul3A_20 : i32
    %add3A_22 = arith.constant 262144 : i32
    %add3A_23 = arith.addi %add3A_22, %mul3A_21 : i32
    %dma_start3A_24 = arith.constant 8192 : i32
    %dma_start3A_25 = tpu.memref_slice %arg6[%dma_start3A_24] : memref<32768xf32, #tpu.memory_space<vmem>> -> memref<4096xf32, #tpu.memory_space<vmem>>
    %dma_start3A_26 = tpu.memref_slice %arg2[%add3A_23] : memref<1048576xf32, #tpu.memory_space<hbm>> -> memref<4096xf32, #tpu.memory_space<hbm>>
    %dma_start3A_27 = arith.constant 8192 : i32
    %dma_start3A_28 = tpu.memref_slice %arg6[%dma_start3A_27] : memref<32768xf32, #tpu.memory_space<vmem>> -> memref<4096xf32, #tpu.memory_space<vmem>>
    %dma_start3A_29 = tpu.memref_slice %arg2[%add3A_23] : memref<1048576xf32, #tpu.memory_space<hbm>> -> memref<4096xf32, #tpu.memory_space<hbm>>
    tpu.enqueue_dma source(%dma_start3A_29 : memref<4096xf32, #tpu.memory_space<hbm>>) target(%dma_start3A_28 : memref<4096xf32, #tpu.memory_space<vmem>>) target_semaphore(%arg13 : memref<!tpu.dma_semaphore, #tpu.memory_space<semaphore_mem>>)
    %mul3A_30 = arith.constant 4096 : i32
    %mul3A_31 = arith.muli %add3A, %mul3A_30 : i32
    %add3A_32 = arith.constant 393216 : i32
    %add3A_33 = arith.addi %add3A_32, %mul3A_31 : i32
    %dma_start3A_34 = arith.constant 12288 : i32
    %dma_start3A_35 = tpu.memref_slice %arg6[%dma_start3A_34] : memref<32768xf32, #tpu.memory_space<vmem>> -> memref<4096xf32, #tpu.memory_space<vmem>>
    %dma_start3A_36 = tpu.memref_slice %arg2[%add3A_33] : memref<1048576xf32, #tpu.memory_space<hbm>> -> memref<4096xf32, #tpu.memory_space<hbm>>
    %dma_start3A_37 = arith.constant 12288 : i32
    %dma_start3A_38 = tpu.memref_slice %arg6[%dma_start3A_37] : memref<32768xf32, #tpu.memory_space<vmem>> -> memref<4096xf32, #tpu.memory_space<vmem>>
    %dma_start3A_39 = tpu.memref_slice %arg2[%add3A_33] : memref<1048576xf32, #tpu.memory_space<hbm>> -> memref<4096xf32, #tpu.memory_space<hbm>>
    tpu.enqueue_dma source(%dma_start3A_39 : memref<4096xf32, #tpu.memory_space<hbm>>) target(%dma_start3A_38 : memref<4096xf32, #tpu.memory_space<vmem>>) target_semaphore(%arg13 : memref<!tpu.dma_semaphore, #tpu.memory_space<semaphore_mem>>)
    %mul3A_40 = arith.constant 4096 : i32
    %mul3A_41 = arith.muli %add3A, %mul3A_40 : i32
    %add3A_42 = arith.constant 524288 : i32
    %add3A_43 = arith.addi %add3A_42, %mul3A_41 : i32
    %dma_start3A_44 = arith.constant 16384 : i32
    %dma_start3A_45 = tpu.memref_slice %arg6[%dma_start3A_44] : memref<32768xf32, #tpu.memory_space<vmem>> -> memref<4096xf32, #tpu.memory_space<vmem>>
    %dma_start3A_46 = tpu.memref_slice %arg2[%add3A_43] : memref<1048576xf32, #tpu.memory_space<hbm>> -> memref<4096xf32, #tpu.memory_space<hbm>>
    %dma_start3A_47 = arith.constant 16384 : i32
    %dma_start3A_48 = tpu.memref_slice %arg6[%dma_start3A_47] : memref<32768xf32, #tpu.memory_space<vmem>> -> memref<4096xf32, #tpu.memory_space<vmem>>
    %dma_start3A_49 = tpu.memref_slice %arg2[%add3A_43] : memref<1048576xf32, #tpu.memory_space<hbm>> -> memref<4096xf32, #tpu.memory_space<hbm>>
    tpu.enqueue_dma source(%dma_start3A_49 : memref<4096xf32, #tpu.memory_space<hbm>>) target(%dma_start3A_48 : memref<4096xf32, #tpu.memory_space<vmem>>) target_semaphore(%arg13 : memref<!tpu.dma_semaphore, #tpu.memory_space<semaphore_mem>>)
    %mul3A_50 = arith.constant 4096 : i32
    %mul3A_51 = arith.muli %add3A, %mul3A_50 : i32
    %add3A_52 = arith.constant 655360 : i32
    %add3A_53 = arith.addi %add3A_52, %mul3A_51 : i32
    %dma_start3A_54 = arith.constant 20480 : i32
    %dma_start3A_55 = tpu.memref_slice %arg6[%dma_start3A_54] : memref<32768xf32, #tpu.memory_space<vmem>> -> memref<4096xf32, #tpu.memory_space<vmem>>
    %dma_start3A_56 = tpu.memref_slice %arg2[%add3A_53] : memref<1048576xf32, #tpu.memory_space<hbm>> -> memref<4096xf32, #tpu.memory_space<hbm>>
    %dma_start3A_57 = arith.constant 20480 : i32
    %dma_start3A_58 = tpu.memref_slice %arg6[%dma_start3A_57] : memref<32768xf32, #tpu.memory_space<vmem>> -> memref<4096xf32, #tpu.memory_space<vmem>>
    %dma_start3A_59 = tpu.memref_slice %arg2[%add3A_53] : memref<1048576xf32, #tpu.memory_space<hbm>> -> memref<4096xf32, #tpu.memory_space<hbm>>
    tpu.enqueue_dma source(%dma_start3A_59 : memref<4096xf32, #tpu.memory_space<hbm>>) target(%dma_start3A_58 : memref<4096xf32, #tpu.memory_space<vmem>>) target_semaphore(%arg13 : memref<!tpu.dma_semaphore, #tpu.memory_space<semaphore_mem>>)
    %mul3A_60 = arith.constant 4096 : i32
    %mul3A_61 = arith.muli %add3A, %mul3A_60 : i32
    %add3A_62 = arith.constant 786432 : i32
    %add3A_63 = arith.addi %add3A_62, %mul3A_61 : i32
    %dma_start3A_64 = arith.constant 24576 : i32
    %dma_start3A_65 = tpu.memref_slice %arg6[%dma_start3A_64] : memref<32768xf32, #tpu.memory_space<vmem>> -> memref<4096xf32, #tpu.memory_space<vmem>>
    %dma_start3A_66 = tpu.memref_slice %arg2[%add3A_63] : memref<1048576xf32, #tpu.memory_space<hbm>> -> memref<4096xf32, #tpu.memory_space<hbm>>
    %dma_start3A_67 = arith.constant 24576 : i32
    %dma_start3A_68 = tpu.memref_slice %arg6[%dma_start3A_67] : memref<32768xf32, #tpu.memory_space<vmem>> -> memref<4096xf32, #tpu.memory_space<vmem>>
    %dma_start3A_69 = tpu.memref_slice %arg2[%add3A_63] : memref<1048576xf32, #tpu.memory_space<hbm>> -> memref<4096xf32, #tpu.memory_space<hbm>>
    tpu.enqueue_dma source(%dma_start3A_69 : memref<4096xf32, #tpu.memory_space<hbm>>) target(%dma_start3A_68 : memref<4096xf32, #tpu.memory_space<vmem>>) target_semaphore(%arg13 : memref<!tpu.dma_semaphore, #tpu.memory_space<semaphore_mem>>)
    %mul3A_70 = arith.constant 4096 : i32
    %mul3A_71 = arith.muli %add3A, %mul3A_70 : i32
    %add3A_72 = arith.constant 917504 : i32
    %add3A_73 = arith.addi %add3A_72, %mul3A_71 : i32
    %dma_start3A_74 = arith.constant 28672 : i32
    %dma_start3A_75 = tpu.memref_slice %arg6[%dma_start3A_74] : memref<32768xf32, #tpu.memory_space<vmem>> -> memref<4096xf32, #tpu.memory_space<vmem>>
    %dma_start3A_76 = tpu.memref_slice %arg2[%add3A_73] : memref<1048576xf32, #tpu.memory_space<hbm>> -> memref<4096xf32, #tpu.memory_space<hbm>>
    %dma_start3A_77 = arith.constant 28672 : i32
    %dma_start3A_78 = tpu.memref_slice %arg6[%dma_start3A_77] : memref<32768xf32, #tpu.memory_space<vmem>> -> memref<4096xf32, #tpu.memory_space<vmem>>
    %dma_start3A_79 = tpu.memref_slice %arg2[%add3A_73] : memref<1048576xf32, #tpu.memory_space<hbm>> -> memref<4096xf32, #tpu.memory_space<hbm>>
    tpu.enqueue_dma source(%dma_start3A_79 : memref<4096xf32, #tpu.memory_space<hbm>>) target(%dma_start3A_78 : memref<4096xf32, #tpu.memory_space<vmem>>) target_semaphore(%arg13 : memref<!tpu.dma_semaphore, #tpu.memory_space<semaphore_mem>>)
    "tpu.region"() ({
      %run_scoped3A = tpu.sem_alloc : memref<!tpu.dma_semaphore, #tpu.memory_space<semaphore_mem>>
      tpu.enqueue_dma source(%arg3 : memref<64xf32, #tpu.memory_space<hbm>>) target(%arg8 : memref<64xf32, #tpu.memory_space<vmem>>) target_semaphore(%run_scoped3A : memref<!tpu.dma_semaphore, #tpu.memory_space<semaphore_mem>>)
      tpu.wait_dma2 semaphore(%run_scoped3A : memref<!tpu.dma_semaphore, #tpu.memory_space<semaphore_mem>>) src(%arg3 : memref<64xf32, #tpu.memory_space<hbm>>) dst(%arg8 : memref<64xf32, #tpu.memory_space<vmem>>)
      tpu.yield
    }) : () -> ()
    %dma_wait3A = arith.constant 0 : i32
    %dma_wait3A_80 = tpu.memref_slice %arg6[%dma_wait3A] : memref<32768xf32, #tpu.memory_space<vmem>> -> memref<4096xf32, #tpu.memory_space<vmem>>
    %dma_wait3A_81 = tpu.memref_slice %arg2[%add3A_4] : memref<1048576xf32, #tpu.memory_space<hbm>> -> memref<4096xf32, #tpu.memory_space<hbm>>
    %dma_wait3A_82 = arith.constant 0 : i32
    %dma_wait3A_83 = tpu.memref_slice %arg6[%dma_wait3A_82] : memref<32768xf32, #tpu.memory_space<vmem>> -> memref<4096xf32, #tpu.memory_space<vmem>>
    %dma_wait3A_84 = tpu.memref_slice %arg2[%add3A_4] : memref<1048576xf32, #tpu.memory_space<hbm>> -> memref<4096xf32, #tpu.memory_space<hbm>>
    tpu.wait_dma2 semaphore(%arg13 : memref<!tpu.dma_semaphore, #tpu.memory_space<semaphore_mem>>) src(%dma_wait3A_84 : memref<4096xf32, #tpu.memory_space<hbm>>) dst(%dma_wait3A_83 : memref<4096xf32, #tpu.memory_space<vmem>>)
    %dma_wait3A_85 = arith.constant 4096 : i32
    %dma_wait3A_86 = tpu.memref_slice %arg6[%dma_wait3A_85] : memref<32768xf32, #tpu.memory_space<vmem>> -> memref<4096xf32, #tpu.memory_space<vmem>>
    %dma_wait3A_87 = tpu.memref_slice %arg2[%add3A_13] : memref<1048576xf32, #tpu.memory_space<hbm>> -> memref<4096xf32, #tpu.memory_space<hbm>>
    %dma_wait3A_88 = arith.constant 4096 : i32
    %dma_wait3A_89 = tpu.memref_slice %arg6[%dma_wait3A_88] : memref<32768xf32, #tpu.memory_space<vmem>> -> memref<4096xf32, #tpu.memory_space<vmem>>
    %dma_wait3A_90 = tpu.memref_slice %arg2[%add3A_13] : memref<1048576xf32, #tpu.memory_space<hbm>> -> memref<4096xf32, #tpu.memory_space<hbm>>
    tpu.wait_dma2 semaphore(%arg13 : memref<!tpu.dma_semaphore, #tpu.memory_space<semaphore_mem>>) src(%dma_wait3A_90 : memref<4096xf32, #tpu.memory_space<hbm>>) dst(%dma_wait3A_89 : memref<4096xf32, #tpu.memory_space<vmem>>)
    %dma_wait3A_91 = arith.constant 8192 : i32
    %dma_wait3A_92 = tpu.memref_slice %arg6[%dma_wait3A_91] : memref<32768xf32, #tpu.memory_space<vmem>> -> memref<4096xf32, #tpu.memory_space<vmem>>
    %dma_wait3A_93 = tpu.memref_slice %arg2[%add3A_23] : memref<1048576xf32, #tpu.memory_space<hbm>> -> memref<4096xf32, #tpu.memory_space<hbm>>
    %dma_wait3A_94 = arith.constant 8192 : i32
    %dma_wait3A_95 = tpu.memref_slice %arg6[%dma_wait3A_94] : memref<32768xf32, #tpu.memory_space<vmem>> -> memref<4096xf32, #tpu.memory_space<vmem>>
    %dma_wait3A_96 = tpu.memref_slice %arg2[%add3A_23] : memref<1048576xf32, #tpu.memory_space<hbm>> -> memref<4096xf32, #tpu.memory_space<hbm>>
    tpu.wait_dma2 semaphore(%arg13 : memref<!tpu.dma_semaphore, #tpu.memory_space<semaphore_mem>>) src(%dma_wait3A_96 : memref<4096xf32, #tpu.memory_space<hbm>>) dst(%dma_wait3A_95 : memref<4096xf32, #tpu.memory_space<vmem>>)
    %dma_wait3A_97 = arith.constant 12288 : i32
    %dma_wait3A_98 = tpu.memref_slice %arg6[%dma_wait3A_97] : memref<32768xf32, #tpu.memory_space<vmem>> -> memref<4096xf32, #tpu.memory_space<vmem>>
    %dma_wait3A_99 = tpu.memref_slice %arg2[%add3A_33] : memref<1048576xf32, #tpu.memory_space<hbm>> -> memref<4096xf32, #tpu.memory_space<hbm>>
    %dma_wait3A_100 = arith.constant 12288 : i32
    %dma_wait3A_101 = tpu.memref_slice %arg6[%dma_wait3A_100] : memref<32768xf32, #tpu.memory_space<vmem>> -> memref<4096xf32, #tpu.memory_space<vmem>>
    %dma_wait3A_102 = tpu.memref_slice %arg2[%add3A_33] : memref<1048576xf32, #tpu.memory_space<hbm>> -> memref<4096xf32, #tpu.memory_space<hbm>>
    tpu.wait_dma2 semaphore(%arg13 : memref<!tpu.dma_semaphore, #tpu.memory_space<semaphore_mem>>) src(%dma_wait3A_102 : memref<4096xf32, #tpu.memory_space<hbm>>) dst(%dma_wait3A_101 : memref<4096xf32, #tpu.memory_space<vmem>>)
    %dma_wait3A_103 = arith.constant 16384 : i32
    %dma_wait3A_104 = tpu.memref_slice %arg6[%dma_wait3A_103] : memref<32768xf32, #tpu.memory_space<vmem>> -> memref<4096xf32, #tpu.memory_space<vmem>>
    %dma_wait3A_105 = tpu.memref_slice %arg2[%add3A_43] : memref<1048576xf32, #tpu.memory_space<hbm>> -> memref<4096xf32, #tpu.memory_space<hbm>>
    %dma_wait3A_106 = arith.constant 16384 : i32
    %dma_wait3A_107 = tpu.memref_slice %arg6[%dma_wait3A_106] : memref<32768xf32, #tpu.memory_space<vmem>> -> memref<4096xf32, #tpu.memory_space<vmem>>
    %dma_wait3A_108 = tpu.memref_slice %arg2[%add3A_43] : memref<1048576xf32, #tpu.memory_space<hbm>> -> memref<4096xf32, #tpu.memory_space<hbm>>
    tpu.wait_dma2 semaphore(%arg13 : memref<!tpu.dma_semaphore, #tpu.memory_space<semaphore_mem>>) src(%dma_wait3A_108 : memref<4096xf32, #tpu.memory_space<hbm>>) dst(%dma_wait3A_107 : memref<4096xf32, #tpu.memory_space<vmem>>)
    %dma_wait3A_109 = arith.constant 20480 : i32
    %dma_wait3A_110 = tpu.memref_slice %arg6[%dma_wait3A_109] : memref<32768xf32, #tpu.memory_space<vmem>> -> memref<4096xf32, #tpu.memory_space<vmem>>
    %dma_wait3A_111 = tpu.memref_slice %arg2[%add3A_53] : memref<1048576xf32, #tpu.memory_space<hbm>> -> memref<4096xf32, #tpu.memory_space<hbm>>
    %dma_wait3A_112 = arith.constant 20480 : i32
    %dma_wait3A_113 = tpu.memref_slice %arg6[%dma_wait3A_112] : memref<32768xf32, #tpu.memory_space<vmem>> -> memref<4096xf32, #tpu.memory_space<vmem>>
    %dma_wait3A_114 = tpu.memref_slice %arg2[%add3A_53] : memref<1048576xf32, #tpu.memory_space<hbm>> -> memref<4096xf32, #tpu.memory_space<hbm>>
    tpu.wait_dma2 semaphore(%arg13 : memref<!tpu.dma_semaphore, #tpu.memory_space<semaphore_mem>>) src(%dma_wait3A_114 : memref<4096xf32, #tpu.memory_space<hbm>>) dst(%dma_wait3A_113 : memref<4096xf32, #tpu.memory_space<vmem>>)
    %dma_wait3A_115 = arith.constant 24576 : i32
    %dma_wait3A_116 = tpu.memref_slice %arg6[%dma_wait3A_115] : memref<32768xf32, #tpu.memory_space<vmem>> -> memref<4096xf32, #tpu.memory_space<vmem>>
    %dma_wait3A_117 = tpu.memref_slice %arg2[%add3A_63] : memref<1048576xf32, #tpu.memory_space<hbm>> -> memref<4096xf32, #tpu.memory_space<hbm>>
    %dma_wait3A_118 = arith.constant 24576 : i32
    %dma_wait3A_119 = tpu.memref_slice %arg6[%dma_wait3A_118] : memref<32768xf32, #tpu.memory_space<vmem>> -> memref<4096xf32, #tpu.memory_space<vmem>>
    %dma_wait3A_120 = tpu.memref_slice %arg2[%add3A_63] : memref<1048576xf32, #tpu.memory_space<hbm>> -> memref<4096xf32, #tpu.memory_space<hbm>>
    tpu.wait_dma2 semaphore(%arg13 : memref<!tpu.dma_semaphore, #tpu.memory_space<semaphore_mem>>) src(%dma_wait3A_120 : memref<4096xf32, #tpu.memory_space<hbm>>) dst(%dma_wait3A_119 : memref<4096xf32, #tpu.memory_space<vmem>>)
    %dma_wait3A_121 = arith.constant 28672 : i32
    %dma_wait3A_122 = tpu.memref_slice %arg6[%dma_wait3A_121] : memref<32768xf32, #tpu.memory_space<vmem>> -> memref<4096xf32, #tpu.memory_space<vmem>>
    %dma_wait3A_123 = tpu.memref_slice %arg2[%add3A_73] : memref<1048576xf32, #tpu.memory_space<hbm>> -> memref<4096xf32, #tpu.memory_space<hbm>>
    %dma_wait3A_124 = arith.constant 28672 : i32
    %dma_wait3A_125 = tpu.memref_slice %arg6[%dma_wait3A_124] : memref<32768xf32, #tpu.memory_space<vmem>> -> memref<4096xf32, #tpu.memory_space<vmem>>
    %dma_wait3A_126 = tpu.memref_slice %arg2[%add3A_73] : memref<1048576xf32, #tpu.memory_space<hbm>> -> memref<4096xf32, #tpu.memory_space<hbm>>
    tpu.wait_dma2 semaphore(%arg13 : memref<!tpu.dma_semaphore, #tpu.memory_space<semaphore_mem>>) src(%dma_wait3A_126 : memref<4096xf32, #tpu.memory_space<hbm>>) dst(%dma_wait3A_125 : memref<4096xf32, #tpu.memory_space<vmem>>)
    %iota3A = tpu.iota {dimensions = array<i32: 0>} : vector<16xi32>
    %lt3A = arith.constant 8 : i32
    %lt3A_127 = vector.broadcast %lt3A : i32 to vector<16xi32>
    %lt3A_128 = arith.cmpi slt, %iota3A, %lt3A_127 : vector<16xi32>
    %get3A = arith.constant 0 : index
    %get3A_129 = tpu.vector_load %arg8[%get3A] {strides = array<i32>} : memref<64xf32, #tpu.memory_space<vmem>>, vector<16xf32>,
    %get3A_130 = arith.constant 16 : index
    %get3A_131 = tpu.vector_load %arg8[%get3A_130] {strides = array<i32>} : memref<64xf32, #tpu.memory_space<vmem>>, vector<16xf32>,
    %get3A_132 = arith.constant 32 : index
    %get3A_133 = tpu.vector_load %arg8[%get3A_132] {strides = array<i32>} : memref<64xf32, #tpu.memory_space<vmem>>, vector<16xf32>,
    %get3A_134 = arith.constant 48 : index
    %get3A_135 = tpu.vector_load %arg8[%get3A_134] {strides = array<i32>} : memref<64xf32, #tpu.memory_space<vmem>>, vector<16xf32>,
    %add3A_136 = arith.constant 0 : i32
    %add3A_137 = vector.broadcast %add3A_136 : i32 to vector<16xi32>
    %add3A_138 = arith.addi %iota3A, %add3A_137 : vector<16xi32>
    %add3A_139 = arith.constant 16 : i32
    %add3A_140 = vector.broadcast %add3A_139 : i32 to vector<16xi32>
    %add3A_141 = arith.addi %iota3A, %add3A_140 : vector<16xi32>
    %add3A_142 = arith.constant 32 : i32
    %add3A_143 = vector.broadcast %add3A_142 : i32 to vector<16xi32>
    %add3A_144 = arith.addi %iota3A, %add3A_143 : vector<16xi32>
    %add3A_145 = arith.constant 48 : i32
    %add3A_146 = vector.broadcast %add3A_145 : i32 to vector<16xi32>
    %add3A_147 = arith.addi %iota3A, %add3A_146 : vector<16xi32>
    %parallel_loop3A = arith.constant 0 : i32
    %parallel_loop3A_148 = arith.constant 256 : i32
    %parallel_loop3A_149 = arith.constant 1 : i32
    scf.for %parallel_loop3A_168 = %parallel_loop3A to %parallel_loop3A_148 step %parallel_loop3A_149  : i32 {
      %parallel_loop3A_169 = arith.constant 3 : i32
      %parallel_loop3A_170 = arith.shrsi %parallel_loop3A_168, %parallel_loop3A_169 : i32
      %parallel_loop3A_171 = arith.constant 7 : i32
      %parallel_loop3A_172 = arith.andi %parallel_loop3A_168, %parallel_loop3A_171 : i32
      %parallel_loop3A_173 = arith.constant 8 : i32
      %parallel_loop3A_174 = arith.muli %parallel_loop3A_172, %parallel_loop3A_173 : i32
      %parallel_loop3A_175 = arith.constant 16 : i32
      %parallel_loop3A_176 = arith.muli %parallel_loop3A_170, %parallel_loop3A_175 : i32
      %parallel_loop3A_177 = vector.broadcast %parallel_loop3A_176 : i32 to vector<16xi32>
      %parallel_loop3A_178 = arith.addi %parallel_loop3A_177, %iota3A : vector<16xi32>
      %parallel_loop3A_179 = arith.constant 64 : i32
      %parallel_loop3A_180 = vector.broadcast %parallel_loop3A_179 : i32 to vector<16xi32>
      %parallel_loop3A_181 = arith.muli %parallel_loop3A_178, %parallel_loop3A_180 : vector<16xi32>
      %parallel_loop3A_182 = arith.constant 3 : i32
      %parallel_loop3A_183 = arith.shrsi %parallel_loop3A_170, %parallel_loop3A_182 : i32
      %parallel_loop3A_184 = arith.constant 10 : i32
      %parallel_loop3A_185 = arith.shli %parallel_loop3A_183, %parallel_loop3A_184 : i32
      %parallel_loop3A_186 = arith.constant 7 : i32
      %parallel_loop3A_187 = arith.andi %parallel_loop3A_170, %parallel_loop3A_186 : i32
      %parallel_loop3A_188 = arith.constant 4 : i32
      %parallel_loop3A_189 = arith.shli %parallel_loop3A_187, %parallel_loop3A_188 : i32
      %parallel_loop3A_190 = arith.addi %parallel_loop3A_185, %parallel_loop3A_189 : i32
      %parallel_loop3A_191 = vector.broadcast %parallel_loop3A_174 : i32 to vector<16xi32>
      %parallel_loop3A_192 = arith.addi %parallel_loop3A_178, %parallel_loop3A_191 : vector<16xi32>
      %parallel_loop3A_193 = arith.constant 512 : i32
      %parallel_loop3A_194 = arith.muli %parallel_loop3A_174, %parallel_loop3A_193 : i32
      %parallel_loop3A_195 = arith.constant 0 : i32
      %parallel_loop3A_196 = arith.addi %parallel_loop3A_194, %parallel_loop3A_195 : i32
      %parallel_loop3A_197 = arith.addi %parallel_loop3A_196, %parallel_loop3A_190 : i32
      %parallel_loop3A_198 = arith.index_cast %parallel_loop3A_197 : i32 to index
      %parallel_loop3A_199 = tpu.vector_load %arg6[%parallel_loop3A_198] {strides = array<i32>} : memref<32768xf32, #tpu.memory_space<vmem>>, vector<16xf32>,
      %parallel_loop3A_200 = arith.constant 0 : i32
      %parallel_loop3A_201 = vector.broadcast %parallel_loop3A_200 : i32 to vector<16xi32>
      %parallel_loop3A_202 = arith.addi %parallel_loop3A_192, %parallel_loop3A_201 : vector<16xi32>
      %parallel_loop3A_203 = arith.constant 63 : i32
      %parallel_loop3A_204 = vector.broadcast %parallel_loop3A_203 : i32 to vector<16xi32>
      %parallel_loop3A_205 = arith.andi %parallel_loop3A_202, %parallel_loop3A_204 : vector<16xi32>
      %parallel_loop3A_206 = arith.addi %parallel_loop3A_181, %parallel_loop3A_205 : vector<16xi32>
      tpu.vector_store_idx %arg7[%parallel_loop3A_206], %parallel_loop3A_199 : memref<32768xf32, #tpu.memory_space<vmem>>[vector<16xi32>], vector<16xf32>,
      %parallel_loop3A_207 = arith.constant 512 : i32
      %parallel_loop3A_208 = arith.muli %parallel_loop3A_174, %parallel_loop3A_207 : i32
      %parallel_loop3A_209 = arith.constant 128 : i32
      %parallel_loop3A_210 = arith.addi %parallel_loop3A_208, %parallel_loop3A_209 : i32
      %parallel_loop3A_211 = arith.addi %parallel_loop3A_210, %parallel_loop3A_190 : i32
      %parallel_loop3A_212 = arith.index_cast %parallel_loop3A_211 : i32 to index
      %parallel_loop3A_213 = tpu.vector_load %arg6[%parallel_loop3A_212] {strides = array<i32>} : memref<32768xf32, #tpu.memory_space<vmem>>, vector<16xf32>,
      %parallel_loop3A_214 = arith.constant 1 : i32
      %parallel_loop3A_215 = vector.broadcast %parallel_loop3A_214 : i32 to vector<16xi32>
      %parallel_loop3A_216 = arith.addi %parallel_loop3A_192, %parallel_loop3A_215 : vector<16xi32>
      %parallel_loop3A_217 = arith.constant 63 : i32
      %parallel_loop3A_218 = vector.broadcast %parallel_loop3A_217 : i32 to vector<16xi32>
      %parallel_loop3A_219 = arith.andi %parallel_loop3A_216, %parallel_loop3A_218 : vector<16xi32>
      %parallel_loop3A_220 = arith.addi %parallel_loop3A_181, %parallel_loop3A_219 : vector<16xi32>
      tpu.vector_store_idx %arg7[%parallel_loop3A_220], %parallel_loop3A_213 : memref<32768xf32, #tpu.memory_space<vmem>>[vector<16xi32>], vector<16xf32>,
      %parallel_loop3A_221 = arith.constant 512 : i32
      %parallel_loop3A_222 = arith.muli %parallel_loop3A_174, %parallel_loop3A_221 : i32
      %parallel_loop3A_223 = arith.constant 256 : i32
      %parallel_loop3A_224 = arith.addi %parallel_loop3A_222, %parallel_loop3A_223 : i32
      %parallel_loop3A_225 = arith.addi %parallel_loop3A_224, %parallel_loop3A_190 : i32
      %parallel_loop3A_226 = arith.index_cast %parallel_loop3A_225 : i32 to index
      %parallel_loop3A_227 = tpu.vector_load %arg6[%parallel_loop3A_226] {strides = array<i32>} : memref<32768xf32, #tpu.memory_space<vmem>>, vector<16xf32>,
      %parallel_loop3A_228 = arith.constant 2 : i32
      %parallel_loop3A_229 = vector.broadcast %parallel_loop3A_228 : i32 to vector<16xi32>
      %parallel_loop3A_230 = arith.addi %parallel_loop3A_192, %parallel_loop3A_229 : vector<16xi32>
      %parallel_loop3A_231 = arith.constant 63 : i32
      %parallel_loop3A_232 = vector.broadcast %parallel_loop3A_231 : i32 to vector<16xi32>
      %parallel_loop3A_233 = arith.andi %parallel_loop3A_230, %parallel_loop3A_232 : vector<16xi32>
      %parallel_loop3A_234 = arith.addi %parallel_loop3A_181, %parallel_loop3A_233 : vector<16xi32>
      tpu.vector_store_idx %arg7[%parallel_loop3A_234], %parallel_loop3A_227 : memref<32768xf32, #tpu.memory_space<vmem>>[vector<16xi32>], vector<16xf32>,
      %parallel_loop3A_235 = arith.constant 512 : i32
      %parallel_loop3A_236 = arith.muli %parallel_loop3A_174, %parallel_loop3A_235 : i32
      %parallel_loop3A_237 = arith.constant 384 : i32
      %parallel_loop3A_238 = arith.addi %parallel_loop3A_236, %parallel_loop3A_237 : i32
      %parallel_loop3A_239 = arith.addi %parallel_loop3A_238, %parallel_loop3A_190 : i32
      %parallel_loop3A_240 = arith.index_cast %parallel_loop3A_239 : i32 to index
      %parallel_loop3A_241 = tpu.vector_load %arg6[%parallel_loop3A_240] {strides = array<i32>} : memref<32768xf32, #tpu.memory_space<vmem>>, vector<16xf32>,
      %parallel_loop3A_242 = arith.constant 3 : i32
      %parallel_loop3A_243 = vector.broadcast %parallel_loop3A_242 : i32 to vector<16xi32>
      %parallel_loop3A_244 = arith.addi %parallel_loop3A_192, %parallel_loop3A_243 : vector<16xi32>
      %parallel_loop3A_245 = arith.constant 63 : i32
      %parallel_loop3A_246 = vector.broadcast %parallel_loop3A_245 : i32 to vector<16xi32>
      %parallel_loop3A_247 = arith.andi %parallel_loop3A_244, %parallel_loop3A_246 : vector<16xi32>
      %parallel_loop3A_248 = arith.addi %parallel_loop3A_181, %parallel_loop3A_247 : vector<16xi32>
      tpu.vector_store_idx %arg7[%parallel_loop3A_248], %parallel_loop3A_241 : memref<32768xf32, #tpu.memory_space<vmem>>[vector<16xi32>], vector<16xf32>,
      %parallel_loop3A_249 = arith.constant 512 : i32
      %parallel_loop3A_250 = arith.muli %parallel_loop3A_174, %parallel_loop3A_249 : i32
      %parallel_loop3A_251 = arith.constant 512 : i32
      %parallel_loop3A_252 = arith.addi %parallel_loop3A_250, %parallel_loop3A_251 : i32
      %parallel_loop3A_253 = arith.addi %parallel_loop3A_252, %parallel_loop3A_190 : i32
      %parallel_loop3A_254 = arith.index_cast %parallel_loop3A_253 : i32 to index
      %parallel_loop3A_255 = tpu.vector_load %arg6[%parallel_loop3A_254] {strides = array<i32>} : memref<32768xf32, #tpu.memory_space<vmem>>, vector<16xf32>,
      %parallel_loop3A_256 = arith.constant 4 : i32
      %parallel_loop3A_257 = vector.broadcast %parallel_loop3A_256 : i32 to vector<16xi32>
      %parallel_loop3A_258 = arith.addi %parallel_loop3A_192, %parallel_loop3A_257 : vector<16xi32>
      %parallel_loop3A_259 = arith.constant 63 : i32
      %parallel_loop3A_260 = vector.broadcast %parallel_loop3A_259 : i32 to vector<16xi32>
      %parallel_loop3A_261 = arith.andi %parallel_loop3A_258, %parallel_loop3A_260 : vector<16xi32>
      %parallel_loop3A_262 = arith.addi %parallel_loop3A_181, %parallel_loop3A_261 : vector<16xi32>
      tpu.vector_store_idx %arg7[%parallel_loop3A_262], %parallel_loop3A_255 : memref<32768xf32, #tpu.memory_space<vmem>>[vector<16xi32>], vector<16xf32>,
      %parallel_loop3A_263 = arith.constant 512 : i32
      %parallel_loop3A_264 = arith.muli %parallel_loop3A_174, %parallel_loop3A_263 : i32
      %parallel_loop3A_265 = arith.constant 640 : i32
      %parallel_loop3A_266 = arith.addi %parallel_loop3A_264, %parallel_loop3A_265 : i32
      %parallel_loop3A_267 = arith.addi %parallel_loop3A_266, %parallel_loop3A_190 : i32
      %parallel_loop3A_268 = arith.index_cast %parallel_loop3A_267 : i32 to index
      %parallel_loop3A_269 = tpu.vector_load %arg6[%parallel_loop3A_268] {strides = array<i32>} : memref<32768xf32, #tpu.memory_space<vmem>>, vector<16xf32>,
      %parallel_loop3A_270 = arith.constant 5 : i32
      %parallel_loop3A_271 = vector.broadcast %parallel_loop3A_270 : i32 to vector<16xi32>
      %parallel_loop3A_272 = arith.addi %parallel_loop3A_192, %parallel_loop3A_271 : vector<16xi32>
      %parallel_loop3A_273 = arith.constant 63 : i32
      %parallel_loop3A_274 = vector.broadcast %parallel_loop3A_273 : i32 to vector<16xi32>
      %parallel_loop3A_275 = arith.andi %parallel_loop3A_272, %parallel_loop3A_274 : vector<16xi32>
      %parallel_loop3A_276 = arith.addi %parallel_loop3A_181, %parallel_loop3A_275 : vector<16xi32>
      tpu.vector_store_idx %arg7[%parallel_loop3A_276], %parallel_loop3A_269 : memref<32768xf32, #tpu.memory_space<vmem>>[vector<16xi32>], vector<16xf32>,
      %parallel_loop3A_277 = arith.constant 512 : i32
      %parallel_loop3A_278 = arith.muli %parallel_loop3A_174, %parallel_loop3A_277 : i32
      %parallel_loop3A_279 = arith.constant 768 : i32
      %parallel_loop3A_280 = arith.addi %parallel_loop3A_278, %parallel_loop3A_279 : i32
      %parallel_loop3A_281 = arith.addi %parallel_loop3A_280, %parallel_loop3A_190 : i32
      %parallel_loop3A_282 = arith.index_cast %parallel_loop3A_281 : i32 to index
      %parallel_loop3A_283 = tpu.vector_load %arg6[%parallel_loop3A_282] {strides = array<i32>} : memref<32768xf32, #tpu.memory_space<vmem>>, vector<16xf32>,
      %parallel_loop3A_284 = arith.constant 6 : i32
      %parallel_loop3A_285 = vector.broadcast %parallel_loop3A_284 : i32 to vector<16xi32>
      %parallel_loop3A_286 = arith.addi %parallel_loop3A_192, %parallel_loop3A_285 : vector<16xi32>
      %parallel_loop3A_287 = arith.constant 63 : i32
      %parallel_loop3A_288 = vector.broadcast %parallel_loop3A_287 : i32 to vector<16xi32>
      %parallel_loop3A_289 = arith.andi %parallel_loop3A_286, %parallel_loop3A_288 : vector<16xi32>
      %parallel_loop3A_290 = arith.addi %parallel_loop3A_181, %parallel_loop3A_289 : vector<16xi32>
      tpu.vector_store_idx %arg7[%parallel_loop3A_290], %parallel_loop3A_283 : memref<32768xf32, #tpu.memory_space<vmem>>[vector<16xi32>], vector<16xf32>,
      %parallel_loop3A_291 = arith.constant 512 : i32
      %parallel_loop3A_292 = arith.muli %parallel_loop3A_174, %parallel_loop3A_291 : i32
      %parallel_loop3A_293 = arith.constant 896 : i32
      %parallel_loop3A_294 = arith.addi %parallel_loop3A_292, %parallel_loop3A_293 : i32
      %parallel_loop3A_295 = arith.addi %parallel_loop3A_294, %parallel_loop3A_190 : i32
      %parallel_loop3A_296 = arith.index_cast %parallel_loop3A_295 : i32 to index
      %parallel_loop3A_297 = tpu.vector_load %arg6[%parallel_loop3A_296] {strides = array<i32>} : memref<32768xf32, #tpu.memory_space<vmem>>, vector<16xf32>,
      %parallel_loop3A_298 = arith.constant 7 : i32
      %parallel_loop3A_299 = vector.broadcast %parallel_loop3A_298 : i32 to vector<16xi32>
      %parallel_loop3A_300 = arith.addi %parallel_loop3A_192, %parallel_loop3A_299 : vector<16xi32>
      %parallel_loop3A_301 = arith.constant 63 : i32
      %parallel_loop3A_302 = vector.broadcast %parallel_loop3A_301 : i32 to vector<16xi32>
      %parallel_loop3A_303 = arith.andi %parallel_loop3A_300, %parallel_loop3A_302 : vector<16xi32>
      %parallel_loop3A_304 = arith.addi %parallel_loop3A_181, %parallel_loop3A_303 : vector<16xi32>
      tpu.vector_store_idx %arg7[%parallel_loop3A_304], %parallel_loop3A_297 : memref<32768xf32, #tpu.memory_space<vmem>>[vector<16xi32>], vector<16xf32>,
    } {sc.loop_unroll_factor = 4 : i64, sc.parallel_access}
    %parallel_loop3A_150 = arith.constant 0 : i32
    %parallel_loop3A_151 = arith.constant 512 : i32
    %parallel_loop3A_152 = arith.constant 1 : i32
    scf.for %parallel_loop3A_168 = %parallel_loop3A_150 to %parallel_loop3A_151 step %parallel_loop3A_152  : i32 {
      %parallel_loop3A_169 = arith.constant 64 : i32
      %parallel_loop3A_170 = arith.muli %parallel_loop3A_168, %parallel_loop3A_169 : i32
      %parallel_loop3A_171 = vector.broadcast %parallel_loop3A_170 : i32 to vector<16xi32>
      %parallel_loop3A_172 = vector.broadcast %parallel_loop3A_168 : i32 to vector<16xi32>
      %parallel_loop3A_173 = arith.addi %iota3A, %parallel_loop3A_172 : vector<16xi32>
      %parallel_loop3A_174 = arith.constant 0 : i32
      %parallel_loop3A_175 = vector.broadcast %parallel_loop3A_174 : i32 to vector<16xi32>
      %parallel_loop3A_176 = arith.addi %parallel_loop3A_173, %parallel_loop3A_175 : vector<16xi32>
      %parallel_loop3A_177 = arith.constant 63 : i32
      %parallel_loop3A_178 = vector.broadcast %parallel_loop3A_177 : i32 to vector<16xi32>
      %parallel_loop3A_179 = arith.andi %parallel_loop3A_176, %parallel_loop3A_178 : vector<16xi32>
      %parallel_loop3A_180 = arith.addi %parallel_loop3A_171, %parallel_loop3A_179 : vector<16xi32>
      %parallel_loop3A_181 = tpu.vector_load_idx %arg7[%parallel_loop3A_180] : memref<32768xf32, #tpu.memory_space<vmem>>[vector<16xi32>], vector<16xf32>,
      %parallel_loop3A_182 = arith.constant 0.000000e+00 : f32
      %parallel_loop3A_183 = vector.broadcast %parallel_loop3A_182 : f32 to vector<16xf32>
      %parallel_loop3A_184 = arith.subf %parallel_loop3A_183, %parallel_loop3A_181 : vector<16xf32>
      %parallel_loop3A_185 = math.exp %parallel_loop3A_184 : vector<16xf32>
      %parallel_loop3A_186 = arith.constant 1.000000e+00 : f32
      %parallel_loop3A_187 = vector.broadcast %parallel_loop3A_186 : f32 to vector<16xf32>
      %parallel_loop3A_188 = arith.addf %parallel_loop3A_187, %parallel_loop3A_185 : vector<16xf32>
      %parallel_loop3A_189 = arith.constant 1.000000e+00 : f32
      %parallel_loop3A_190 = vector.broadcast %parallel_loop3A_189 : f32 to vector<16xf32>
      %parallel_loop3A_191 = arith.divf %parallel_loop3A_190, %parallel_loop3A_188 : vector<16xf32>
      %parallel_loop3A_192 = arith.addf %parallel_loop3A_191, %get3A_129 : vector<16xf32>
      %parallel_loop3A_193 = arith.constant dense<true> : vector<16xi1>
      %parallel_loop3A_194, %parallel_loop3A_195, %parallel_loop3A_196 = tpu.sort %parallel_loop3A_192, %add3A_138 masked %parallel_loop3A_193 {descending = true} : (vector<16xf32>, vector<16xi32>, vector<16xi1>) -> (vector<16xi1>, vector<16xf32>, vector<16xi32>)
      %parallel_loop3A_197 = arith.constant 16 : i32
      %parallel_loop3A_198 = vector.broadcast %parallel_loop3A_197 : i32 to vector<16xi32>
      %parallel_loop3A_199 = arith.addi %parallel_loop3A_173, %parallel_loop3A_198 : vector<16xi32>
      %parallel_loop3A_200 = arith.constant 63 : i32
      %parallel_loop3A_201 = vector.broadcast %parallel_loop3A_200 : i32 to vector<16xi32>
      %parallel_loop3A_202 = arith.andi %parallel_loop3A_199, %parallel_loop3A_201 : vector<16xi32>
      %parallel_loop3A_203 = arith.addi %parallel_loop3A_171, %parallel_loop3A_202 : vector<16xi32>
      %parallel_loop3A_204 = tpu.vector_load_idx %arg7[%parallel_loop3A_203] : memref<32768xf32, #tpu.memory_space<vmem>>[vector<16xi32>], vector<16xf32>,
      %parallel_loop3A_205 = arith.constant 0.000000e+00 : f32
      %parallel_loop3A_206 = vector.broadcast %parallel_loop3A_205 : f32 to vector<16xf32>
      %parallel_loop3A_207 = arith.subf %parallel_loop3A_206, %parallel_loop3A_204 : vector<16xf32>
      %parallel_loop3A_208 = math.exp %parallel_loop3A_207 : vector<16xf32>
      %parallel_loop3A_209 = arith.constant 1.000000e+00 : f32
      %parallel_loop3A_210 = vector.broadcast %parallel_loop3A_209 : f32 to vector<16xf32>
      %parallel_loop3A_211 = arith.addf %parallel_loop3A_210, %parallel_loop3A_208 : vector<16xf32>
      %parallel_loop3A_212 = arith.constant 1.000000e+00 : f32
      %parallel_loop3A_213 = vector.broadcast %parallel_loop3A_212 : f32 to vector<16xf32>
      %parallel_loop3A_214 = arith.divf %parallel_loop3A_213, %parallel_loop3A_211 : vector<16xf32>
      %parallel_loop3A_215 = arith.addf %parallel_loop3A_214, %get3A_131 : vector<16xf32>
      %parallel_loop3A_216 = arith.constant dense<true> : vector<16xi1>
      %parallel_loop3A_217, %parallel_loop3A_218, %parallel_loop3A_219 = tpu.sort %parallel_loop3A_215, %add3A_141 masked %parallel_loop3A_216 : (vector<16xf32>, vector<16xi32>, vector<16xi1>) -> (vector<16xi1>, vector<16xf32>, vector<16xi32>)
      %parallel_loop3A_220 = arith.constant 32 : i32
      %parallel_loop3A_221 = vector.broadcast %parallel_loop3A_220 : i32 to vector<16xi32>
      %parallel_loop3A_222 = arith.addi %parallel_loop3A_173, %parallel_loop3A_221 : vector<16xi32>
      %parallel_loop3A_223 = arith.constant 63 : i32
      %parallel_loop3A_224 = vector.broadcast %parallel_loop3A_223 : i32 to vector<16xi32>
      %parallel_loop3A_225 = arith.andi %parallel_loop3A_222, %parallel_loop3A_224 : vector<16xi32>
      %parallel_loop3A_226 = arith.addi %parallel_loop3A_171, %parallel_loop3A_225 : vector<16xi32>
      %parallel_loop3A_227 = tpu.vector_load_idx %arg7[%parallel_loop3A_226] : memref<32768xf32, #tpu.memory_space<vmem>>[vector<16xi32>], vector<16xf32>,
      %parallel_loop3A_228 = arith.constant 0.000000e+00 : f32
      %parallel_loop3A_229 = vector.broadcast %parallel_loop3A_228 : f32 to vector<16xf32>
      %parallel_loop3A_230 = arith.subf %parallel_loop3A_229, %parallel_loop3A_227 : vector<16xf32>
      %parallel_loop3A_231 = math.exp %parallel_loop3A_230 : vector<16xf32>
      %parallel_loop3A_232 = arith.constant 1.000000e+00 : f32
      %parallel_loop3A_233 = vector.broadcast %parallel_loop3A_232 : f32 to vector<16xf32>
      %parallel_loop3A_234 = arith.addf %parallel_loop3A_233, %parallel_loop3A_231 : vector<16xf32>
      %parallel_loop3A_235 = arith.constant 1.000000e+00 : f32
      %parallel_loop3A_236 = vector.broadcast %parallel_loop3A_235 : f32 to vector<16xf32>
      %parallel_loop3A_237 = arith.divf %parallel_loop3A_236, %parallel_loop3A_234 : vector<16xf32>
      %parallel_loop3A_238 = arith.addf %parallel_loop3A_237, %get3A_133 : vector<16xf32>
      %parallel_loop3A_239 = arith.constant dense<true> : vector<16xi1>
      %parallel_loop3A_240, %parallel_loop3A_241, %parallel_loop3A_242 = tpu.sort %parallel_loop3A_238, %add3A_144 masked %parallel_loop3A_239 {descending = true} : (vector<16xf32>, vector<16xi32>, vector<16xi1>) -> (vector<16xi1>, vector<16xf32>, vector<16xi32>)
      %parallel_loop3A_243 = arith.constant 48 : i32
      %parallel_loop3A_244 = vector.broadcast %parallel_loop3A_243 : i32 to vector<16xi32>
      %parallel_loop3A_245 = arith.addi %parallel_loop3A_173, %parallel_loop3A_244 : vector<16xi32>
      %parallel_loop3A_246 = arith.constant 63 : i32
      %parallel_loop3A_247 = vector.broadcast %parallel_loop3A_246 : i32 to vector<16xi32>
      %parallel_loop3A_248 = arith.andi %parallel_loop3A_245, %parallel_loop3A_247 : vector<16xi32>
      %parallel_loop3A_249 = arith.addi %parallel_loop3A_171, %parallel_loop3A_248 : vector<16xi32>
      %parallel_loop3A_250 = tpu.vector_load_idx %arg7[%parallel_loop3A_249] : memref<32768xf32, #tpu.memory_space<vmem>>[vector<16xi32>], vector<16xf32>,
      %parallel_loop3A_251 = arith.constant 0.000000e+00 : f32
      %parallel_loop3A_252 = vector.broadcast %parallel_loop3A_251 : f32 to vector<16xf32>
      %parallel_loop3A_253 = arith.subf %parallel_loop3A_252, %parallel_loop3A_250 : vector<16xf32>
      %parallel_loop3A_254 = math.exp %parallel_loop3A_253 : vector<16xf32>
      %parallel_loop3A_255 = arith.constant 1.000000e+00 : f32
      %parallel_loop3A_256 = vector.broadcast %parallel_loop3A_255 : f32 to vector<16xf32>
      %parallel_loop3A_257 = arith.addf %parallel_loop3A_256, %parallel_loop3A_254 : vector<16xf32>
      %parallel_loop3A_258 = arith.constant 1.000000e+00 : f32
      %parallel_loop3A_259 = vector.broadcast %parallel_loop3A_258 : f32 to vector<16xf32>
      %parallel_loop3A_260 = arith.divf %parallel_loop3A_259, %parallel_loop3A_257 : vector<16xf32>
      %parallel_loop3A_261 = arith.addf %parallel_loop3A_260, %get3A_135 : vector<16xf32>
      %parallel_loop3A_262 = arith.constant dense<true> : vector<16xi1>
      %parallel_loop3A_263, %parallel_loop3A_264, %parallel_loop3A_265 = tpu.sort %parallel_loop3A_261, %add3A_147 masked %parallel_loop3A_262 : (vector<16xf32>, vector<16xi32>, vector<16xi1>) -> (vector<16xi1>, vector<16xf32>, vector<16xi32>)
      %parallel_loop3A_266 = arith.cmpf ogt, %parallel_loop3A_195, %parallel_loop3A_218 : vector<16xf32>
      %parallel_loop3A_267 = arith.cmpf oeq, %parallel_loop3A_195, %parallel_loop3A_218 : vector<16xf32>
      %parallel_loop3A_268 = arith.maximumf %parallel_loop3A_195, %parallel_loop3A_218 : vector<16xf32>
      %parallel_loop3A_269 = arith.select %parallel_loop3A_266, %parallel_loop3A_196, %parallel_loop3A_219 : vector<16xi1>, vector<16xi32>
      %parallel_loop3A_270 = arith.minsi %parallel_loop3A_196, %parallel_loop3A_219 : vector<16xi32>
      %parallel_loop3A_271 = arith.select %parallel_loop3A_267, %parallel_loop3A_270, %parallel_loop3A_269 : vector<16xi1>, vector<16xi32>
      %parallel_loop3A_272 = arith.cmpf ogt, %parallel_loop3A_241, %parallel_loop3A_264 : vector<16xf32>
      %parallel_loop3A_273 = arith.cmpf oeq, %parallel_loop3A_241, %parallel_loop3A_264 : vector<16xf32>
      %parallel_loop3A_274 = arith.maximumf %parallel_loop3A_241, %parallel_loop3A_264 : vector<16xf32>
      %parallel_loop3A_275 = arith.select %parallel_loop3A_272, %parallel_loop3A_242, %parallel_loop3A_265 : vector<16xi1>, vector<16xi32>
      %parallel_loop3A_276 = arith.minsi %parallel_loop3A_242, %parallel_loop3A_265 : vector<16xi32>
      %parallel_loop3A_277 = arith.select %parallel_loop3A_273, %parallel_loop3A_276, %parallel_loop3A_275 : vector<16xi1>, vector<16xi32>
      %parallel_loop3A_278 = arith.constant dense<true> : vector<16xi1>
      %parallel_loop3A_279, %parallel_loop3A_280, %parallel_loop3A_281 = tpu.sort %parallel_loop3A_268, %parallel_loop3A_271 masked %parallel_loop3A_278 {descending = true} : (vector<16xf32>, vector<16xi32>, vector<16xi1>) -> (vector<16xi1>, vector<16xf32>, vector<16xi32>)
      %parallel_loop3A_282 = arith.constant dense<true> : vector<16xi1>
      %parallel_loop3A_283, %parallel_loop3A_284, %parallel_loop3A_285 = tpu.sort %parallel_loop3A_274, %parallel_loop3A_277 masked %parallel_loop3A_282 : (vector<16xf32>, vector<16xi32>, vector<16xi1>) -> (vector<16xi1>, vector<16xf32>, vector<16xi32>)
      %parallel_loop3A_286 = arith.cmpf ogt, %parallel_loop3A_280, %parallel_loop3A_284 : vector<16xf32>
      %parallel_loop3A_287 = arith.cmpf oeq, %parallel_loop3A_280, %parallel_loop3A_284 : vector<16xf32>
      %parallel_loop3A_288 = arith.maximumf %parallel_loop3A_280, %parallel_loop3A_284 : vector<16xf32>
      %parallel_loop3A_289 = arith.select %parallel_loop3A_286, %parallel_loop3A_281, %parallel_loop3A_285 : vector<16xi1>, vector<16xi32>
      %parallel_loop3A_290 = arith.minsi %parallel_loop3A_281, %parallel_loop3A_285 : vector<16xi32>
      %parallel_loop3A_291 = arith.select %parallel_loop3A_287, %parallel_loop3A_290, %parallel_loop3A_289 : vector<16xi1>, vector<16xi32>
      %parallel_loop3A_292 = arith.constant dense<true> : vector<16xi1>
      %parallel_loop3A_293, %parallel_loop3A_294, %parallel_loop3A_295 = tpu.sort %parallel_loop3A_288, %parallel_loop3A_291 masked %parallel_loop3A_292 {descending = true} : (vector<16xf32>, vector<16xi32>, vector<16xi1>) -> (vector<16xi1>, vector<16xf32>, vector<16xi32>)
      %parallel_loop3A_296 = vector.broadcast %parallel_loop3A_168 : i32 to vector<16xi32>
      %parallel_loop3A_297 = arith.addi %parallel_loop3A_295, %parallel_loop3A_296 : vector<16xi32>
      %parallel_loop3A_298 = arith.constant 63 : i32
      %parallel_loop3A_299 = vector.broadcast %parallel_loop3A_298 : i32 to vector<16xi32>
      %parallel_loop3A_300 = arith.andi %parallel_loop3A_297, %parallel_loop3A_299 : vector<16xi32>
      %parallel_loop3A_301 = arith.addi %parallel_loop3A_171, %parallel_loop3A_300 : vector<16xi32>
      %parallel_loop3A_302 = tpu.vector_load_idx %arg7[%parallel_loop3A_301] : memref<32768xf32, #tpu.memory_space<vmem>>[vector<16xi32>], vector<16xf32>,
      %parallel_loop3A_303 = arith.constant 0.000000e+00 : f32
      %parallel_loop3A_304 = vector.broadcast %parallel_loop3A_303 : f32 to vector<16xf32>
      %parallel_loop3A_305 = arith.subf %parallel_loop3A_304, %parallel_loop3A_302 : vector<16xf32>
      %parallel_loop3A_306 = math.exp %parallel_loop3A_305 : vector<16xf32>
      %parallel_loop3A_307 = arith.constant 1.000000e+00 : f32
      %parallel_loop3A_308 = vector.broadcast %parallel_loop3A_307 : f32 to vector<16xf32>
      %parallel_loop3A_309 = arith.addf %parallel_loop3A_308, %parallel_loop3A_306 : vector<16xf32>
      %parallel_loop3A_310 = arith.constant 1.000000e+00 : f32
      %parallel_loop3A_311 = vector.broadcast %parallel_loop3A_310 : f32 to vector<16xf32>
      %parallel_loop3A_312 = arith.divf %parallel_loop3A_311, %parallel_loop3A_309 : vector<16xf32>
      %parallel_loop3A_313 = arith.constant 0.000000e+00 : f32
      %parallel_loop3A_314 = vector.broadcast %parallel_loop3A_313 : f32 to vector<16xf32>
      %parallel_loop3A_315 = arith.select %lt3A_128, %parallel_loop3A_312, %parallel_loop3A_314 : vector<16xi1>, vector<16xf32>
      %parallel_loop3A_316 = arith.constant true
      %parallel_loop3A_317 = vector.broadcast %parallel_loop3A_316 : i1 to vector<16xi1>
      %parallel_loop3A_318 = tpu.scan <sum>, %parallel_loop3A_315 masked %parallel_loop3A_317 : vector<16xf32>, vector<16xi1> -> vector<16xf32>
      %parallel_loop3A_319 = vector.extract %parallel_loop3A_318[15] : f32 from vector<16xf32>
      %parallel_loop3A_320 = vector.broadcast %parallel_loop3A_319 : f32 to vector<16xf32>
      %parallel_loop3A_321 = arith.constant 9.99999968E-21 : f32
      %parallel_loop3A_322 = vector.broadcast %parallel_loop3A_321 : f32 to vector<16xf32>
      %parallel_loop3A_323 = arith.addf %parallel_loop3A_320, %parallel_loop3A_322 : vector<16xf32>
      %parallel_loop3A_324 = arith.divf %parallel_loop3A_315, %parallel_loop3A_323 : vector<16xf32>
      %parallel_loop3A_325 = arith.constant 8 : i32
      %parallel_loop3A_326 = arith.muli %parallel_loop3A_168, %parallel_loop3A_325 : i32
      %parallel_loop3A_327 = vector.broadcast %parallel_loop3A_168 : i32 to vector<16xi32>
      %parallel_loop3A_328 = arith.addi %iota3A, %parallel_loop3A_327 : vector<16xi32>
      %parallel_loop3A_329 = arith.constant 7 : i32
      %parallel_loop3A_330 = vector.broadcast %parallel_loop3A_329 : i32 to vector<16xi32>
      %parallel_loop3A_331 = arith.andi %parallel_loop3A_328, %parallel_loop3A_330 : vector<16xi32>
      %parallel_loop3A_332 = vector.broadcast %parallel_loop3A_326 : i32 to vector<16xi32>
      %parallel_loop3A_333 = arith.addi %parallel_loop3A_332, %parallel_loop3A_331 : vector<16xi32>
      tpu.vector_store_idx %arg9[%parallel_loop3A_333], %parallel_loop3A_295 masked %lt3A_128 : memref<4096xi32, #tpu.memory_space<vmem>>[vector<16xi32>], vector<16xi32>, vector<16xi1>
      tpu.vector_store_idx %arg10[%parallel_loop3A_333], %parallel_loop3A_324 masked %lt3A_128 : memref<4096xf32, #tpu.memory_space<vmem>>[vector<16xi32>], vector<16xf32>, vector<16xi1>
    } {sc.loop_unroll_factor = 4 : i64, sc.parallel_access}
    %parallel_loop3A_153 = arith.constant 0 : i32
    %parallel_loop3A_154 = arith.constant 32 : i32
    %parallel_loop3A_155 = arith.constant 1 : i32
    scf.for %parallel_loop3A_168 = %parallel_loop3A_153 to %parallel_loop3A_154 step %parallel_loop3A_155  : i32 {
      %parallel_loop3A_169 = arith.constant 16 : i32
      %parallel_loop3A_170 = arith.muli %parallel_loop3A_168, %parallel_loop3A_169 : i32
      %parallel_loop3A_171 = vector.broadcast %parallel_loop3A_170 : i32 to vector<16xi32>
      %parallel_loop3A_172 = arith.addi %parallel_loop3A_171, %iota3A : vector<16xi32>
      %parallel_loop3A_173 = arith.constant 8 : i32
      %parallel_loop3A_174 = vector.broadcast %parallel_loop3A_173 : i32 to vector<16xi32>
      %parallel_loop3A_175 = arith.muli %parallel_loop3A_172, %parallel_loop3A_174 : vector<16xi32>
      %parallel_loop3A_176 = arith.constant 3 : i32
      %parallel_loop3A_177 = arith.shrsi %parallel_loop3A_168, %parallel_loop3A_176 : i32
      %parallel_loop3A_178 = arith.constant 10 : i32
      %parallel_loop3A_179 = arith.shli %parallel_loop3A_177, %parallel_loop3A_178 : i32
      %parallel_loop3A_180 = arith.constant 7 : i32
      %parallel_loop3A_181 = arith.andi %parallel_loop3A_168, %parallel_loop3A_180 : i32
      %parallel_loop3A_182 = arith.constant 4 : i32
      %parallel_loop3A_183 = arith.shli %parallel_loop3A_181, %parallel_loop3A_182 : i32
      %parallel_loop3A_184 = arith.addi %parallel_loop3A_179, %parallel_loop3A_183 : i32
      %parallel_loop3A_185 = arith.constant 0 : i32
      %parallel_loop3A_186 = vector.broadcast %parallel_loop3A_185 : i32 to vector<16xi32>
      %parallel_loop3A_187 = arith.addi %parallel_loop3A_172, %parallel_loop3A_186 : vector<16xi32>
      %parallel_loop3A_188 = arith.constant 7 : i32
      %parallel_loop3A_189 = vector.broadcast %parallel_loop3A_188 : i32 to vector<16xi32>
      %parallel_loop3A_190 = arith.andi %parallel_loop3A_187, %parallel_loop3A_189 : vector<16xi32>
      %parallel_loop3A_191 = arith.addi %parallel_loop3A_175, %parallel_loop3A_190 : vector<16xi32>
      %parallel_loop3A_192 = tpu.vector_load_idx %arg9[%parallel_loop3A_191] : memref<4096xi32, #tpu.memory_space<vmem>>[vector<16xi32>], vector<16xi32>,
      %parallel_loop3A_193 = tpu.vector_load_idx %arg10[%parallel_loop3A_191] : memref<4096xf32, #tpu.memory_space<vmem>>[vector<16xi32>], vector<16xf32>,
      %parallel_loop3A_194 = arith.constant 0 : i32
      %parallel_loop3A_195 = arith.addi %parallel_loop3A_194, %parallel_loop3A_184 : i32
      %parallel_loop3A_196 = arith.index_cast %parallel_loop3A_195 : i32 to index
      %parallel_loop3A_197 = tpu.vector_load %arg11[%parallel_loop3A_196] {strides = array<i32>} : memref<4096xi32, #tpu.memory_space<vmem>>, vector<16xi32>,
      tpu.vector_store %arg11[%parallel_loop3A_196], %parallel_loop3A_192 {strides = array<i32>} : memref<4096xi32, #tpu.memory_space<vmem>>, vector<16xi32>,
      %parallel_loop3A_198 = arith.constant 0 : i32
      %parallel_loop3A_199 = arith.addi %parallel_loop3A_198, %parallel_loop3A_184 : i32
      %parallel_loop3A_200 = arith.index_cast %parallel_loop3A_199 : i32 to index
      %parallel_loop3A_201 = tpu.vector_load %arg12[%parallel_loop3A_200] {strides = array<i32>} : memref<4096xf32, #tpu.memory_space<vmem>>, vector<16xf32>,
      tpu.vector_store %arg12[%parallel_loop3A_200], %parallel_loop3A_193 {strides = array<i32>} : memref<4096xf32, #tpu.memory_space<vmem>>, vector<16xf32>,
      %parallel_loop3A_202 = arith.constant 1 : i32
      %parallel_loop3A_203 = vector.broadcast %parallel_loop3A_202 : i32 to vector<16xi32>
      %parallel_loop3A_204 = arith.addi %parallel_loop3A_172, %parallel_loop3A_203 : vector<16xi32>
      %parallel_loop3A_205 = arith.constant 7 : i32
      %parallel_loop3A_206 = vector.broadcast %parallel_loop3A_205 : i32 to vector<16xi32>
      %parallel_loop3A_207 = arith.andi %parallel_loop3A_204, %parallel_loop3A_206 : vector<16xi32>
      %parallel_loop3A_208 = arith.addi %parallel_loop3A_175, %parallel_loop3A_207 : vector<16xi32>
      %parallel_loop3A_209 = tpu.vector_load_idx %arg9[%parallel_loop3A_208] : memref<4096xi32, #tpu.memory_space<vmem>>[vector<16xi32>], vector<16xi32>,
      %parallel_loop3A_210 = tpu.vector_load_idx %arg10[%parallel_loop3A_208] : memref<4096xf32, #tpu.memory_space<vmem>>[vector<16xi32>], vector<16xf32>,
      %parallel_loop3A_211 = arith.constant 128 : i32
      %parallel_loop3A_212 = arith.addi %parallel_loop3A_211, %parallel_loop3A_184 : i32
      %parallel_loop3A_213 = arith.index_cast %parallel_loop3A_212 : i32 to index
      %parallel_loop3A_214 = tpu.vector_load %arg11[%parallel_loop3A_213] {strides = array<i32>} : memref<4096xi32, #tpu.memory_space<vmem>>, vector<16xi32>,
      tpu.vector_store %arg11[%parallel_loop3A_213], %parallel_loop3A_209 {strides = array<i32>} : memref<4096xi32, #tpu.memory_space<vmem>>, vector<16xi32>,
      %parallel_loop3A_215 = arith.constant 128 : i32
      %parallel_loop3A_216 = arith.addi %parallel_loop3A_215, %parallel_loop3A_184 : i32
      %parallel_loop3A_217 = arith.index_cast %parallel_loop3A_216 : i32 to index
      %parallel_loop3A_218 = tpu.vector_load %arg12[%parallel_loop3A_217] {strides = array<i32>} : memref<4096xf32, #tpu.memory_space<vmem>>, vector<16xf32>,
      tpu.vector_store %arg12[%parallel_loop3A_217], %parallel_loop3A_210 {strides = array<i32>} : memref<4096xf32, #tpu.memory_space<vmem>>, vector<16xf32>,
      %parallel_loop3A_219 = arith.constant 2 : i32
      %parallel_loop3A_220 = vector.broadcast %parallel_loop3A_219 : i32 to vector<16xi32>
      %parallel_loop3A_221 = arith.addi %parallel_loop3A_172, %parallel_loop3A_220 : vector<16xi32>
      %parallel_loop3A_222 = arith.constant 7 : i32
      %parallel_loop3A_223 = vector.broadcast %parallel_loop3A_222 : i32 to vector<16xi32>
      %parallel_loop3A_224 = arith.andi %parallel_loop3A_221, %parallel_loop3A_223 : vector<16xi32>
      %parallel_loop3A_225 = arith.addi %parallel_loop3A_175, %parallel_loop3A_224 : vector<16xi32>
      %parallel_loop3A_226 = tpu.vector_load_idx %arg9[%parallel_loop3A_225] : memref<4096xi32, #tpu.memory_space<vmem>>[vector<16xi32>], vector<16xi32>,
      %parallel_loop3A_227 = tpu.vector_load_idx %arg10[%parallel_loop3A_225] : memref<4096xf32, #tpu.memory_space<vmem>>[vector<16xi32>], vector<16xf32>,
      %parallel_loop3A_228 = arith.constant 256 : i32
      %parallel_loop3A_229 = arith.addi %parallel_loop3A_228, %parallel_loop3A_184 : i32
      %parallel_loop3A_230 = arith.index_cast %parallel_loop3A_229 : i32 to index
      %parallel_loop3A_231 = tpu.vector_load %arg11[%parallel_loop3A_230] {strides = array<i32>} : memref<4096xi32, #tpu.memory_space<vmem>>, vector<16xi32>,
      tpu.vector_store %arg11[%parallel_loop3A_230], %parallel_loop3A_226 {strides = array<i32>} : memref<4096xi32, #tpu.memory_space<vmem>>, vector<16xi32>,
      %parallel_loop3A_232 = arith.constant 256 : i32
      %parallel_loop3A_233 = arith.addi %parallel_loop3A_232, %parallel_loop3A_184 : i32
      %parallel_loop3A_234 = arith.index_cast %parallel_loop3A_233 : i32 to index
      %parallel_loop3A_235 = tpu.vector_load %arg12[%parallel_loop3A_234] {strides = array<i32>} : memref<4096xf32, #tpu.memory_space<vmem>>, vector<16xf32>,
      tpu.vector_store %arg12[%parallel_loop3A_234], %parallel_loop3A_227 {strides = array<i32>} : memref<4096xf32, #tpu.memory_space<vmem>>, vector<16xf32>,
      %parallel_loop3A_236 = arith.constant 3 : i32
      %parallel_loop3A_237 = vector.broadcast %parallel_loop3A_236 : i32 to vector<16xi32>
      %parallel_loop3A_238 = arith.addi %parallel_loop3A_172, %parallel_loop3A_237 : vector<16xi32>
      %parallel_loop3A_239 = arith.constant 7 : i32
      %parallel_loop3A_240 = vector.broadcast %parallel_loop3A_239 : i32 to vector<16xi32>
      %parallel_loop3A_241 = arith.andi %parallel_loop3A_238, %parallel_loop3A_240 : vector<16xi32>
      %parallel_loop3A_242 = arith.addi %parallel_loop3A_175, %parallel_loop3A_241 : vector<16xi32>
      %parallel_loop3A_243 = tpu.vector_load_idx %arg9[%parallel_loop3A_242] : memref<4096xi32, #tpu.memory_space<vmem>>[vector<16xi32>], vector<16xi32>,
      %parallel_loop3A_244 = tpu.vector_load_idx %arg10[%parallel_loop3A_242] : memref<4096xf32, #tpu.memory_space<vmem>>[vector<16xi32>], vector<16xf32>,
      %parallel_loop3A_245 = arith.constant 384 : i32
      %parallel_loop3A_246 = arith.addi %parallel_loop3A_245, %parallel_loop3A_184 : i32
      %parallel_loop3A_247 = arith.index_cast %parallel_loop3A_246 : i32 to index
      %parallel_loop3A_248 = tpu.vector_load %arg11[%parallel_loop3A_247] {strides = array<i32>} : memref<4096xi32, #tpu.memory_space<vmem>>, vector<16xi32>,
      tpu.vector_store %arg11[%parallel_loop3A_247], %parallel_loop3A_243 {strides = array<i32>} : memref<4096xi32, #tpu.memory_space<vmem>>, vector<16xi32>,
      %parallel_loop3A_249 = arith.constant 384 : i32
      %parallel_loop3A_250 = arith.addi %parallel_loop3A_249, %parallel_loop3A_184 : i32
      %parallel_loop3A_251 = arith.index_cast %parallel_loop3A_250 : i32 to index
      %parallel_loop3A_252 = tpu.vector_load %arg12[%parallel_loop3A_251] {strides = array<i32>} : memref<4096xf32, #tpu.memory_space<vmem>>, vector<16xf32>,
      tpu.vector_store %arg12[%parallel_loop3A_251], %parallel_loop3A_244 {strides = array<i32>} : memref<4096xf32, #tpu.memory_space<vmem>>, vector<16xf32>,
      %parallel_loop3A_253 = arith.constant 4 : i32
      %parallel_loop3A_254 = vector.broadcast %parallel_loop3A_253 : i32 to vector<16xi32>
      %parallel_loop3A_255 = arith.addi %parallel_loop3A_172, %parallel_loop3A_254 : vector<16xi32>
      %parallel_loop3A_256 = arith.constant 7 : i32
      %parallel_loop3A_257 = vector.broadcast %parallel_loop3A_256 : i32 to vector<16xi32>
      %parallel_loop3A_258 = arith.andi %parallel_loop3A_255, %parallel_loop3A_257 : vector<16xi32>
      %parallel_loop3A_259 = arith.addi %parallel_loop3A_175, %parallel_loop3A_258 : vector<16xi32>
      %parallel_loop3A_260 = tpu.vector_load_idx %arg9[%parallel_loop3A_259] : memref<4096xi32, #tpu.memory_space<vmem>>[vector<16xi32>], vector<16xi32>,
      %parallel_loop3A_261 = tpu.vector_load_idx %arg10[%parallel_loop3A_259] : memref<4096xf32, #tpu.memory_space<vmem>>[vector<16xi32>], vector<16xf32>,
      %parallel_loop3A_262 = arith.constant 512 : i32
      %parallel_loop3A_263 = arith.addi %parallel_loop3A_262, %parallel_loop3A_184 : i32
      %parallel_loop3A_264 = arith.index_cast %parallel_loop3A_263 : i32 to index
      %parallel_loop3A_265 = tpu.vector_load %arg11[%parallel_loop3A_264] {strides = array<i32>} : memref<4096xi32, #tpu.memory_space<vmem>>, vector<16xi32>,
      tpu.vector_store %arg11[%parallel_loop3A_264], %parallel_loop3A_260 {strides = array<i32>} : memref<4096xi32, #tpu.memory_space<vmem>>, vector<16xi32>,
      %parallel_loop3A_266 = arith.constant 512 : i32
      %parallel_loop3A_267 = arith.addi %parallel_loop3A_266, %parallel_loop3A_184 : i32
      %parallel_loop3A_268 = arith.index_cast %parallel_loop3A_267 : i32 to index
      %parallel_loop3A_269 = tpu.vector_load %arg12[%parallel_loop3A_268] {strides = array<i32>} : memref<4096xf32, #tpu.memory_space<vmem>>, vector<16xf32>,
      tpu.vector_store %arg12[%parallel_loop3A_268], %parallel_loop3A_261 {strides = array<i32>} : memref<4096xf32, #tpu.memory_space<vmem>>, vector<16xf32>,
      %parallel_loop3A_270 = arith.constant 5 : i32
      %parallel_loop3A_271 = vector.broadcast %parallel_loop3A_270 : i32 to vector<16xi32>
      %parallel_loop3A_272 = arith.addi %parallel_loop3A_172, %parallel_loop3A_271 : vector<16xi32>
      %parallel_loop3A_273 = arith.constant 7 : i32
      %parallel_loop3A_274 = vector.broadcast %parallel_loop3A_273 : i32 to vector<16xi32>
      %parallel_loop3A_275 = arith.andi %parallel_loop3A_272, %parallel_loop3A_274 : vector<16xi32>
      %parallel_loop3A_276 = arith.addi %parallel_loop3A_175, %parallel_loop3A_275 : vector<16xi32>
      %parallel_loop3A_277 = tpu.vector_load_idx %arg9[%parallel_loop3A_276] : memref<4096xi32, #tpu.memory_space<vmem>>[vector<16xi32>], vector<16xi32>,
      %parallel_loop3A_278 = tpu.vector_load_idx %arg10[%parallel_loop3A_276] : memref<4096xf32, #tpu.memory_space<vmem>>[vector<16xi32>], vector<16xf32>,
      %parallel_loop3A_279 = arith.constant 640 : i32
      %parallel_loop3A_280 = arith.addi %parallel_loop3A_279, %parallel_loop3A_184 : i32
      %parallel_loop3A_281 = arith.index_cast %parallel_loop3A_280 : i32 to index
      %parallel_loop3A_282 = tpu.vector_load %arg11[%parallel_loop3A_281] {strides = array<i32>} : memref<4096xi32, #tpu.memory_space<vmem>>, vector<16xi32>,
      tpu.vector_store %arg11[%parallel_loop3A_281], %parallel_loop3A_277 {strides = array<i32>} : memref<4096xi32, #tpu.memory_space<vmem>>, vector<16xi32>,
      %parallel_loop3A_283 = arith.constant 640 : i32
      %parallel_loop3A_284 = arith.addi %parallel_loop3A_283, %parallel_loop3A_184 : i32
      %parallel_loop3A_285 = arith.index_cast %parallel_loop3A_284 : i32 to index
      %parallel_loop3A_286 = tpu.vector_load %arg12[%parallel_loop3A_285] {strides = array<i32>} : memref<4096xf32, #tpu.memory_space<vmem>>, vector<16xf32>,
      tpu.vector_store %arg12[%parallel_loop3A_285], %parallel_loop3A_278 {strides = array<i32>} : memref<4096xf32, #tpu.memory_space<vmem>>, vector<16xf32>,
      %parallel_loop3A_287 = arith.constant 6 : i32
      %parallel_loop3A_288 = vector.broadcast %parallel_loop3A_287 : i32 to vector<16xi32>
      %parallel_loop3A_289 = arith.addi %parallel_loop3A_172, %parallel_loop3A_288 : vector<16xi32>
      %parallel_loop3A_290 = arith.constant 7 : i32
      %parallel_loop3A_291 = vector.broadcast %parallel_loop3A_290 : i32 to vector<16xi32>
      %parallel_loop3A_292 = arith.andi %parallel_loop3A_289, %parallel_loop3A_291 : vector<16xi32>
      %parallel_loop3A_293 = arith.addi %parallel_loop3A_175, %parallel_loop3A_292 : vector<16xi32>
      %parallel_loop3A_294 = tpu.vector_load_idx %arg9[%parallel_loop3A_293] : memref<4096xi32, #tpu.memory_space<vmem>>[vector<16xi32>], vector<16xi32>,
      %parallel_loop3A_295 = tpu.vector_load_idx %arg10[%parallel_loop3A_293] : memref<4096xf32, #tpu.memory_space<vmem>>[vector<16xi32>], vector<16xf32>,
      %parallel_loop3A_296 = arith.constant 768 : i32
      %parallel_loop3A_297 = arith.addi %parallel_loop3A_296, %parallel_loop3A_184 : i32
      %parallel_loop3A_298 = arith.index_cast %parallel_loop3A_297 : i32 to index
      %parallel_loop3A_299 = tpu.vector_load %arg11[%parallel_loop3A_298] {strides = array<i32>} : memref<4096xi32, #tpu.memory_space<vmem>>, vector<16xi32>,
      tpu.vector_store %arg11[%parallel_loop3A_298], %parallel_loop3A_294 {strides = array<i32>} : memref<4096xi32, #tpu.memory_space<vmem>>, vector<16xi32>,
      %parallel_loop3A_300 = arith.constant 768 : i32
      %parallel_loop3A_301 = arith.addi %parallel_loop3A_300, %parallel_loop3A_184 : i32
      %parallel_loop3A_302 = arith.index_cast %parallel_loop3A_301 : i32 to index
      %parallel_loop3A_303 = tpu.vector_load %arg12[%parallel_loop3A_302] {strides = array<i32>} : memref<4096xf32, #tpu.memory_space<vmem>>, vector<16xf32>,
      tpu.vector_store %arg12[%parallel_loop3A_302], %parallel_loop3A_295 {strides = array<i32>} : memref<4096xf32, #tpu.memory_space<vmem>>, vector<16xf32>,
      %parallel_loop3A_304 = arith.constant 7 : i32
      %parallel_loop3A_305 = vector.broadcast %parallel_loop3A_304 : i32 to vector<16xi32>
      %parallel_loop3A_306 = arith.addi %parallel_loop3A_172, %parallel_loop3A_305 : vector<16xi32>
      %parallel_loop3A_307 = arith.constant 7 : i32
      %parallel_loop3A_308 = vector.broadcast %parallel_loop3A_307 : i32 to vector<16xi32>
      %parallel_loop3A_309 = arith.andi %parallel_loop3A_306, %parallel_loop3A_308 : vector<16xi32>
      %parallel_loop3A_310 = arith.addi %parallel_loop3A_175, %parallel_loop3A_309 : vector<16xi32>
      %parallel_loop3A_311 = tpu.vector_load_idx %arg9[%parallel_loop3A_310] : memref<4096xi32, #tpu.memory_space<vmem>>[vector<16xi32>], vector<16xi32>,
      %parallel_loop3A_312 = tpu.vector_load_idx %arg10[%parallel_loop3A_310] : memref<4096xf32, #tpu.memory_space<vmem>>[vector<16xi32>], vector<16xf32>,
      %parallel_loop3A_313 = arith.constant 896 : i32
      %parallel_loop3A_314 = arith.addi %parallel_loop3A_313, %parallel_loop3A_184 : i32
      %parallel_loop3A_315 = arith.index_cast %parallel_loop3A_314 : i32 to index
      %parallel_loop3A_316 = tpu.vector_load %arg11[%parallel_loop3A_315] {strides = array<i32>} : memref<4096xi32, #tpu.memory_space<vmem>>, vector<16xi32>,
      tpu.vector_store %arg11[%parallel_loop3A_315], %parallel_loop3A_311 {strides = array<i32>} : memref<4096xi32, #tpu.memory_space<vmem>>, vector<16xi32>,
      %parallel_loop3A_317 = arith.constant 896 : i32
      %parallel_loop3A_318 = arith.addi %parallel_loop3A_317, %parallel_loop3A_184 : i32
      %parallel_loop3A_319 = arith.index_cast %parallel_loop3A_318 : i32 to index
      %parallel_loop3A_320 = tpu.vector_load %arg12[%parallel_loop3A_319] {strides = array<i32>} : memref<4096xf32, #tpu.memory_space<vmem>>, vector<16xf32>,
      tpu.vector_store %arg12[%parallel_loop3A_319], %parallel_loop3A_312 {strides = array<i32>} : memref<4096xf32, #tpu.memory_space<vmem>>, vector<16xf32>,
    } {sc.loop_unroll_factor = 4 : i64, sc.parallel_access}
    %mul3A_156 = arith.constant 4096 : i32
    %mul3A_157 = arith.muli %add3A, %mul3A_156 : i32
    %dma_start3A_158 = tpu.memref_slice %arg4[%mul3A_157] : memref<131072xi32, #tpu.memory_space<hbm>> -> memref<4096xi32, #tpu.memory_space<hbm>>
    %dma_start3A_159 = tpu.memref_slice %arg4[%mul3A_157] : memref<131072xi32, #tpu.memory_space<hbm>> -> memref<4096xi32, #tpu.memory_space<hbm>>
    tpu.enqueue_dma source(%arg11 : memref<4096xi32, #tpu.memory_space<vmem>>) target(%dma_start3A_159 : memref<4096xi32, #tpu.memory_space<hbm>>) target_semaphore(%arg14 : memref<!tpu.dma_semaphore, #tpu.memory_space<semaphore_mem>>)
    %mul3A_160 = arith.constant 4096 : i32
    %mul3A_161 = arith.muli %add3A, %mul3A_160 : i32
    %dma_start3A_162 = tpu.memref_slice %arg5[%mul3A_161] : memref<131072xf32, #tpu.memory_space<hbm>> -> memref<4096xf32, #tpu.memory_space<hbm>>
    %dma_start3A_163 = tpu.memref_slice %arg5[%mul3A_161] : memref<131072xf32, #tpu.memory_space<hbm>> -> memref<4096xf32, #tpu.memory_space<hbm>>
    tpu.enqueue_dma source(%arg12 : memref<4096xf32, #tpu.memory_space<vmem>>) target(%dma_start3A_163 : memref<4096xf32, #tpu.memory_space<hbm>>) target_semaphore(%arg14 : memref<!tpu.dma_semaphore, #tpu.memory_space<semaphore_mem>>)
    %dma_wait3A_164 = tpu.memref_slice %arg4[%mul3A_157] : memref<131072xi32, #tpu.memory_space<hbm>> -> memref<4096xi32, #tpu.memory_space<hbm>>
    %dma_wait3A_165 = tpu.memref_slice %arg4[%mul3A_157] : memref<131072xi32, #tpu.memory_space<hbm>> -> memref<4096xi32, #tpu.memory_space<hbm>>
    tpu.wait_dma2 semaphore(%arg14 : memref<!tpu.dma_semaphore, #tpu.memory_space<semaphore_mem>>) src(%arg11 : memref<4096xi32, #tpu.memory_space<vmem>>) dst(%dma_wait3A_165 : memref<4096xi32, #tpu.memory_space<hbm>>)
    %dma_wait3A_166 = tpu.memref_slice %arg5[%mul3A_161] : memref<131072xf32, #tpu.memory_space<hbm>> -> memref<4096xf32, #tpu.memory_space<hbm>>
    %dma_wait3A_167 = tpu.memref_slice %arg5[%mul3A_161] : memref<131072xf32, #tpu.memory_space<hbm>> -> memref<4096xf32, #tpu.memory_space<hbm>>
    tpu.wait_dma2 semaphore(%arg14 : memref<!tpu.dma_semaphore, #tpu.memory_space<semaphore_mem>>) src(%arg12 : memref<4096xf32, #tpu.memory_space<vmem>>) dst(%dma_wait3A_167 : memref<4096xf32, #tpu.memory_space<hbm>>)
    return
  }
}

</mosaic_0001>

<sc_bundles>
// kernel: kernel.3.cloned.1.call-start
scs
__scs_entry_jumppad:
0x0: {  	(pc) =	sbr.rel $0x88, $3  }
0x1: {  	(tag) =	ssettag $0x0;
	lr =	simm.s32 $0x1  }
0x2: {  	[smem:$0x3F9F] =	sst lr;
	_ =	strace $0xD0000000  }
0x3: {  	_ = 	snop  }
0x4: {  	_ = 	snop  }
0x5: {  	_ = 	snop  }
0x6: {  	_ = 	snop  }
0x7: {  	_ = 	snop  }
__scs_overlays_trampoline_lowered:
0x8: {  	[smem:$0x3FAE] =	sst s0  }
0x9: {  	[smem:$0x3FAF] =	sst s1  }
0xa: {  	[smem:$0x3FB0] =	sst s2  }
0xb: {  	[smem:$0x3FB1] =	sst s3  }
0xc: {  	[smem:$0x3FB2] =	sst s4  }
0xd: {  	[smem:$0x3FB3] =	sst s5  }
0xe: {  	[smem:$0x3FB4] =	sst s6  }
0xf: {  	[smem:$0x3FB5] =	sst s7  }
0x10: {  	[smem:$0x3FB6] =	sst s8  }
0x11: {  	[smem:$0x3FB7] =	sst s9;
	s0 =	simm.s32 @!p0 $0x0  }
0x12: {  	s1 =	sld [smem:$0x3F9D];
	s0 =	simm.s32 @p0 $0x1  }
0x13: {  	[smem:$0x3FB8] =	sst s0;
	s0 =	simm.s32 @!p1 $0x0  }
0x14: {  	s2 =	sld [smem:$0x3F9C];
	s0 =	simm.s32 @p1 $0x1  }
0x15: {  	[smem:$0x3FB9] =	sst s0;
	s0 =	simm.s32 @!p2 $0x0  }
0x16: {  	s3 =	sld [smem:$0x3FDB];
	s0 =	simm.s32 @p2 $0x1  }
0x17: {  	s4 =	simm.s32 $0x1BF5;
	[smem:$0x3FBB] =	sst s0  }
0x18: {  	s0 =	sld [smem:$0x3F9E];
	_ =	swait.ge [sflag:s4], $0x0  }
0x19: {  	s7 =	sld [smem:$0x3F9F]  }
0x1a: {  	s8 =	sadd.s32 $0xFFFFE003, lr  }
0x1b: {  	s9 =	sadd.s32 $0xFFFFFEF7, lr;
	s5 =	simm.s32 $0xFFFFFFFF;
	p2 =	slt.u32 s8, $0xFFFFF086  }
0x1c: {  	p1 =	slt.u32 s9, $0xF7A;
	s5 =	simm.s32 @!p2 $0x0  }
0x1d: {  	s5 =	simm.s32 @p1 $0x1;
	p0 =	seq.s32 s7, s2  }
0x1e: {  	s7 =	smul.u32 @!p0 $0xF7A, s2;
	p2 =	seq.s32 @!p0 s5, $0x0  }
0x1f: {  	s9 =	smul.u32 $0xF7A, s1;
	s8 =	simm.s32 @!p0 $0x1BF5;
	p2 =	por !p2, p0  }
0x20: {  	[sflag:s8] =	ssyncset.s32 @!p0 $0xFFFFF086;
	s6 =	sadd.s32 @!p0 s3, s7;
	s7 =	simm.s32 @!p0 $0x108  }
0x21: {  	s3 =	sadd.s32 s3, s9;
	s6 =	sadd.s32 @!p0 $0x88, s6;
	s7 =	simm.s32 @p2 $0x1082  }
0x22: {  	[simem:s7], [sflag:s8] =	dma.local @!p0 [hbm:s6], $0xF7A  }
0x23: {  	s9 =	sor.u32 $0xD0000000, s2;
	s6 =	simm.s32 $0x108;
	_ =	swait.ge @!p0 [sflag:s8], $0x0  }
0x24: {  	s3 =	sadd.s32 $0x88, s3;
	s6 =	simm.s32 @!p1 $0x1082;
	[sflag:s4] =	ssyncset.s32 $0xFFFFF086  }
0x25: {  	[simem:s6], [sflag:s4] =	dma.local [hbm:s3], $0xF7A  }
0x26: {  	[smem:$0x3F9F] =	sst s1;
	(tag) =	ssettag s2;
	_ =	strace s9  }
0x27: {  	s1 =	sld [smem:$0x3FAF]  }
0x28: {  	s2 =	sld [smem:$0x3FB0]  }
0x29: {  	s4 =	sld [smem:$0x3FB2]  }
0x2a: {  	p0 =	seq.s32 s5, $0x0;
	s5 =	sld [smem:$0x3FB3]  }
0x2b: {  	s6 =	sld [smem:$0x3FB4]  }
0x2c: {  	s7 =	sld [smem:$0x3FB5]  }
0x2d: {  	s3 =	simm.s32 $0x108;
	s8 =	sld [smem:$0x3FB6]  }
0x2e: {  	s3 =	simm.s32 @!p0 $0x1082;
	s9 =	sld [smem:$0x3FB7]  }
0x2f: {  	lr =	sadd.s32 s0, s3;
	s0 =	sld [smem:$0x3FAE]  }
0x30: {  	s3 =	sld [smem:$0x3FB1]  }
0x31: {  	[smem:$0x3FBA] =	sst s10  }
0x32: {  	s10 =	sld [smem:$0x3FB8];
	_ =	sdelay $0x3  }
0x33: {  	p0 =	seq.s32 s10, $0x1;
	s10 =	sld [smem:$0x3FBA];
	_ =	sdelay $0x3  }
0x34: {  	[smem:$0x3FBA] =	sst s10  }
0x35: {  	s10 =	sld [smem:$0x3FB9];
	_ =	sdelay $0x3  }
0x36: {  	p1 =	seq.s32 s10, $0x1;
	s10 =	sld [smem:$0x3FBA];
	_ =	sdelay $0x3  }
0x37: {  	[smem:$0x3FBA] =	sst s10  }
0x38: {  	s10 =	sld [smem:$0x3FBB]  }
0x39: {  	_ = 	snop;
	(pc) =	sbr.ind lr, $3  }
0x3a: {  	_ = 	snop  }
0x3b: {  	_ = 	snop  }
0x3c: {  	p2 =	seq.s32 s10, $0x1;
	s10 =	sld [smem:$0x3FBA]  }
0x3d: {  	_ =	shalt  }
0x3e: {  	_ =	shalt  }
0x3f: {  	_ =	shalt  }
0x40: {  	_ =	shalt  }
0x41: {  	_ =	shalt  }
0x42: {  	_ =	shalt  }
0x43: {  	_ =	shalt  }
0x44: {  	_ =	shalt  }
0x45: {  	_ =	shalt  }
0x46: {  	_ =	shalt  }
0x47: {  	_ =	shalt  }
0x48: {  	_ =	shalt  }
0x49: {  	_ =	shalt  }
0x4a: {  	_ =	shalt  }
0x4b: {  	_ =	shalt  }
0x4c: {  	_ =	shalt  }
0x4d: {  	_ =	shalt  }
0x4e: {  	_ =	shalt  }
0x4f: {  	_ =	shalt  }
0x50: {  	_ =	shalt  }
0x51: {  	_ =	shalt  }
0x52: {  	_ =	shalt  }
0x53: {  	_ =	shalt  }
0x54: {  	_ =	shalt  }
0x55: {  	_ =	shalt  }
0x56: {  	_ =	shalt  }
0x57: {  	_ =	shalt  }
0x58: {  	_ =	shalt  }
0x59: {  	_ =	shalt  }
0x5a: {  	_ =	shalt  }
0x5b: {  	_ =	shalt  }
0x5c: {  	_ =	shalt  }
0x5d: {  	_ =	shalt  }
0x5e: {  	_ =	shalt  }
0x5f: {  	_ =	shalt  }
0x60: {  	_ =	shalt  }
0x61: {  	_ =	shalt  }
0x62: {  	_ =	shalt  }
0x63: {  	_ =	shalt  }
0x64: {  	_ =	shalt  }
0x65: {  	_ =	shalt  }
0x66: {  	_ =	shalt  }
0x67: {  	_ =	shalt  }
0x68: {  	_ =	shalt  }
0x69: {  	_ =	shalt  }
0x6a: {  	_ =	shalt  }
0x6b: {  	_ =	shalt  }
0x6c: {  	_ =	shalt  }
0x6d: {  	_ =	shalt  }
0x6e: {  	_ =	shalt  }
0x6f: {  	_ =	shalt  }
0x70: {  	_ =	shalt  }
0x71: {  	_ =	shalt  }
0x72: {  	_ =	shalt  }
0x73: {  	_ =	shalt  }
0x74: {  	_ =	shalt  }
0x75: {  	_ =	shalt  }
0x76: {  	_ =	shalt  }
0x77: {  	_ =	shalt  }
0x78: {  	_ =	shalt  }
0x79: {  	_ =	shalt  }
0x7a: {  	_ =	shalt  }
0x7b: {  	_ =	shalt  }
0x7c: {  	_ =	shalt  }
0x7d: {  	_ =	shalt  }
0x7e: {  	_ =	shalt  }
0x7f: {  	_ =	shalt  }
0x80: {  	_ =	shalt  }
0x81: {  	_ =	shalt  }
0x82: {  	_ =	shalt  }
0x83: {  	_ =	shalt  }
0x84: {  	_ =	shalt  }
0x85: {  	_ =	shalt  }
0x86: {  	_ =	shalt  }
0x87: {  	_ =	shalt  }
.Lfunc_end0:
.L_simem_size_0:
called_computation_lowered:
.L_overlay_start_0:
0x88: {  	s2 =	sld [smem:$0x3FD9]  }
0x89: {  	s3 =	sld [smem:$0x3FFE];
	_ =	sdelay $0x1  }
0x8a: {  	s1 =	srdreg.scid  }
0x8b: {  	s0 =	sand.u32 $0x1, s1  }
0x8c: {  	s15 =	sshll.u32 s0, $0xA;
	s2 =	sadd.s32 s3, s2  }
0x8d: {  	s2 =	sadd.s32 s2, s15  }
0x8e: {  	[smem:$0x3FC6] =	sst s2  }
0x8f: {  	_ = 	snop  }
0x90: {  	s2 =	sld [smem:$0x3FD0];
	_ =	sdelay $0x1  }
0x91: {  	s16 =	sld [smem:$0x3FC9]  }
0x92: {  	s5 =	simm.s32 $0xA;
	s6 =	simm.s32 $0x10;
	s4 =	sld [smem:$0x3FC8]  }
0x93: {  	[smem:s6], [sflag:s5] =	dma.local [hbm:s2], $0x1  }
0x94: {  	_ =	swait.eq [sflag:s5], $0x1  }
0x95: {  	[sflag:s5] =	ssyncset.done $0x0  }
0x96: {  	s17 =	sld [smem:$0x10];
	[sflag:s5] =	ssyncadd.s32 $0xFFFFFFFF  }
0x97: {  	s18 =	sld [smem:$0x11];
	(tm) =	ssettm $0x1  }
0x98: {  	s19 =	sld [smem:$0x3FFB];
	_ =	sdelay $0x3  }
0x99: {  	_ =	strace s19  }
0x9a: {  	s6 =	sld [smem:$0x3FFC];
	_ =	sdelay $0x3  }
0x9b: {  	_ =	strace s6  }
0x9c: {  	s6 =	sld [smem:$0x3FFD];
	_ =	sdelay $0x3  }
0x9d: {  	_ =	strace s6  }
0x9e: {  	_ =	strace $0x8FFFFFFF  }
0x9f: {  	s20 =	sld [smem:$0x3FDB];
	_ =	sdelay $0x1  }
0xa0: {  	s7 =	simm.s32 $_scs_section_size  }
0xa1: {  	s8 =	simm.s32 $_size__tile_overlayer_lowered;
	s9 =	simm.s32 $_tile_overlayer_lowered  }
0xa2: {  	s23 =	simm.s32 $0x1BFF;
	s22 =	sshll.u32 s9, $0x1;
	s6 =	sadd.s32 s7, s20  }
0xa3: {  	s10 =	simm.s32 $0x0;
	s21 =	sshll.u32 s8, $0x1;
	s8 =	sadd.s32 s22, s6  }
0xa4: {  	[timem:s10], [sflag:s23] =	dma.local [hbm:s8], s21  }
0xa5: {  	_ =	swait.ge [sflag:s23], s21  }
0xa6: {  	s7 =	ssub.s32 $0x0, s21;
	[sflag:s23] =	ssyncset.done $0x0  }
0xa7: {  	[sflag:s23] =	ssyncadd.s32 s7;
	_ =	sdelay $0x1  }
0xa8: {  	s24 =	simm.s32 $0x1B8B  }
0xa9: {  	_ =	swait.ge [sflag:s24], $0x1  }
0xaa: {  	[sflag:s24] =	ssyncset.done $0x0  }
0xab: {  	s25 =	simm.s32 $0x1B8E;
	[sflag:s24] =	ssyncadd.s32 $0xFFFFFFFF  }
0xac: {  	s26 =	simm.s32 $execute0_lowered;
	[smem:$0x3FD2] =	sst s25  }
0xad: {  	s7 =	sshll.u32 s26, $0x1;
	_ =	strace $0x80000046;
	[dreg:$0x1] =	wrdreg $0xFFFFFFFF  }
0xae: {  	s28 =	simm.s32 $_size_execute0_lowered;
	s6 =	sadd.s32 s6, s7;
	[dreg:$0x0] =	wrdreg $0x0  }
0xaf: {  	s7 =	sshll.u32 s28, $0x1;
	[dreg:$0x2] =	wrdreg s6  }
0xb0: {  	[dreg:$0x3] =	wrdreg s7  }
0xb1: {  	[dreg:$0x4] =	wrdreg $0xC0  }
0xb2: {  	_ =	task [dreg:s10], $0x5FFFF  }
0xb3: {  	[dreg:$0x1] =	wrdreg $0xFFFFFFFF  }
0xb4: {  	[dreg:$0x0] =	wrdreg $0x60  }
0xb5: {  	[dreg:$0x2] =	wrdreg s16  }
0xb6: {  	[dreg:$0x3] =	wrdreg s4  }
0xb7: {  	[dreg:$0x4] =	wrdreg s17  }
0xb8: {  	[dreg:$0x5] =	wrdreg s18  }
0xb9: {  	[dreg:$0x6] =	wrdreg $0x9  }
0xba: {  	_ =	task.clear_ibuf [dreg:s10], $0x7FFFF;
	_ =	strace $0x90000046  }
0xbb: {  	s29 =	simm.s32 $0x9;
	_ =	strace $0x80000048  }
0xbc: {  	_ =	swait.ge [sflag:s29], $0x1  }
0xbd: {  	[sflag:s29] =	ssyncadd.s32 $0xFFFFFFFF  }
0xbe: {  	_ =	strace $0x90000048  }
0xbf: {  	_ =	sfence  }
0xc0: {  	s30 =	sld [smem:$0x0];
	_ =	sdelay $0x2  }
0xc1: {  	s31 =	sshll.u32 s1, $0xD;
	s1 =	sshrl.u32 s1, $0x2  }
0xc2: {  	s3 =	sand.u32 $0x4000, s31;
	s1 =	sadd.s32 s1, s30  }
0xc3: {  	s0 =	sor.u32 s3, s0;
	s1 =	sshll.u32 s1, $0x11  }
0xc4: {  	s0 =	sor.u32 s1, s0  }
0xc5: {  	s0 =	sadd.s32 $0x8F2B, s0  }
0xc6: {  	[sflag:s0] =	ssyncadd.remote.s32 $0x1  }
0xc7: {  	_ =	sfence.sel $0xFFFF  }
0xc8: {  	[dreg:$0x0] =	wrdreg $0xFFFFFFFF;
	(pc) =	sbr.abs _section_cstart, $3  }
0xc9: {  	[dreg:$0x1] =	wrdreg $0xFFFFFFFF  }
0xca: {  	_ =	task.clear_ibuf [dreg:s10], $0x2FFFF;
	_ =	strace $0x9FFFFFFF  }
0xcb: {  	(tm) =	ssettm $0x7FFFFFFF  }
tec
execute0_lowered:
.L_overlay_start_1:
0x0: {  	(tag) =	ssettag $0x1  }
0x1: {  	s0 =	rddreg [dreg:$0x0]  }
0x2: {  	s1 =	rddreg [dreg:$0x2];
	s3 =	srdreg.scid  }
0x3: {  	s2 =	rddreg [dreg:$0x3];
	s5 =	stileid.u32;
	s4 =	sand.u32 $0x1, s3  }
0x4: {  	s3 =	simm.s32 $0x0;
	s5 =	sshll.u32 s5, $0xA;
	s6 =	sshll.u32 s4, $0x9  }
0x5: {  	[smem:$0x7FF] =	sst s3;
	s5 =	sor.u32 s6, s5  }
0x6: {  	s7 =	ssub.s32 $0x2, s4;
	_ =	strace $0x80000047;
	s1 =	sadd.s32 s1, s5  }
0x7: {  	s4 =	sadd.s32 s0, s5;
	s30 =	sadd.s32 s2, s5;
	[dreg:$0xc] =	wrdreg s1  }
0x8: {  	s0 =	sadd.s32 $0x4000, s4;
	[dreg:$0xd] =	wrdreg s30  }
0x9: {  	v1 =	vimm.s32 $0x7654321;
	v5 =	vimm.s32 $0x10765432;
	s21 =	sadd.s32 $0x8000, s4;
	[dreg:$0x5] =	wrdreg s0  }
0xa: {  	v0 =	vlaneseq.u32;
	v6 =	vimm.s32 $0x21076543;
	v7 =	vimm.s32 $0x32107654;
	s22 =	sadd.s32 $0xC000, s4;
	[dreg:$0x6] =	wrdreg s21  }
0xb: {  	vm0 =	vmmov $0xff;
	v8 =	vimm.s32 $0x43210765;
	v9 =	vimm.s32 $0x54321076;
	s23 =	sadd.s32 $0x10000, s4;
	[dreg:$0x7] =	wrdreg s22  }
0xc: {  	v10 =	vimm.s32 $0x65432107;
	v4 =	vunpack.c.l.s4.s8 v1;
	v1 =	vor.u32 $0x10, v0;
	s24 =	sadd.s32 $0x14000, s4;
	[dreg:$0x8] =	wrdreg s23  }
0xd: {  	s28 =	simm.s32 $0x11080;
	v2 =	vor.u32 $0x20, v0;
	v3 =	vor.u32 $0x30, v0;
	v5 =	vunpack.c.l.s4.s8 v5;
	s25 =	sadd.s32 $0x18000, s4;
	[dreg:$0x9] =	wrdreg s24  }
0xe: {  	v6 =	vunpack.c.l.s4.s8 v6;
	v7 =	vunpack.c.l.s4.s8 v7;
	v8 =	vunpack.c.l.s4.s8 v8;
	s20 =	sshrl.u32 s7, $0x1;
	s26 =	sadd.s32 $0x1C000, s4;
	[dreg:$0xa] =	wrdreg s25  }
0xf: {  	s31 =	simm.s32 $0x2;
	v9 =	vunpack.c.l.s4.s8 v9;
	v10 =	vunpack.c.l.s4.s8 v10;
	v4 =	vunpack.c.0.s8.s32 v4;
	s29 =	ssub.s32 s7, s20;
	[dreg:$0xb] =	wrdreg s26  }
0x10: {  	v5 =	vunpack.c.0.s8.s32 v5;
	v6 =	vunpack.c.0.s8.s32 v6;
	v7 =	vunpack.c.0.s8.s32 v7;
	s22 =	smax.u32 s29, $0x1;
	s23 =	simm.s32 $0x3;
	s24 =	simm.s32 $0x1  }
0x11: {  	v8 =	vunpack.c.0.s8.s32 v8;
	v9 =	vunpack.c.0.s8.s32 v9;
	v10 =	vunpack.c.0.s8.s32 v10;
	s25 =	simm.s32 $0x8000;
	s26 =	simm.s32 $0x10080;
	s0 =	simm.s32 $0x0  }
.LBB2_1:
0x12: {  	[tilespmem:s3], [sflag:$0x1] =	stream.linear.gather [hbm4b:s4+s3], $0x1000, $0x38;
	[tilespmem:$0x14080] =	vst v63  }
0x13: {  	s1 =	rddreg [dreg:$0x5];
	s2 =	simm.s32 $0x1000  }
0x14: {  	[tilespmem:s2], [sflag:$0x1] =	stream.linear.gather [hbm4b:s1+s3], $0x1000, $0x38;
	[tilespmem:$0x14080] =	vst v63  }
0x15: {  	s16 =	rddreg [dreg:$0x6];
	s17 =	simm.s32 $0x2000  }
0x16: {  	[tilespmem:s17], [sflag:$0x1] =	stream.linear.gather [hbm4b:s16+s3], $0x1000, $0x38;
	[tilespmem:$0x14080] =	vst v63  }
0x17: {  	s18 =	rddreg [dreg:$0x7];
	s19 =	simm.s32 $0x3000  }
0x18: {  	[tilespmem:s19], [sflag:$0x1] =	stream.linear.gather [hbm4b:s18+s3], $0x1000, $0x38;
	[tilespmem:$0x14080] =	vst v63  }
0x19: {  	s20 =	rddreg [dreg:$0x8];
	s21 =	simm.s32 $0x4000  }
0x1a: {  	[tilespmem:s21], [sflag:$0x1] =	stream.linear.gather [hbm4b:s20+s3], $0x1000, $0x38;
	[tilespmem:$0x14080] =	vst v63  }
0x1b: {  	s29 =	rddreg [dreg:$0x9];
	s30 =	simm.s32 $0x5000  }
0x1c: {  	[tilespmem:s30], [sflag:$0x1] =	stream.linear.gather [hbm4b:s29+s3], $0x1000, $0x38;
	[tilespmem:$0x14080] =	vst v63  }
0x1d: {  	s5 =	simm.s32 $0x6000;
	s2 =	rddreg [dreg:$0xa]  }
0x1e: {  	[tilespmem:s5], [sflag:$0x1] =	stream.linear.gather [hbm4b:s2+s3], $0x1000, $0x38;
	[tilespmem:$0x14080] =	vst v63  }
0x1f: {  	s6 =	rddreg [dreg:$0xb];
	s7 =	simm.s32 $0x7000  }
0x20: {  	[tilespmem:s7], [sflag:$0x1] =	stream.linear.gather [hbm4b:s6+s3], $0x1000, $0x38;
	[tilespmem:$0x14080] =	vst v63  }
0x21: {  	s8 =	rddreg [dreg:$0x1];
	s9 =	simm.s32 $0x10000  }
0x22: {  	[tilespmem:s9], [sflag:$0x3] =	stream.linear.gather [hbm4b:s8+s3], $0x80, $0x38;
	[tilespmem:$0x14080] =	vst v63  }
0x23: {  	_ =	swait.ge [sflag:s23], $0x80  }
0x24: {  	[sflag:s23] =	ssyncset.done $0x0  }
0x25: {  	[sflag:s23] =	ssyncadd.s32 $0xFFFFFF80  }
0x26: {  	_ =	swait.ge [sflag:s24], $0x1000  }
0x27: {  	[sflag:s24] =	ssyncset.done $0x0  }
0x28: {  	[sflag:s24] =	ssyncadd.s32 $0xFFFFF000  }
0x29: {  	_ =	swait.ge [sflag:s24], $0x1000  }
0x2a: {  	[sflag:s24] =	ssyncset.done $0x0  }
0x2b: {  	[sflag:s24] =	ssyncadd.s32 $0xFFFFF000  }
0x2c: {  	_ =	swait.ge [sflag:s24], $0x1000  }
0x2d: {  	[sflag:s24] =	ssyncset.done $0x0  }
0x2e: {  	[sflag:s24] =	ssyncadd.s32 $0xFFFFF000  }
0x2f: {  	_ =	swait.ge [sflag:s24], $0x1000  }
0x30: {  	[sflag:s24] =	ssyncset.done $0x0  }
0x31: {  	[sflag:s24] =	ssyncadd.s32 $0xFFFFF000  }
0x32: {  	_ =	swait.ge [sflag:s24], $0x1000  }
0x33: {  	[sflag:s24] =	ssyncset.done $0x0  }
0x34: {  	[sflag:s24] =	ssyncadd.s32 $0xFFFFF000  }
0x35: {  	_ =	swait.ge [sflag:s24], $0x1000  }
0x36: {  	[sflag:s24] =	ssyncset.done $0x0  }
0x37: {  	s10 =	simm.s32 $0x0;
	s11 =	sand.u32 $0x1F0, s3;
	[sflag:s24] =	ssyncadd.s32 $0xFFFFF000  }
0x38: {  	s12 =	sand.u32 $0xC00, s3;
	s1 =	sand.u32 $0x4, s10;
	_ =	swait.ge [sflag:s24], $0x1000  }
0x39: {  	s13 =	sor.u32 $0x1, s1;
	s10 =	sshll.u32 s1, $0x3;
	[sflag:s24] =	ssyncset.done $0x0  }
0x3a: {  	s14 =	sshll.u32 s13, $0x3;
	s5 =	sor.u32 $0x3, s1;
	[sflag:s24] =	ssyncadd.s32 $0xFFFFF000  }
0x3b: {  	s6 =	sshll.u32 s5, $0x3;
	s5 =	sshll.u32 s5, $0xC;
	_ =	swait.ge [sflag:s24], $0x1000  }
0x3c: {  	v11 =	vor.u32 s11, v0;
	s5 =	sor.u32 s12, s5;
	s8 =	sand.u32 $0x70, s3;
	[sflag:s24] =	ssyncset.done $0x0  }
0x3d: {  	v15 =	vshll.u32 v11, $0x6;
	v17 =	vadd.s32 s10, v11;
	v20 =	vadd.s32 s14, v11;
	s9 =	sor.u32 $0x2, s1;
	s7 =	sor.u32 s8, s5;
	[sflag:s24] =	ssyncadd.s32 $0xFFFFF000  }
0x3e: {  	s15 =	sshll.u32 s13, $0xC;
	v24 =	vand.u32 $0x3F, v17;
	v28 =	vadd.s32 $0x1, v17;
	v16 =	vadd.s32 s6, v11;
	s11 =	sshll.u32 s9, $0x3;
	v19 =	vld [tilespmem:s7+$0x0]  }
0x3f: {  	v31 =	vadd.s32 $0x2, v17;
	v12 =	vand.u32 $0x3F, v16;
	s5 =	sor.u32 s12, s15;
	s16 =	sshll.u32 s9, $0xC;
	v21 =	vadd.s32 s11, v11;
	v11 =	vld [tilespmem:$0x10000]  }
0x40: {  	v14 =	vand.u32 $0x3F, v20;
	v24 =	vor.u32 v15, v24;
	s1 =	sshll.u32 s1, $0xC;
	v18 =	vor.u32 v15, v12;
	s10 =	sor.u32 s8, s5;
	s17 =	sor.u32 s12, s16;
	v12 =	vld [tilespmem:$0x10010]  }
0x41: {  	v26 =	vadd.s32 $0x1, v20;
	v25 =	vor.u32 v15, v14;
	s1 =	sor.u32 s12, s1;
	v22 =	vand.u32 $0x3F, v21;
	s6 =	sor.u32 s8, s17;
	v29 =	vld [tilespmem:s10+$0x0]  }
0x42: {  	v30 =	vadd.s32 $0x2, v20;
	v31 =	vand.u32 $0x3F, v31;
	s9 =	sor.u32 s8, s1;
	v22 =	vor.u32 v15, v22;
	v32 =	vld [tilespmem:s6+$0x0]  }
0x43: {  	v35 =	vadd.s32 $0x3, v20;
	v30 =	vand.u32 $0x3F, v30;
	v13 =	vadd.s32 $0x1, v16;
	v34 =	vld [tilespmem:s9+$0x0]  }
0x44: {  	v31 =	vor.u32 v15, v31;
	v35 =	vand.u32 $0x3F, v35;
	v23 =	vand.u32 $0x3F, v13;
	v13 =	vld [tilespmem:$0x10020]  }
0x45: {  	s19 =	simm.s32 $0x8;
	v30 =	vor.u32 v15, v30;
	v35 =	vor.u32 v15, v35;
	v27 =	vadd.s32 $0x1, v21;
	v14 =	vld [tilespmem:$0x10030];
	[tilespmem:v18+s25+$0x0] =	vst.idx.msk $0xffff, v19  }
0x46: {  	s20 =	sand.u32 $0x1F0, s19;
	v23 =	vor.u32 v15, v23;
	v18 =	vand.u32 $0x3F, v26;
	v26 =	vand.u32 $0x3F, v27;
	[tilespmem:v25+s25+$0x0] =	vst.idx.msk $0xffff, v29;
	v27 =	vld [tilespmem:s7+$0x80]  }
0x47: {  	v39 =	vor.u32 s20, v0;
	v56 =	vadd.s32 $0x5, v16;
	[tilespmem:v22+s25+$0x0] =	vst.idx.msk $0xffff, v32;
	v18 =	vor.u32 v15, v18;
	v36 =	vld [tilespmem:s10+$0x80]  }
0x48: {  	v33 =	vadd.s32 $0x2, v21;
	v19 =	vand.u32 $0x3F, v28;
	[tilespmem:v24+s25+$0x0] =	vst.idx.msk $0xffff, v34;
	v26 =	vor.u32 v15, v26;
	v32 =	vld [tilespmem:s6+$0x80]  }
0x49: {  	v53 =	vadd.s32 $0x3, v21;
	v37 =	vadd.s32 $0x4, v21;
	v19 =	vor.u32 v15, v19;
	v34 =	vld [tilespmem:s9+$0x80]  }
0x4a: {  	v44 =	vadd.s32 $0x6, v21;
	v33 =	vand.u32 $0x3F, v33;
	v28 =	vadd.s32 $0x2, v16  }
0x4b: {  	v29 =	vadd.s32 $0x3, v16;
	v24 =	vadd.s32 $0x4, v17;
	v28 =	vand.u32 $0x3F, v28;
	[tilespmem:v23+s25+$0x0] =	vst.idx.msk $0xffff, v27  }
0x4c: {  	v29 =	vand.u32 $0x3F, v29;
	v24 =	vand.u32 $0x3F, v24;
	v28 =	vor.u32 v15, v28;
	[tilespmem:v18+s25+$0x0] =	vst.idx.msk $0xffff, v36;
	v25 =	vld [tilespmem:s7+$0x100]  }
0x4d: {  	v22 =	vor.u32 v15, v29;
	v23 =	vor.u32 v15, v33;
	v27 =	vadd.s32 $0x3, v17;
	[tilespmem:v26+s25+$0x0] =	vst.idx.msk $0xffff, v32  }
0x4e: {  	s18 =	simm.s32 $0x4;
	v33 =	vand.u32 $0x3F, v53;
	v26 =	vadd.s32 $0x5, v21;
	[tilespmem:v19+s25+$0x0] =	vst.idx.msk $0xffff, v34;
	v19 =	vadd.s32 $0x5, v17  }
0x4f: {  	s1 =	sand.u32 $0x4, s18;
	v21 =	vadd.s32 $0x7, v21;
	v27 =	vand.u32 $0x3F, v27;
	v33 =	vor.u32 v15, v33;
	v40 =	vld [tilespmem:s10+$0x100]  }
0x50: {  	s29 =	simm.s32 $0x40;
	s21 =	sor.u32 $0x3, s1;
	v42 =	vld [tilespmem:s6+$0x100];
	v19 =	vand.u32 $0x3F, v19;
	v29 =	vor.u32 v15, v27;
	v27 =	vadd.s32 $0x4, v20  }
0x51: {  	s8 =	sand.u32 $0xC00, s29;
	s30 =	sshll.u32 s21, $0x3;
	s11 =	sshll.u32 s21, $0xC;
	v43 =	vld [tilespmem:s9+$0x100];
	v21 =	vand.u32 $0x3F, v21;
	v19 =	vor.u32 v15, v19;
	v27 =	vand.u32 $0x3F, v27;
	[tilespmem:v28+s25+$0x0] =	vst.idx.msk $0xffff, v25  }
0x52: {  	s12 =	sand.u32 $0x70, s19;
	s13 =	sor.u32 s8, s11;
	v38 =	vor.u32 v15, v27;
	v27 =	vshll.u32 v39, $0x6;
	v28 =	vadd.s32 s30, v39;
	v18 =	vld [tilespmem:s7+$0x180]  }
0x53: {  	s11 =	sor.u32 s12, s13;
	v25 =	vand.u32 $0x3F, v37;
	v37 =	vor.u32 v15, v24;
	v41 =	vand.u32 $0x3F, v28  }
0x54: {  	v54 =	vld [tilespmem:s11+$0x0];
	v24 =	vadd.s32 $0x4, v16;
	[tilespmem:v30+s25+$0x0] =	vst.idx.msk $0xffff, v40;
	v36 =	vor.u32 v15, v25;
	v41 =	vor.u32 v27, v41  }
0x55: {  	[tilespmem:v23+s25+$0x0] =	vst.idx.msk $0xffff, v42;
	v25 =	vadd.s32 $0x5, v20;
	v24 =	vand.u32 $0x3F, v24;
	v30 =	vadd.s32 $0x1, v28;
	v40 =	vld [tilespmem:s10+$0x180]  }
0x56: {  	[tilespmem:v31+s25+$0x0] =	vst.idx.msk $0xffff, v43;
	v58 =	vld [tilespmem:s6+$0x180];
	v59 =	vadd.s32 $0x2, v28;
	v52 =	vadd.s32 $0x3, v28;
	v25 =	vand.u32 $0x3F, v25  }
0x57: {  	v31 =	vld [tilespmem:s9+$0x180];
	v55 =	vor.u32 v15, v24;
	v24 =	vand.u32 $0x3F, v26;
	[tilespmem:v22+s25+$0x0] =	vst.idx.msk $0xffff, v18;
	v22 =	vadd.s32 $0x6, v17  }
0x58: {  	v18 =	vadd.s32 $0x6, v20;
	v20 =	vadd.s32 $0x7, v20;
	v45 =	vand.u32 $0x3F, v22  }
0x59: {  	v26 =	vld [tilespmem:s7+$0x200];
	[tilespmem:v41+s25+$0x0] =	vst.idx.msk $0xffff, v54;
	v22 =	vand.u32 $0x3F, v30;
	v30 =	vand.u32 $0x3F, v44;
	v20 =	vand.u32 $0x3F, v20  }
0x5a: {  	s14 =	sor.u32 $0x1, s1;
	[tilespmem:v35+s25+$0x0] =	vst.idx.msk $0xffff, v40;
	v41 =	vld [tilespmem:s11+$0x80];
	v57 =	vor.u32 v27, v22;
	v22 =	vor.u32 v15, v30;
	v30 =	vand.u32 $0x3F, v56  }
0x5b: {  	s15 =	sshll.u32 s14, $0xC;
	s2 =	sshll.u32 s14, $0x3;
	[tilespmem:v33+s25+$0x0] =	vst.idx.msk $0xffff, v58;
	v35 =	vld [tilespmem:s10+$0x200];
	v32 =	vor.u32 v15, v30;
	v30 =	vor.u32 v15, v20;
	v20 =	vadd.s32 $0x6, v16  }
0x5c: {  	s5 =	sor.u32 s8, s15;
	s13 =	sor.u32 $0x2, s1;
	v34 =	vand.u32 $0x3F, v59;
	[tilespmem:v29+s25+$0x0] =	vst.idx.msk $0xffff, v31;
	v62 =	vld [tilespmem:s6+$0x200];
	v60 =	vand.u32 $0x3F, v20;
	v20 =	vadd.s32 s2, v39  }
0x5d: {  	s14 =	sshll.u32 s1, $0x3;
	s15 =	sshll.u32 s13, $0x3;
	v25 =	vor.u32 v15, v25;
	v29 =	vor.u32 v15, v21;
	v63 =	vld [tilespmem:s9+$0x200];
	s2 =	sor.u32 s12, s5;
	v48 =	vand.u32 $0x3F, v20  }
0x5e: {  	s1 =	sshll.u32 s1, $0xC;
	v21 =	vadd.s32 s14, v39;
	v31 =	vadd.s32 s15, v39;
	v49 =	vld [tilespmem:s2+$0x0];
	[tilespmem:v55+s25+$0x0] =	vst.idx.msk $0xffff, v26;
	v39 =	vor.u32 v27, v48  }
0x5f: {  	s13 =	sshll.u32 s13, $0xC;
	s1 =	sor.u32 s8, s1;
	v24 =	vor.u32 v15, v24;
	v34 =	vor.u32 v27, v34;
	v17 =	vadd.s32 $0x7, v17;
	v26 =	vld [tilespmem:s7+$0x280];
	[tilespmem:v57+s25+$0x0] =	vst.idx.msk $0xffff, v41  }
0x60: {  	s16 =	sor.u32 s8, s13;
	s1 =	sor.u32 s12, s1;
	v18 =	vand.u32 $0x3F, v18;
	v17 =	vand.u32 $0x3F, v17;
	v50 =	vand.u32 $0x3F, v21;
	v61 =	vld [tilespmem:s11+$0x100]  }
0x61: {  	v54 =	vadd.s32 $0x1, v31;
	v23 =	vor.u32 v15, v18;
	v56 =	vld [tilespmem:s1+$0x0];
	v16 =	vadd.s32 $0x7, v16;
	s5 =	sor.u32 s12, s16;
	[tilespmem:v38+s25+$0x0] =	vst.idx.msk $0xffff, v35  }
0x62: {  	v18 =	vor.u32 v15, v45;
	v17 =	vor.u32 v15, v17;
	v16 =	vand.u32 $0x3F, v16;
	v46 =	vld [tilespmem:s5+$0x0];
	[tilespmem:v37+s25+$0x0] =	vst.idx.msk $0xffff, v63  }
0x63: {  	v33 =	vor.u32 v15, v60;
	v47 =	vadd.s32 $0x1, v20;
	v16 =	vor.u32 v15, v16;
	v15 =	vld [tilespmem:s10+$0x280];
	[tilespmem:v39+s25+$0x0] =	vst.idx.msk $0xffff, v49  }
0x64: {  	v58 =	vand.u32 $0x3F, v47;
	v47 =	vld [tilespmem:s9+$0x280];
	[tilespmem:v32+s25+$0x0] =	vst.idx.msk $0xffff, v26;
	v26 =	vand.u32 $0x3F, v31;
	v32 =	vor.u32 v27, v50  }
0x65: {  	v53 =	vand.u32 $0x3F, v52;
	v35 =	vand.u32 $0x3F, v54;
	v43 =	vld [tilespmem:s2+$0x80];
	v26 =	vor.u32 v27, v26;
	[tilespmem:v34+s25+$0x0] =	vst.idx.msk $0xffff, v61  }
0x66: {  	[tilespmem:v36+s25+$0x0] =	vst.idx.msk $0xffff, v62;
	v62 =	vadd.s32 $0x2, v20;
	v63 =	vadd.s32 $0x2, v21;
	v34 =	vor.u32 v27, v53;
	v55 =	vld [tilespmem:s11+$0x180]  }
0x67: {  	v48 =	vadd.s32 $0x2, v31;
	v54 =	vadd.s32 $0x3, v31;
	v57 =	vadd.s32 $0x1, v21;
	v51 =	vld [tilespmem:s7+$0x300]  }
0x68: {  	v60 =	vor.u32 v27, v58;
	v35 =	vor.u32 v27, v35;
	v59 =	vand.u32 $0x3F, v57;
	[tilespmem:v25+s25+$0x0] =	vst.idx.msk $0xffff, v15;
	v61 =	vld [tilespmem:s6+$0x280]  }
0x69: {  	v58 =	vadd.s32 $0x4, v20;
	v37 =	vor.u32 v27, v59;
	v59 =	vadd.s32 $0x4, v31;
	v57 =	vld [tilespmem:s10+$0x300];
	[tilespmem:v32+s25+$0x0] =	vst.idx.msk $0xffff, v56  }
0x6a: {  	v39 =	vand.u32 $0x3F, v62;
	v49 =	vand.u32 $0x3F, v63;
	[tilespmem:v26+s25+$0x0] =	vst.idx.msk $0xffff, v46;
	v26 =	vadd.s32 $0x4, v28;
	v52 =	vld [tilespmem:s1+$0x80]  }
0x6b: {  	v63 =	vadd.s32 $0x5, v20;
	v50 =	vand.u32 $0x3F, v48;
	v46 =	vld [tilespmem:s5+$0x80];
	[tilespmem:v34+s25+$0x0] =	vst.idx.msk $0xffff, v55;
	v26 =	vand.u32 $0x3F, v26  }
0x6c: {  	v36 =	vor.u32 v27, v49;
	v25 =	vand.u32 $0x3F, v54;
	[tilespmem:v33+s25+$0x0] =	vst.idx.msk $0xffff, v51;
	v38 =	vld [tilespmem:s11+$0x200];
	v26 =	vor.u32 v27, v26  }
0x6d: {  	v48 =	vadd.s32 $0x5, v31;
	v51 =	vadd.s32 $0x3, v20;
	[tilespmem:v24+s25+$0x0] =	vst.idx.msk $0xffff, v61;
	v34 =	vor.u32 v27, v39;
	v39 =	vld [tilespmem:s7+$0x380]  }
0x6e: {  	v42 =	vor.u32 v27, v50;
	v53 =	vadd.s32 $0x3, v21;
	[tilespmem:v60+s25+$0x0] =	vst.idx.msk $0xffff, v43;
	v15 =	vand.u32 $0x3F, v51;
	v61 =	vld [tilespmem:s6+$0x300]  }
0x6f: {  	v45 =	vor.u32 v27, v25;
	v56 =	vadd.s32 $0x5, v28;
	[tilespmem:v23+s25+$0x0] =	vst.idx.msk $0xffff, v57;
	v40 =	vor.u32 v27, v15;
	v15 =	vld [tilespmem:s2+$0x100]  }
0x70: {  	v60 =	vand.u32 $0x3F, v58;
	v32 =	vand.u32 $0x3F, v59;
	v58 =	vadd.s32 $0x6, v31;
	[tilespmem:v35+s25+$0x0] =	vst.idx.msk $0xffff, v46;
	v35 =	vld [tilespmem:s10+$0x380]  }
0x71: {  	v25 =	vand.u32 $0x3F, v56;
	v23 =	vadd.s32 $0x6, v28;
	v57 =	vadd.s32 $0x6, v21;
	[tilespmem:v26+s25+$0x0] =	vst.idx.msk $0xffff, v38;
	v62 =	vld [tilespmem:s5+$0x100]  }
0x72: {  	[tilespmem:v19+s25+$0x0] =	vst.idx.msk $0xffff, v47;
	v55 =	vand.u32 $0x3F, v53;
	v25 =	vor.u32 v27, v25;
	s7 =	simm.s32 $0x8;
	v26 =	vadd.s32 $0x4, v21;
	v24 =	vld [tilespmem:s11+$0x280]  }
0x73: {  	s8 =	simm.s32 $0x10;
	v23 =	vand.u32 $0x3F, v23;
	s12 =	sand.u32 $0x4, s7;
	[tilespmem:v37+s25+$0x0] =	vst.idx.msk $0xffff, v52;
	v38 =	vor.u32 v27, v60;
	v60 =	vld [tilespmem:s9+$0x300];
	v26 =	vand.u32 $0x3F, v26  }
0x74: {  	s17 =	sand.u32 $0x1F0, s8;
	v43 =	vor.u32 v27, v55;
	v55 =	vadd.s32 $0x6, v20;
	s18 =	sor.u32 $0x3, s12;
	[tilespmem:v34+s25+$0x0] =	vst.idx.msk $0xffff, v15;
	v44 =	vor.u32 v27, v26;
	v26 =	vld [tilespmem:s1+$0x100]  }
0x75: {  	v41 =	vand.u32 $0x3F, v58;
	v23 =	vor.u32 v27, v23;
	s20 =	sor.u32 $0x1, s12;
	s21 =	sor.u32 $0x2, s12;
	v19 =	vand.u32 $0x3F, v55;
	[tilespmem:v22+s25+$0x0] =	vst.idx.msk $0xffff, v61;
	s10 =	simm.s32 $0x80;
	v49 =	vld [tilespmem:s2+$0x180]  }
0x76: {  	s16 =	sshll.u32 s12, $0x3;
	s30 =	sshll.u32 s18, $0xC;
	v52 =	vadd.s32 $0x5, v21;
	v22 =	vor.u32 s17, v0;
	v15 =	vand.u32 $0x3F, v63;
	s17 =	sand.u32 $0xC00, s10;
	[tilespmem:v42+s25+$0x0] =	vst.idx.msk $0xffff, v62;
	v42 =	vld [tilespmem:s6+$0x380]  }
0x77: {  	s19 =	sshll.u32 s18, $0x3;
	s18 =	sand.u32 $0x70, s8;
	v46 =	vor.u32 v27, v32;
	v33 =	vor.u32 v27, v15;
	v15 =	vand.u32 $0x3F, v48;
	s6 =	sor.u32 s17, s30;
	[tilespmem:v25+s25+$0x0] =	vst.idx.msk $0xffff, v24;
	v56 =	vld [tilespmem:s5+$0x180]  }
0x78: {  	s29 =	sshll.u32 s20, $0x3;
	[tilespmem:v16+s25+$0x0] =	vst.idx.msk $0xffff, v39;
	v32 =	vor.u32 v27, v15;
	v15 =	vadd.s32 s19, v22;
	v24 =	vadd.s32 s16, v22;
	s16 =	sshll.u32 s21, $0x3;
	s6 =	sor.u32 s18, s6;
	v54 =	vld [tilespmem:s11+$0x300]  }
0x79: {  	v16 =	vshll.u32 v22, $0x6;
	v25 =	vadd.s32 s29, v22;
	[tilespmem:v36+s25+$0x0] =	vst.idx.msk $0xffff, v26;
	v26 =	vadd.s32 s16, v22;
	v61 =	vld [tilespmem:s6+$0x0]  }
0x7a: {  	[tilespmem:v40+s25+$0x0] =	vst.idx.msk $0xffff, v49;
	s29 =	sshll.u32 s12, $0xC;
	v22 =	vand.u32 $0x3F, v15;
	v36 =	vor.u32 v27, v19;
	v19 =	vadd.s32 $0x7, v20;
	v59 =	vld [tilespmem:s1+$0x180]  }
0x7b: {  	v21 =	vadd.s32 $0x7, v21;
	[tilespmem:v18+s25+$0x0] =	vst.idx.msk $0xffff, v60;
	v40 =	vld [tilespmem:s2+$0x200];
	s13 =	sor.u32 s17, s29;
	v51 =	vor.u32 v16, v22;
	v19 =	vand.u32 $0x3F, v19  }
0x7c: {  	v53 =	vand.u32 $0x3F, v52;
	s19 =	sshll.u32 s20, $0xC;
	[tilespmem:v30+s25+$0x0] =	vst.idx.msk $0xffff, v35;
	v62 =	vand.u32 $0x3F, v21;
	v21 =	vor.u32 v27, v19;
	v19 =	vld [tilespmem:s9+$0x380];
	s9 =	sor.u32 s18, s13  }
0x7d: {  	v28 =	vadd.s32 $0x7, v28;
	v34 =	vor.u32 v27, v53;
	v48 =	vadd.s32 $0x1, v15;
	s20 =	sor.u32 s17, s19;
	v60 =	vld [tilespmem:s9+$0x0];
	[tilespmem:v45+s25+$0x0] =	vst.idx.msk $0xffff, v56  }
0x7e: {  	v53 =	vand.u32 $0x3F, v48;
	s12 =	sor.u32 s18, s20;
	v20 =	vadd.s32 $0x7, v31;
	v49 =	vand.u32 $0x3F, v25;
	[tilespmem:v23+s25+$0x0] =	vst.idx.msk $0xffff, v54;
	v31 =	vld [tilespmem:s5+$0x200]  }
0x7f: {  	v50 =	vand.u32 $0x3F, v57;
	v37 =	vor.u32 v16, v53;
	v56 =	vld [tilespmem:s12+$0x0];
	v54 =	vor.u32 v16, v49;
	[tilespmem:v43+s25+$0x0] =	vst.idx.msk $0xffff, v59  }
0x80: {  	v18 =	vor.u32 v27, v62;
	s21 =	sshll.u32 s21, $0xC;
	v30 =	vand.u32 $0x3F, v24;
	v22 =	vor.u32 v27, v50;
	[tilespmem:v51+s25+$0x0] =	vst.idx.msk $0xffff, v61;
	v63 =	vld [tilespmem:s1+$0x200]  }
0x81: {  	s30 =	sor.u32 s17, s21;
	v20 =	vand.u32 $0x3F, v20;
	v50 =	vand.u32 $0x3F, v26;
	v30 =	vor.u32 v16, v30;
	[tilespmem:v29+s25+$0x0] =	vst.idx.msk $0xffff, v42;
	v55 =	vld [tilespmem:s6+$0x80]  }
0x82: {  	v28 =	vand.u32 $0x3F, v28;
	v20 =	vor.u32 v27, v20;
	v57 =	vor.u32 v16, v50;
	[tilespmem:v38+s25+$0x0] =	vst.idx.msk $0xffff, v40;
	v52 =	vld [tilespmem:s11+$0x380];
	s11 =	sor.u32 s18, s30  }
0x83: {  	v50 =	vadd.s32 $0x2, v24;
	v23 =	vor.u32 v27, v41;
	v27 =	vor.u32 v27, v28;
	v58 =	vld [tilespmem:s11+$0x0];
	[tilespmem:v46+s25+$0x0] =	vst.idx.msk $0xffff, v31  }
0x84: {  	v49 =	vadd.s32 $0x2, v25;
	v59 =	vadd.s32 $0x1, v26;
	v31 =	vadd.s32 $0x1, v25;
	[tilespmem:v54+s25+$0x0] =	vst.idx.msk $0xffff, v56  }
0x85: {  	v61 =	vadd.s32 $0x1, v24;
	v28 =	vld [tilespmem:s2+$0x280];
	v31 =	vand.u32 $0x3F, v31;
	[tilespmem:v44+s25+$0x0] =	vst.idx.msk $0xffff, v63;
	v63 =	vadd.s32 $0x2, v15  }
0x86: {  	v35 =	vand.u32 $0x3F, v49;
	v43 =	vld [tilespmem:s12+$0x80];
	v31 =	vor.u32 v16, v31;
	[tilespmem:v37+s25+$0x0] =	vst.idx.msk $0xffff, v55;
	v48 =	vand.u32 $0x3F, v63  }
0x87: {  	v51 =	vadd.s32 $0x2, v26;
	v29 =	vand.u32 $0x3F, v61;
	[tilespmem:v30+s25+$0x0] =	vst.idx.msk $0xffff, v60;
	v41 =	vld [tilespmem:s6+$0x100];
	v42 =	vor.u32 v16, v48  }
0x88: {  	v62 =	vand.u32 $0x3F, v59;
	v45 =	vor.u32 v16, v35;
	v53 =	vand.u32 $0x3F, v51;
	v44 =	vld [tilespmem:s5+$0x280];
	[tilespmem:v57+s25+$0x0] =	vst.idx.msk $0xffff, v58  }
0x89: {  	v39 =	vor.u32 v16, v62;
	v29 =	vor.u32 v16, v29;
	v30 =	vadd.s32 $0x3, v25;
	[tilespmem:v27+s25+$0x0] =	vst.idx.msk $0xffff, v52;
	v40 =	vld [tilespmem:s11+$0x80]  }
0x8a: {  	v54 =	vor.u32 v16, v53;
	v56 =	vadd.s32 $0x3, v24;
	v46 =	vadd.s32 $0x6, v25;
	[tilespmem:v33+s25+$0x0] =	vst.idx.msk $0xffff, v28;
	v55 =	vld [tilespmem:s9+$0x80]  }
0x8b: {  	v28 =	vand.u32 $0x3F, v30;
	v35 =	vand.u32 $0x3F, v56;
	v58 =	vadd.s32 $0x3, v15;
	v60 =	vld [tilespmem:s2+$0x300];
	[tilespmem:v31+s25+$0x0] =	vst.idx.msk $0xffff, v43  }
0x8c: {  	v37 =	vand.u32 $0x3F, v50;
	v38 =	vor.u32 v16, v28;
	v27 =	vld [tilespmem:s1+$0x280];
	v59 =	vand.u32 $0x3F, v58;
	[tilespmem:v42+s25+$0x0] =	vst.idx.msk $0xffff, v41  }
0x8d: {  	v57 =	vadd.s32 $0x3, v26;
	v35 =	vor.u32 v16, v35;
	v61 =	vor.u32 v16, v59;
	[tilespmem:v32+s25+$0x0] =	vst.idx.msk $0xffff, v44;
	v28 =	vld [tilespmem:s6+$0x180]  }
0x8e: {  	v37 =	vor.u32 v16, v37;
	v30 =	vand.u32 $0x3F, v57;
	v31 =	vadd.s32 $0x4, v25;
	v43 =	vld [tilespmem:s12+$0x100];
	[tilespmem:v39+s25+$0x0] =	vst.idx.msk $0xffff, v40  }
0x8f: {  	[tilespmem:v29+s25+$0x0] =	vst.idx.msk $0xffff, v55;
	v39 =	vor.u32 v16, v30;
	v30 =	vadd.s32 $0x4, v24;
	v31 =	vand.u32 $0x3F, v31;
	v62 =	vld [tilespmem:s11+$0x100]  }
0x90: {  	v63 =	vadd.s32 $0x4, v26;
	[tilespmem:v36+s25+$0x0] =	vst.idx.msk $0xffff, v60;
	v40 =	vld [tilespmem:s5+$0x300];
	v29 =	vand.u32 $0x3F, v30;
	v33 =	vor.u32 v16, v31  }
0x91: {  	[tilespmem:v34+s25+$0x0] =	vst.idx.msk $0xffff, v27;
	v30 =	vand.u32 $0x3F, v63;
	v42 =	vld [tilespmem:s9+$0x100];
	v31 =	vor.u32 v16, v29;
	v29 =	vadd.s32 $0x4, v15  }
0x92: {  	v27 =	vadd.s32 $0x5, v25;
	v34 =	vld [tilespmem:s1+$0x300];
	v32 =	vor.u32 v16, v30;
	[tilespmem:v61+s25+$0x0] =	vst.idx.msk $0xffff, v28;
	v28 =	vand.u32 $0x3F, v29  }
0x93: {  	v30 =	vadd.s32 $0x5, v26;
	[tilespmem:v45+s25+$0x0] =	vst.idx.msk $0xffff, v43;
	v29 =	vadd.s32 $0x5, v24;
	v41 =	vld [tilespmem:s6+$0x200];
	v43 =	vor.u32 v16, v28  }
0x94: {  	v27 =	vand.u32 $0x3F, v27;
	v30 =	vand.u32 $0x3F, v30;
	v44 =	vld [tilespmem:s12+$0x180];
	[tilespmem:v54+s25+$0x0] =	vst.idx.msk $0xffff, v62;
	v28 =	vand.u32 $0x3F, v29  }
0x95: {  	v45 =	vld [tilespmem:s11+$0x180];
	v29 =	vor.u32 v16, v27;
	v27 =	vor.u32 v16, v28;
	v28 =	vor.u32 v16, v30  }
.LBB2_2:
0x96: {  	s7 =	sadd.s32 $0x4, s7;
	[tilespmem:v37+s25+$0x0] =	vst.idx.msk $0xffff, v42;
	v30 =	vadd.s32 $0x6, v24;
	v36 =	vand.u32 $0x3F, v46;
	v37 =	vadd.s32 $0x6, v26;
	v42 =	vld [tilespmem:s2+$0x380];
	s2 =	smov.u32 s12  }
0x97: {  	v48 =	vadd.s32 $0x5, v15;
	s8 =	sadd.s32 $0x8, s8;
	s14 =	sand.u32 $0x4, s7;
	p0 =	slt.u32 s7, $0xFC;
	v46 =	vld [tilespmem:s9+$0x180];
	v47 =	vand.u32 $0x3F, v30;
	v37 =	vand.u32 $0x3F, v37;
	[tilespmem:v23+s25+$0x0] =	vst.idx.msk $0xffff, v40  }
0x98: {  	s10 =	sadd.s32 $0x40, s10;
	s12 =	sand.u32 $0x1F0, s8;
	v30 =	vor.u32 v16, v36;
	v36 =	vand.u32 $0x3F, v48;
	s13 =	sor.u32 $0x3, s14;
	v23 =	vor.u32 v16, v37;
	[tilespmem:v43+s25+$0x0] =	vst.idx.msk $0xffff, v41;
	v37 =	vld [tilespmem:s5+$0x380]  }
0x99: {  	v40 =	vor.u32 s12, v0;
	s5 =	sand.u32 $0xC00, s10;
	v41 =	vor.u32 v16, v47;
	v36 =	vor.u32 v16, v36;
	s12 =	sshll.u32 s13, $0x3;
	s13 =	sshll.u32 s13, $0xC;
	[tilespmem:v38+s25+$0x0] =	vst.idx.msk $0xffff, v44;
	v38 =	vld [tilespmem:s6+$0x280]  }
0x9a: {  	v25 =	vadd.s32 $0x7, v25;
	v26 =	vadd.s32 $0x7, v26;
	s16 =	sand.u32 $0x70, s8;
	s17 =	sor.u32 $0x1, s14;
	v43 =	vadd.s32 s12, v40;
	s12 =	sor.u32 s5, s13;
	v44 =	vld [tilespmem:s2+$0x200];
	[tilespmem:v39+s25+$0x0] =	vst.idx.msk $0xffff, v45  }
0x9b: {  	v24 =	vadd.s32 $0x7, v24;
	s18 =	sor.u32 $0x2, s14;
	s15 =	sshll.u32 s17, $0xC;
	v39 =	vshll.u32 v40, $0x6;
	s13 =	sor.u32 s16, s12;
	v45 =	vand.u32 $0x3F, v43;
	v47 =	vld [tilespmem:s11+$0x200];
	[tilespmem:v22+s25+$0x0] =	vst.idx.msk $0xffff, v34;
	v22 =	vmovc v41  }
0x9c: {  	v25 =	vand.u32 $0x3F, v25;
	v26 =	vand.u32 $0x3F, v26;
	s19 =	sshll.u32 s18, $0xC;
	s15 =	sor.u32 s5, s15;
	s12 =	sshll.u32 s14, $0xC;
	v34 =	vld [tilespmem:s13+$0x0];
	v41 =	vor.u32 v39, v45;
	[tilespmem:v35+s25+$0x0] =	vst.idx.msk $0xffff, v46  }
0x9d: {  	v24 =	vand.u32 $0x3F, v24;
	s20 =	sor.u32 s5, s12;
	s12 =	sor.u32 s16, s15;
	s5 =	sor.u32 s5, s19;
	v45 =	vadd.s32 $0x6, v15;
	v35 =	vld [tilespmem:s9+$0x200];
	[tilespmem:v21+s25+$0x0] =	vst.idx.msk $0xffff, v42;
	v21 =	vor.u32 v16, v25  }
0x9e: {  	v48 =	vor.u32 v16, v26;
	s17 =	sshll.u32 s17, $0x3;
	v46 =	vor.u32 v16, v24;
	s15 =	sor.u32 s16, s20;
	s16 =	sor.u32 s16, s5;
	v24 =	vand.u32 $0x3F, v45;
	v42 =	vld [tilespmem:s12+$0x0];
	[tilespmem:v36+s25+$0x0] =	vst.idx.msk $0xffff, v38  }
0x9f: {  	s14 =	sshll.u32 s14, $0x3;
	v25 =	vadd.s32 s17, v40;
	s17 =	sshll.u32 s18, $0x3;
	s5 =	smov.u32 s11;
	v36 =	vor.u32 v16, v24;
	[tilespmem:v33+s25+$0x0] =	vst.idx.msk $0xffff, v44;
	v33 =	vld [tilespmem:s6+$0x300]  }
0xa0: {  	v24 =	vadd.s32 s14, v40;
	v26 =	vadd.s32 s17, v40;
	v40 =	vadd.s32 $0x1, v43;
	s11 =	smov.u32 s16;
	v38 =	vld [tilespmem:s16+$0x0];
	[tilespmem:v32+s25+$0x0] =	vst.idx.msk $0xffff, v47  }
0xa1: {  	v44 =	vand.u32 $0x3F, v25;
	v45 =	vand.u32 $0x3F, v26;
	v32 =	vld [tilespmem:s15+$0x0];
	[tilespmem:v41+s25+$0x0] =	vst.idx.msk $0xffff, v34;
	v34 =	vand.u32 $0x3F, v40  }
0xa2: {  	v40 =	vand.u32 $0x3F, v24;
	v41 =	vor.u32 v39, v44;
	v44 =	vld [tilespmem:s13+$0x80];
	v34 =	vor.u32 v39, v34;
	[tilespmem:v31+s25+$0x0] =	vst.idx.msk $0xffff, v35  }
0xa3: {  	v49 =	vadd.s32 $0x7, v15;
	v31 =	vor.u32 v39, v40;
	v35 =	vor.u32 v39, v45;
	v40 =	vld [tilespmem:s2+$0x280];
	[tilespmem:v20+s25+$0x0] =	vst.idx.msk $0xffff, v37  }
0xa4: {  	v15 =	vmovc v43;
	v45 =	vadd.s32 $0x1, v26;
	v37 =	vadd.s32 $0x1, v25;
	v20 =	vmovc v48;
	v47 =	vld [tilespmem:s5+$0x280];
	[tilespmem:v36+s25+$0x0] =	vst.idx.msk $0xffff, v33;
	v33 =	vand.u32 $0x3F, v49  }
0xa5: {  	v36 =	vadd.s32 $0x1, v24;
	v37 =	vand.u32 $0x3F, v37;
	v43 =	vld [tilespmem:s6+$0x380];
	v33 =	vor.u32 v16, v33;
	[tilespmem:v17+s25+$0x0] =	vst.idx.msk $0xffff, v19;
	v16 =	vmovc v39;
	s6 =	smov.u32 s13  }
0xa6: {  	v36 =	vand.u32 $0x3F, v36;
	v19 =	vand.u32 $0x3F, v45;
	v39 =	vadd.s32 $0x2, v15;
	v17 =	vmovc v18;
	v18 =	vmovc v46;
	v45 =	vld [tilespmem:s9+$0x280]  }
0xa7: {  	v46 =	vor.u32 v16, v37;
	v48 =	vor.u32 v16, v19;
	[tilespmem:v34+s25+$0x0] =	vst.idx.msk $0xffff, v44;
	v34 =	vand.u32 $0x3F, v39;
	v19 =	vld [tilespmem:s1+$0x380];
	s1 =	smov.u32 s9;
	s9 =	smov.u32 s15  }
0xa8: {  	v36 =	vor.u32 v16, v36;
	v37 =	vadd.s32 $0x2, v25;
	[tilespmem:v41+s25+$0x0] =	vst.idx.msk $0xffff, v42;
	v39 =	vld [tilespmem:s6+$0x100];
	v34 =	vor.u32 v16, v34  }
0xa9: {  	v37 =	vand.u32 $0x3F, v37;
	v41 =	vadd.s32 $0x2, v24;
	v42 =	vld [tilespmem:s12+$0x80];
	[tilespmem:v35+s25+$0x0] =	vst.idx.msk $0xffff, v38;
	v35 =	vadd.s32 $0x2, v26  }
0xaa: {  	v38 =	vand.u32 $0x3F, v41;
	v41 =	vor.u32 v16, v37;
	v44 =	vld [tilespmem:s11+$0x80];
	v35 =	vand.u32 $0x3F, v35;
	[tilespmem:v33+s25+$0x0] =	vst.idx.msk $0xffff, v43  }
0xab: {  	v37 =	vor.u32 v16, v38;
	[tilespmem:v31+s25+$0x0] =	vst.idx.msk $0xffff, v32;
	v31 =	vadd.s32 $0x3, v25;
	v49 =	vor.u32 v16, v35  }
0xac: {  	v33 =	vadd.s32 $0x3, v24;
	v38 =	vadd.s32 $0x3, v15;
	v35 =	vadd.s32 $0x3, v26;
	v32 =	vld [tilespmem:s9+$0x80];
	[tilespmem:v29+s25+$0x0] =	vst.idx.msk $0xffff, v40  }
0xad: {  	v29 =	vand.u32 $0x3F, v31;
	v31 =	vand.u32 $0x3F, v35;
	[tilespmem:v34+s25+$0x0] =	vst.idx.msk $0xffff, v39;
	v34 =	vand.u32 $0x3F, v38;
	v50 =	vld [tilespmem:s2+$0x300]  }
0xae: {  	v33 =	vand.u32 $0x3F, v33;
	v38 =	vor.u32 v16, v29;
	[tilespmem:v46+s25+$0x0] =	vst.idx.msk $0xffff, v42;
	v29 =	vld [tilespmem:s6+$0x180];
	v34 =	vor.u32 v16, v34  }
0xaf: {  	v35 =	vor.u32 v16, v33;
	v33 =	vadd.s32 $0x4, v25;
	v39 =	vor.u32 v16, v31;
	v43 =	vld [tilespmem:s12+$0x100];
	[tilespmem:v48+s25+$0x0] =	vst.idx.msk $0xffff, v44  }
0xb0: {  	v40 =	vadd.s32 $0x4, v26;
	v31 =	vadd.s32 $0x4, v24;
	v33 =	vand.u32 $0x3F, v33;
	v46 =	vld [tilespmem:s11+$0x100];
	[tilespmem:v28+s25+$0x0] =	vst.idx.msk $0xffff, v47  }
0xb1: {  	v33 =	vor.u32 v16, v33;
	v28 =	vand.u32 $0x3F, v31;
	[tilespmem:v36+s25+$0x0] =	vst.idx.msk $0xffff, v32;
	v32 =	vand.u32 $0x3F, v40;
	v40 =	vld [tilespmem:s5+$0x300]  }
.Ltmp0:
0xb2: {  	v31 =	vor.u32 v16, v28;
	v28 =	vadd.s32 $0x4, v15;
	v42 =	vld [tilespmem:s9+$0x100];
	v32 =	vor.u32 v16, v32;
	[tilespmem:v27+s25+$0x0] =	vst.idx.msk $0xffff, v45;
	(pc) =	sbr.rel @p0 .LBB2_2-.Ltmp0, $4  }
0xb3: {  	v36 =	vadd.s32 $0x5, v26;
	v27 =	vadd.s32 $0x5, v25;
	v28 =	vand.u32 $0x3F, v28;
	[tilespmem:v34+s25+$0x0] =	vst.idx.msk $0xffff, v29;
	v34 =	vld [tilespmem:s1+$0x300]  }
0xb4: {  	v29 =	vadd.s32 $0x5, v24;
	v27 =	vand.u32 $0x3F, v27;
	[tilespmem:v41+s25+$0x0] =	vst.idx.msk $0xffff, v43;
	v41 =	vld [tilespmem:s6+$0x200];
	v43 =	vor.u32 v16, v28  }
0xb5: {  	v36 =	vand.u32 $0x3F, v36;
	v28 =	vand.u32 $0x3F, v29;
	v29 =	vor.u32 v16, v27;
	v44 =	vld [tilespmem:s12+$0x180];
	[tilespmem:v49+s25+$0x0] =	vst.idx.msk $0xffff, v46  }
0xb6: {  	v27 =	vor.u32 v16, v28;
	v46 =	vadd.s32 $0x6, v25;
	v28 =	vor.u32 v16, v36;
	v45 =	vld [tilespmem:s11+$0x180];
	[tilespmem:v30+s25+$0x0] =	vst.idx.msk $0xffff, v50  }
0xb7: {  	_ =	sdelay $0x3  }
0xb8: {  	[tilespmem:v37+s25+$0x0] =	vst.idx.msk $0xffff, v42  }
0xb9: {  	v30 =	vld [tilespmem:s9+$0x180];
	_ =	sdelay $0x1  }
0xba: {  	[tilespmem:v38+s25+$0x0] =	vst.idx.msk $0xffff, v44  }
0xbb: {  	v36 =	vld [tilespmem:s12+$0x200]  }
0xbc: {  	[tilespmem:v39+s25+$0x0] =	vst.idx.msk $0xffff, v45  }
0xbd: {  	v44 =	vld [tilespmem:s11+$0x200];
	[tilespmem:v35+s25+$0x0] =	vst.idx.msk $0xffff, v30  }
0xbe: {  	[tilespmem:v23+s25+$0x0] =	vst.idx.msk $0xffff, v40;
	v30 =	vadd.s32 $0x5, v15;
	v35 =	vld [tilespmem:s9+$0x200]  }
0xbf: {  	[tilespmem:v43+s25+$0x0] =	vst.idx.msk $0xffff, v41;
	v30 =	vand.u32 $0x3F, v30  }
0xc0: {  	v45 =	vld [tilespmem:s6+$0x280];
	v30 =	vor.u32 v16, v30;
	[tilespmem:v33+s25+$0x0] =	vst.idx.msk $0xffff, v36  }
0xc1: {  	v47 =	vadd.s32 $0x6, v24;
	v48 =	vand.u32 $0x3F, v46;
	[tilespmem:v17+s25+$0x0] =	vst.idx.msk $0xffff, v19;
	v50 =	vld [tilespmem:s12+$0x280]  }
0xc2: {  	v49 =	vadd.s32 $0x6, v26;
	v25 =	vadd.s32 $0x7, v25;
	v26 =	vadd.s32 $0x7, v26;
	[tilespmem:v32+s25+$0x0] =	vst.idx.msk $0xffff, v44  }
0xc3: {  	v24 =	vadd.s32 $0x7, v24;
	v51 =	vand.u32 $0x3F, v49;
	v23 =	vor.u32 v16, v48;
	v52 =	vld [tilespmem:s11+$0x280];
	[tilespmem:v31+s25+$0x0] =	vst.idx.msk $0xffff, v35  }
0xc4: {  	s18 =	simm.s32 $0x2;
	[tilespmem:v22+s25+$0x0] =	vst.idx.msk $0xffff, v34;
	v22 =	vadd.s32 $0x6, v15;
	v25 =	vand.u32 $0x3F, v25;
	v26 =	vand.u32 $0x3F, v26;
	v31 =	vld [tilespmem:s9+$0x280]  }
0xc5: {  	v53 =	vld [tilespmem:s2+$0x380];
	s14 =	simm.s32 $0x3;
	v59 =	vadd.s32 s18, v1;
	v60 =	vadd.s32 s18, v2;
	v22 =	vand.u32 $0x3F, v22;
	[tilespmem:v30+s25+$0x0] =	vst.idx.msk $0xffff, v45  }
0xc6: {  	v61 =	vadd.s32 s18, v3;
	v17 =	vadd.s32 s14, v0;
	v54 =	vor.u32 v16, v22;
	v30 =	vld [tilespmem:s6+$0x300];
	[tilespmem:v29+s25+$0x0] =	vst.idx.msk $0xffff, v50  }
0xc7: {  	v37 =	vor.u32 v16, v51;
	v56 =	vor.u32 v16, v26;
	v15 =	vadd.s32 $0x7, v15;
	v29 =	vld [tilespmem:s12+$0x300]  }
0xc8: {  	v58 =	vld [tilespmem:s5+$0x380];
	v40 =	vand.u32 $0x3F, v59;
	v41 =	vand.u32 $0x3F, v60;
	v15 =	vand.u32 $0x3F, v15;
	[tilespmem:v28+s25+$0x0] =	vst.idx.msk $0xffff, v52  }
0xc9: {  	v42 =	vand.u32 $0x3F, v61;
	v57 =	vor.u32 v16, v15;
	v33 =	vand.u32 $0x3F, v47;
	v15 =	vld [tilespmem:s11+$0x300];
	[tilespmem:v27+s25+$0x0] =	vst.idx.msk $0xffff, v31  }
0xca: {  	s2 =	simm.s32 $0x0;
	v22 =	vand.u32 $0x3F, v24;
	v24 =	vor.u32 v16, v25;
	[tilespmem:v21+s25+$0x0] =	vst.idx.msk $0xffff, v53;
	v33 =	vor.u32 v16, v33;
	v21 =	vld [tilespmem:s9+$0x300]  }
0xcb: {  	v25 =	vadd.s32 s2, v2;
	v55 =	vor.u32 v16, v22;
	v27 =	vadd.s32 s2, v3;
	[tilespmem:v54+s25+$0x0] =	vst.idx.msk $0xffff, v30  }
0xcc: {  	s17 =	simm.s32 $0x1;
	v22 =	vadd.s32 s2, v0;
	v16 =	vadd.s32 s2, v1;
	v34 =	vand.u32 $0x3F, v27;
	v27 =	vld [tilespmem:s6+$0x380];
	[tilespmem:v23+s25+$0x0] =	vst.idx.msk $0xffff, v29  }
0xcd: {  	v25 =	vand.u32 $0x3F, v25;
	[tilespmem:v20+s25+$0x0] =	vst.idx.msk $0xffff, v58;
	v26 =	vand.u32 $0x3F, v16;
	v16 =	vadd.s32 s17, v0;
	v31 =	vld [tilespmem:s12+$0x380]  }
0xce: {  	v63 =	vld [tilespmem:s1+$0x380];
	v62 =	vand.u32 $0x3F, v16;
	v28 =	vand.u32 $0x3F, v22;
	v30 =	vadd.s32 s17, v3;
	[tilespmem:v37+s25+$0x0] =	vst.idx.msk $0xffff, v15  }
0xcf: {  	v43 =	vand.u32 $0x3F, v30;
	v23 =	vadd.s32 s17, v1;
	v15 =	vadd.s32 s18, v0;
	v20 =	vld [tilespmem:s11+$0x380];
	[tilespmem:v33+s25+$0x0] =	vst.idx.msk $0xffff, v21  }
0xd0: {  	p2 =	por $0x1, $0x1;
	v29 =	vadd.s32 s17, v2;
	v23 =	vand.u32 $0x3F, v23;
	v39 =	vand.u32 $0x3F, v15;
	v19 =	vld [tilespmem:s9+$0x380]  }
.Ltmp1:
0xd1: {  	s13 =	simm.s32 $0xC0;
	v21 =	vand.u32 $0x3F, v29;
	v29 =	vadd.s32 s14, v1;
	[tilespmem:v57+s25+$0x0] =	vst.idx.msk $0xffff, v27;
	v27 =	vand.u32 $0x3F, v17;
	(pc) =	sbr.rel @!p2 .LBB2_4-.Ltmp1, $4  }
0xd2: {  	s9 =	simm.s32 $0x40;
	v48 =	vor.u32 s13, v27;
	v27 =	vadd.s32 s14, v2;
	[tilespmem:v24+s25+$0x0] =	vst.idx.msk $0xffff, v31;
	v24 =	vand.u32 $0x3F, v29  }
0xd3: {  	[tilespmem:v18+s25+$0x0] =	vst.idx.msk $0xffff, v63;
	v46 =	vor.u32 s9, v62;
	v49 =	vor.u32 s13, v24;
	v24 =	vadd.s32 s14, v3  }
0xd4: {  	s7 =	simm.s32 $0x0;
	s8 =	simm.s32 $0x80;
	p0 =	por $0x0, $0x0;
	v47 =	vor.u32 s9, v23;
	[tilespmem:v56+s25+$0x0] =	vst.idx.msk $0xffff, v20;
	v20 =	vand.u32 $0x3F, v27;
	v18 =	vand.u32 $0x3F, v24  }
0xd5: {  	p1 =	por $0x0, $0x0;
	s1 =	simm.s32 $0x18;
	s6 =	simm.s32 $0x4;
	v45 =	vor.u32 s9, v21;
	v50 =	vor.u32 s13, v20;
	[tilespmem:v55+s25+$0x0] =	vst.idx.msk $0xffff, v19;
	v52 =	vor.u32 s13, v18  }
0xd6: {  	_ =	sdelay $0x3  }
0xd7: {  	v18 =	vld.idx.msk [tilespmem:v48+s25+$0x0], $0xffff;
	_ =	sdelay $0x2  }
0xd8: {  	v19 =	vld.idx.msk [tilespmem:v49+s25+$0x0], $0xffff  }
0xd9: {  	v20 =	vld.idx.msk [tilespmem:v50+s25+$0x0], $0xffff  }
0xda: {  	v21 =	vld.idx.msk [tilespmem:v52+s25+$0x0], $0xffff;
	v18 =	vsub.f32 $0.0e+00, v18;
	_ =	sdelay $0x1  }
0xdb: {  	v18 =	vmul.f32 $1.442695020e+00, v18  }
0xdc: {  	v23 =	vor.u32 s9, v43;
	v24 =	vld.idx.msk [tilespmem:v46+s25+$0x0], $0xffff;
	v19 =	vsub.f32 $0.0e+00, v19  }
0xdd: {  	v27 =	vld.idx.msk [tilespmem:v47+s25+$0x0], $0xffff;
	v20 =	vsub.f32 $0.0e+00, v20;
	(erf) = vpow2.f32 v18  }
0xde: {  	v21 =	vsub.f32 $0.0e+00, v21;
	v19 =	vmul.f32 $1.442695020e+00, v19;
	v18 =	vld.idx.msk [tilespmem:v45+s25+$0x0], $0xffff  }
0xdf: {  	v20 =	vmul.f32 $1.442695020e+00, v20  }
0xe0: {  	v21 =	vmul.f32 $1.442695020e+00, v21;
	(erf) = vpow2.f32 v19  }
0xe1: {  	v19 =	vld.idx.msk [tilespmem:v23+s25+$0x0], $0xffff;
	v23 =	vsub.f32 $0.0e+00, v24;
	(erf) = vpow2.f32 v20;
	v20 =	vor.u32 s8, v39  }
0xe2: {  	v27 =	vsub.f32 $0.0e+00, v27;
	(erf) = vpow2.f32 v21;
	v21 =	vor.u32 s8, v40  }
0xe3: {  	v24 =	vor.u32 s8, v41;
	v23 =	vmul.f32 $1.442695020e+00, v23;
	v18 =	vsub.f32 $0.0e+00, v18  }
0xe4: {  	v29 =	vor.u32 s8, v42;
	v28 =	vor.u32 s7, v28;
	v27 =	vmul.f32 $1.442695020e+00, v27  }
0xe5: {  	v26 =	vor.u32 s7, v26;
	(erf) = vpow2.f32 v23;
	v18 =	vmul.f32 $1.442695020e+00, v18  }
0xe6: {  	v23 =	vor.u32 s7, v25;
	v19 =	vsub.f32 $0.0e+00, v19;
	(erf) = vpow2.f32 v27;
	v20 =	vld.idx.msk [tilespmem:v20+s25+$0x0], $0xffff;
	v25 =	vpop (erf)  }
0xe7: {  	v21 =	vld.idx.msk [tilespmem:v21+s25+$0x0], $0xffff;
	(erf) = vpow2.f32 v18;
	v18 =	vadd.f32 $1.000000000e+00, v25  }
0xe8: {  	v24 =	vld.idx.msk [tilespmem:v24+s25+$0x0], $0xffff;
	v19 =	vmul.f32 $1.442695020e+00, v19  }
0xe9: {  	v28 =	vld.idx.msk [tilespmem:v28+s25+$0x0], $0xffff;
	v25 =	vpop (erf)  }
0xea: {  	v29 =	vld.idx.msk [tilespmem:v29+s25+$0x0], $0xffff;
	v27 =	vor.u32 s7, v34;
	(erf) = vpow2.f32 v19;
	v19 =	vadd.f32 $1.000000000e+00, v25;
	v25 =	vpop (erf)  }
0xeb: {  	v26 =	vld.idx.msk [tilespmem:v26+s25+$0x0], $0xffff;
	v25 =	vadd.f32 $1.000000000e+00, v25;
	(erf) = vrcp.f32 v18;
	v20 =	vsub.f32 $0.0e+00, v20;
	v18 =	vpop (erf)  }
0xec: {  	v21 =	vsub.f32 $0.0e+00, v21;
	(erf) = vrcp.f32 v19;
	v18 =	vadd.f32 $1.000000000e+00, v18  }
0xed: {  	v24 =	vsub.f32 $0.0e+00, v24;
	v19 =	vld.idx.msk [tilespmem:v23+s25+$0x0], $0xffff;
	v20 =	vmul.f32 $1.442695020e+00, v20;
	(erf) = vrcp.f32 v25  }
0xee: {  	v25 =	vsub.f32 $0.0e+00, v28;
	(erf) = vrcp.f32 v18;
	v18 =	vmul.f32 $1.442695020e+00, v21  }
0xef: {  	v24 =	vmul.f32 $1.442695020e+00, v24;
	v23 =	vld.idx.msk [tilespmem:v27+s25+$0x0], $0xffff;
	v27 =	vpop (erf);
	v21 =	vsub.f32 $0.0e+00, v29;
	(erf) = vpow2.f32 v20  }
0xf0: {  	v20 =	vsub.f32 $0.0e+00, v26;
	v26 =	vpop (erf);
	(erf) = vpow2.f32 v18;
	v18 =	vmul.f32 $1.442695020e+00, v25  }
0xf1: {  	v21 =	vmul.f32 $1.442695020e+00, v21  }
0xf2: {  	v19 =	vsub.f32 $0.0e+00, v19;
	v25 =	vpop (erf);
	(erf) = vpow2.f32 v24  }
0xf3: {  	v20 =	vmul.f32 $1.442695020e+00, v20;
	v24 =	vpop (erf);
	(erf) = vpow2.f32 v21  }
0xf4: {  	v19 =	vmul.f32 $1.442695020e+00, v19;
	(erf) = vpow2.f32 v18;
	v18 =	vpop (erf)  }
0xf5: {  	v18 =	vadd.f32 v18, v11  }
0xf6: {  	v23 =	vsub.f32 $0.0e+00, v23  }
0xf7: {  	(erf) = vpow2.f32 v20;
	v20 =	vpop (erf)  }
0xf8: {  	v21 =	vmul.f32 $1.442695020e+00, v23;
	v23 =	vadd.f32 $1.000000000e+00, v27;
	(erf) = vpow2.f32 v19;
	v19 =	vpop (erf)  }
0xf9: {  	v20 =	vadd.f32 v20, v12;
	v19 =	vadd.f32 v19, v13;
	(xrf1) =	vsort.dscd.msk.f32 $0xffff, v18, v0;
	v18 =	vpop (erf)  }
0xfa: {  	(erf) = vpow2.f32 v21;
	v18 =	vadd.f32 v18, v14  }
0xfb: {  	v26 =	vadd.f32 $1.000000000e+00, v26;
	(xrf1) =	vsort.ascd.msk.f32 $0xffff, v20, v1;
	v20 =	vadd.f32 $1.000000000e+00, v24;
	(erf) = vrcp.f32 v23  }
0xfc: {  	v21 =	vadd.f32 $1.000000000e+00, v25;
	v23 =	vpop (erf)  }
0xfd: {  	(xrf1) =	vsort.dscd.msk.f32 $0xffff, v19, v2;
	(erf) = vrcp.f32 v26;
	v19 =	vpop (erf)  }
0xfe: {  	(erf) = vrcp.f32 v21;
	(xrf1) =	vsort.ascd.msk.f32 $0xffff, v18, v3;
	v18 =	vpop (erf)  }
0xff: {  	(erf) = vrcp.f32 v20;
	v20 =	vpop (erf)  }
0x100: {  	v23 =	vadd.f32 $1.000000000e+00, v23;
	v21 =	vpop (erf)  }
0x101: {  	v24 =	vpop (erf)  }
0x102: {  	v25 =	vpop (erf)  }
0x103: {  	v19 =	vadd.f32 $1.000000000e+00, v19;
	v26 =	vpop (erf)  }
0x104: {  	(erf) = vrcp.f32 v23;
	v23 =	vpop (erf)  }
0x105: {  	(erf) = vrcp.f32 v19;
	v19 =	vadd.f32 $1.000000000e+00, v21;
	v21 =	vadd.f32 v23, v11  }
0x106: {  	v18 =	vadd.f32 $1.000000000e+00, v18  }
0x107: {  	v23 =	vpop (erf)  }
0x108: {  	v20 =	vadd.f32 $1.000000000e+00, v20;
	(erf) = vrcp.f32 v18;
	v18 =	vadd.f32 $1.000000000e+00, v24;
	v24 =	vpop (erf)  }
0x109: {  	v23 =	vadd.f32 v23, v12;
	v24 =	vadd.f32 v24, v13;
	(xrf1) =	vsort.dscd.msk.f32 $0xffff, v21, v0;
	v21 =	vpop (erf)  }
0x10a: {  	(erf) = vrcp.f32 v20;
	v21 =	vadd.f32 v21, v14  }
0x10b: {  	v20 =	vadd.f32 $1.000000000e+00, v25;
	(erf) = vrcp.f32 v19  }
0x10c: {  	(xrf1) =	vsort.ascd.msk.f32 $0xffff, v23, v1;
	v19 =	vadd.f32 $1.000000000e+00, v26;
	(erf) = vrcp.f32 v18  }
0x10d: {  	(xrf1) =	vsort.dscd.msk.f32 $0xffff, v24, v2;
	v23, v25, _ =	vpop (xrf1);
	(erf) = vrcp.f32 v20  }
0x10e: {  	v18, v24, _ =	vpop (xrf1);
	(xrf1) =	vsort.ascd.msk.f32 $0xffff, v21, v3;
	(erf) = vrcp.f32 v19  }
0x10f: {  	vm1 =	veq.f32 v23, v18;
	vm2 =	vgt.f32 v23, v18;
	vm3 =	vlt.s32 v25, v24;
	v20, v21, _ =	vpop (xrf1)  }
0x110: {  	v27 =	vmax.f32 v23, v18;
	v18 =	vsel vm2, v25, v24;
	v24 =	vsel vm3, v25, v24;
	v19, v26, _ =	vpop (xrf1)  }
0x111: {  	v23 =	vpop (erf);
	v18 =	vsel vm1, v24, v18;
	vm4 =	veq.f32 v20, v19  }
0x112: {  	v25 =	vpop (erf);
	vm2 =	vgt.f32 v20, v19;
	vm5 =	vlt.s32 v21, v26;
	v19 =	vmax.f32 v20, v19  }
0x113: {  	v23 =	vadd.f32 v23, v11;
	v20 =	vpop (erf);
	v28 =	vsel vm2, v21, v26;
	v21 =	vsel vm5, v21, v26  }
0x114: {  	(xrf1) =	vsort.dscd.msk.f32 $0xffff, v27, v18;
	v18 =	vpop (erf);
	v21 =	vsel vm4, v21, v28  }
0x115: {  	(xrf1) =	vsort.ascd.msk.f32 $0xffff, v19, v21;
	v19 =	vpop (erf);
	v21 =	vadd.f32 v25, v12  }
0x116: {  	v20 =	vadd.f32 v20, v13;
	v24 =	vpop (erf);
	(xrf1) =	vsort.dscd.msk.f32 $0xffff, v23, v0  }
0x117: {  	v19 =	vadd.f32 v19, v11;
	v23 =	vpop (erf);
	(xrf1) =	vsort.ascd.msk.f32 $0xffff, v21, v1  }
0x118: {  	v18 =	vadd.f32 v18, v14;
	(xrf1) =	vsort.dscd.msk.f32 $0xffff, v20, v2;
	v20 =	vadd.f32 v24, v12;
	v24, v25, _ =	vpop (xrf1)  }
0x119: {  	v21 =	vpop (erf)  }
0x11a: {  	(xrf1) =	vsort.ascd.msk.f32 $0xffff, v18, v3;
	v18 =	vadd.f32 v23, v13;
	v23, v26, _ =	vpop (xrf1);
	v21 =	vadd.f32 v21, v14  }
0x11b: {  	(xrf1) =	vsort.dscd.msk.f32 $0xffff, v19, v0;
	vm1 =	vgt.f32 v24, v23;
	vm2 =	vlt.s32 v25, v26;
	v19, v27, _ =	vpop (xrf1)  }
0x11c: {  	(xrf1) =	vsort.ascd.msk.f32 $0xffff, v20, v1;
	v20 =	vsel vm1, v25, v26;
	v25 =	vsel vm2, v25, v26;
	v26, v28, _ =	vpop (xrf1)  }
0x11d: {  	(xrf1) =	vsort.dscd.msk.f32 $0xffff, v18, v2;
	vm1 =	vgt.f32 v19, v26;
	vm2 =	vlt.s32 v27, v28  }
0x11e: {  	(xrf1) =	vsort.ascd.msk.f32 $0xffff, v21, v3;
	v18 =	vsel vm1, v27, v28;
	v21 =	vsel vm2, v27, v28  }
0x11f: {  	vm1 =	veq.f32 v24, v23;
	vm2 =	veq.f32 v19, v26;
	v19 =	vmax.f32 v19, v26  }
0x120: {  	v23 =	vmax.f32 v24, v23;
	v20 =	vsel vm1, v25, v20;
	v18 =	vsel vm2, v21, v18  }
0x121: {  	(xrf1) =	vsort.dscd.msk.f32 $0xffff, v23, v20;
	v20 =	vadd.s32 s6, v1  }
0x122: {  	s15 =	simm.s32 $0x5  }
0x123: {  	v30 =	vadd.s32 s6, v0;
	v31 =	vadd.s32 s15, v0;
	(xrf1) =	vsort.ascd.msk.f32 $0xffff, v19, v18;
	v18, v19, _ =	vpop (xrf1)  }
0x124: {  	v55 =	vadd.s32 s15, v3;
	v21 =	vadd.s32 s6, v2;
	v26 =	vand.u32 $0x3F, v20;
	v20, v24, _ =	vpop (xrf1)  }
0x125: {  	v25 =	vand.u32 $0x3F, v21;
	vm1 =	vgt.f32 v18, v20;
	vm2 =	vlt.s32 v19, v24  }
0x126: {  	s16 =	simm.s32 $0x6;
	vm3 =	veq.f32 v18, v20;
	v21 =	vsel vm1, v19, v24;
	v19 =	vsel vm2, v19, v24  }
0x127: {  	v57 =	vadd.s32 s16, v1;
	v18 =	vmax.f32 v18, v20;
	v19 =	vsel vm3, v19, v21  }
0x128: {  	v58 =	vadd.s32 s16, v2;
	v59 =	vadd.s32 s16, v3;
	v44 =	vand.u32 $0x3F, v31;
	(xrf1) =	vsort.dscd.msk.f32 $0xffff, v18, v19  }
0x129: {  	v43 =	vand.u32 $0x3F, v55;
	v42 =	vand.u32 $0x3F, v59;
	v23 =	vadd.s32 s6, v3  }
0x12a: {  	v41 =	vand.u32 $0x3F, v58;
	v34 =	vand.u32 $0x3F, v23;
	v23 =	vadd.s32 s15, v1;
	v24, v27, _ =	vpop (xrf1)  }
0x12b: {  	v40 =	vand.u32 $0x3F, v57;
	v28 =	vand.u32 $0x3F, v30;
	v23 =	vand.u32 $0x3F, v23;
	v20, v21, _ =	vpop (xrf1)  }
0x12c: {  	vm1 =	vgt.f32 v24, v20;
	v29, v32, _ =	vpop (xrf1);
	vm2 =	vlt.s32 v27, v21;
	vm3 =	veq.f32 v24, v20  }
0x12d: {  	v20 =	vmax.f32 v24, v20;
	v24 =	vadd.s32 s15, v2;
	v18 =	vsel vm1, v27, v21;
	v19, v33, _ =	vpop (xrf1)  }
0x12e: {  	v21 =	vsel vm2, v27, v21;
	vm1 =	vgt.f32 v29, v19;
	vm2 =	veq.f32 v29, v19  }
0x12f: {  	v27, v35, _ =	vpop (xrf1);
	vm14 =	vlt.s32 v32, v33;
	v18 =	vsel vm3, v21, v18;
	v19 =	vmax.f32 v29, v19  }
0x130: {  	v24 =	vand.u32 $0x3F, v24;
	v21 =	vsel vm1, v32, v33;
	v36, v37, _ =	vpop (xrf1);
	v32 =	vsel vm14, v32, v33;
	(xrf1) =	vsort.dscd.msk.f32 $0xffff, v20, v18  }
0x131: {  	vm1 =	vgt.f32 v27, v36;
	vm3 =	vlt.s32 v35, v37;
	v45, v38, _ =	vpop (xrf1);
	vm15 =	veq.f32 v27, v36  }
0x132: {  	v21 =	vsel vm2, v32, v21;
	v27 =	vmax.f32 v27, v36;
	v46 =	vsel vm1, v35, v37;
	v48, v47, _ =	vpop (xrf1)  }
0x133: {  	v35 =	vsel vm3, v35, v37;
	vm1 =	vgt.f32 v45, v48;
	vm2 =	veq.f32 v45, v48;
	v50, v51, _ =	vpop (xrf1)  }
0x134: {  	s29 =	simm.s32 $0x140;
	vm3 =	vlt.s32 v38, v47;
	v32 =	vsel vm15, v35, v46;
	v52 =	vmax.f32 v45, v48;
	v18, v29, _ =	vpop (xrf1)  }
0x135: {  	v46 =	vor.u32 s29, v44;
	v49 =	vsel vm1, v38, v47;
	vm1 =	vgt.f32 v50, v18  }
0x136: {  	v56 =	vmax.f32 v50, v18;
	v53 =	vsel vm1, v51, v29;
	vm1 =	veq.f32 v50, v18;
	_, v18, _ =	vpop (xrf1)  }
0x137: {  	v45 =	vor.u32 s29, v24;
	v38 =	vsel vm3, v38, v47;
	v60 =	vadd.s32 s14, v18  }
0x138: {  	v20 =	vsel vm2, v38, v49;
	vm2 =	vlt.s32 v51, v29;
	v61 =	vand.u32 $0x3F, v60  }
0x139: {  	p2 =	por $0x1, $0x1;
	v47 =	vor.u32 s29, v23;
	v54 =	vsel vm2, v51, v29;
	s14 =	simm.s32 $0x7;
	v37 =	vor.u32 s13, v61  }
.Ltmp2:
0x13a: {  	v29 =	vadd.s32 s16, v0;
	v36 =	vsel vm1, v54, v53;
	v63 =	vadd.s32 s14, v1;
	(pc) =	sbr.rel @!p2 .LBB2_6-.Ltmp2, $4  }
0x13b: {  	(xrf1) =	vsort.ascd.msk.f32 $0xffff, v19, v21;
	v33 =	vadd.s32 s14, v0;
	v21 =	vadd.s32 s14, v2;
	s13 =	simm.s32 $0x1C0;
	v19 =	vand.u32 $0x3F, v63  }
0x13c: {  	(xrf1) =	vsort.dscd.msk.f32 $0xffff, v27, v32;
	v49 =	vor.u32 s13, v19;
	v19 =	vand.u32 $0x3F, v21;
	v21 =	vadd.s32 s14, v3  }
0x13d: {  	s30 =	simm.s32 $0x100;
	(xrf1) =	vsort.ascd.msk.f32 $0xffff, v52, v20;
	v62 =	vand.u32 $0x3F, v33;
	v50 =	vor.u32 s13, v19;
	v19 =	vand.u32 $0x3F, v21  }
0x13e: {  	s5 =	simm.s32 $0x180;
	s12 =	simm.s32 $0x8;
	p0 =	por $0x1, $0x1;
	v39 =	vand.u32 $0x3F, v29;
	(xrf1) =	vsort.dscd.msk.f32 $0xffff, v56, v36;
	v48 =	vor.u32 s13, v62;
	v52 =	vor.u32 s13, v19;
	v44, v51, _ =	vpop (xrf1);
	v53 =	vld.idx.msk [tilespmem:v37+s25+$0x0], $0xffff  }
0x13f: {  	_ =	sdelay $0x3  }
0x140: {  	v23 =	vld.idx.msk [tilespmem:v48+s25+$0x0], $0xffff  }
0x141: {  	v36 =	vld.idx.msk [tilespmem:v49+s25+$0x0], $0xffff  }
0x142: {  	v19 =	vor.u32 s29, v43;
	v57 =	vld.idx.msk [tilespmem:v50+s25+$0x0], $0xffff  }
0x143: {  	v24 =	vor.u32 s5, v39;
	v59 =	vld.idx.msk [tilespmem:v52+s25+$0x0], $0xffff  }
0x144: {  	v46 =	vld.idx.msk [tilespmem:v46+s25+$0x0], $0xffff  }
0x145: {  	v62 =	vld.idx.msk [tilespmem:v47+s25+$0x0], $0xffff  }
0x146: {  	v27 =	vor.u32 s5, v40;
	v28 =	vor.u32 s30, v28;
	v63 =	vld.idx.msk [tilespmem:v45+s25+$0x0], $0xffff;
	v58 =	vsub.f32 $0.0e+00, v53  }
0x147: {  	v37 =	vor.u32 s5, v41;
	v23 =	vsub.f32 $0.0e+00, v23;
	v36 =	vsub.f32 $0.0e+00, v36;
	v19 =	vld.idx.msk [tilespmem:v19+s25+$0x0], $0xffff  }
0x148: {  	v38 =	vor.u32 s5, v42;
	v41 =	vsub.f32 $0.0e+00, v57;
	v24 =	vld.idx.msk [tilespmem:v24+s25+$0x0], $0xffff;
	v42 =	vmul.f32 $1.442695020e+00, v58  }
0x149: {  	v43 =	vsub.f32 $0.0e+00, v59;
	v23 =	vmul.f32 $1.442695020e+00, v23;
	v36 =	vmul.f32 $1.442695020e+00, v36  }
0x14a: {  	v25 =	vor.u32 s30, v25;
	v41 =	vmul.f32 $1.442695020e+00, v41;
	(erf) = vpow2.f32 v42  }
0x14b: {  	v45 =	vsub.f32 $0.0e+00, v62;
	v43 =	vmul.f32 $1.442695020e+00, v43;
	(erf) = vpow2.f32 v23  }
0x14c: {  	v23 =	vsub.f32 $0.0e+00, v46;
	v46 =	vsub.f32 $0.0e+00, v63;
	(erf) = vpow2.f32 v36  }
0x14d: {  	v20, v21, _ =	vpop (xrf1);
	v36 =	vmul.f32 $1.442695020e+00, v45;
	v19 =	vsub.f32 $0.0e+00, v19;
	v24 =	vsub.f32 $0.0e+00, v24  }
0x14e: {  	vm2 =	vgt.f32 v44, v20;
	vm3 =	vlt.s32 v51, v21;
	(erf) = vpow2.f32 v41  }
0x14f: {  	v32, v35, _ =	vpop (xrf1);
	v23 =	vmul.f32 $1.442695020e+00, v23;
	v60 =	vsel vm2, v51, v21;
	v21 =	vsel vm3, v51, v21  }
0x150: {  	v55, v56, _ =	vpop (xrf1);
	vm2 =	veq.f32 v44, v20;
	(erf) = vpow2.f32 v43;
	v20 =	vmax.f32 v44, v20  }
0x151: {  	vm1 =	vgt.f32 v32, v55;
	v21 =	vsel vm2, v21, v60;
	(erf) = vpow2.f32 v23  }
0x152: {  	v27 =	vld.idx.msk [tilespmem:v27+s25+$0x0], $0xffff;
	(xrf1) =	vsort.dscd.msk.f32 $0xffff, v20, v21;
	v20 =	vmul.f32 $1.442695020e+00, v46;
	v21 =	vor.u32 s30, v26;
	(erf) = vpow2.f32 v36  }
0x153: {  	v28 =	vld.idx.msk [tilespmem:v28+s25+$0x0], $0xffff;
	v19 =	vmul.f32 $1.442695020e+00, v19;
	vm4 =	vlt.s32 v35, v56;
	v61 =	vsel vm1, v35, v56;
	v26 =	vpop (erf)  }
0x154: {  	v23 =	vld.idx.msk [tilespmem:v37+s25+$0x0], $0xffff;
	v35 =	vsel vm4, v35, v56;
	(erf) = vpow2.f32 v20;
	v20 =	vadd.f32 $1.000000000e+00, v26  }
0x155: {  	vm1 =	veq.f32 v32, v55;
	v32 =	vmax.f32 v32, v55;
	(erf) = vpow2.f32 v19  }
0x156: {  	v35 =	vsel vm1, v35, v61;
	v26 =	vld.idx.msk [tilespmem:v38+s25+$0x0], $0xffff;
	v19 =	vor.u32 s30, v34;
	v47 =	vpop (erf);
	(erf) = vrcp.f32 v20  }
0x157: {  	(xrf1) =	vsort.dscd.msk.f32 $0xffff, v32, v35;
	v48 =	vpop (erf);
	v21 =	vld.idx.msk [tilespmem:v21+s25+$0x0], $0xffff;
	v20 =	vsub.f32 $0.0e+00, v27;
	v27 =	vadd.f32 $1.000000000e+00, v47  }
0x158: {  	v28 =	vsub.f32 $0.0e+00, v28;
	v24 =	vmul.f32 $1.442695020e+00, v24;
	v32 =	vadd.f32 $1.000000000e+00, v48;
	v49 =	vpop (erf)  }
0x159: {  	v25 =	vld.idx.msk [tilespmem:v25+s25+$0x0], $0xffff;
	v23 =	vsub.f32 $0.0e+00, v23;
	v34 =	vadd.f32 $1.000000000e+00, v49;
	v50 =	vpop (erf);
	(erf) = vrcp.f32 v27  }
0x15a: {  	v28 =	vmul.f32 $1.442695020e+00, v28;
	v35 =	vadd.f32 $1.000000000e+00, v50;
	v51 =	vpop (erf);
	(erf) = vrcp.f32 v32  }
0x15b: {  	v23 =	vmul.f32 $1.442695020e+00, v23;
	v26 =	vsub.f32 $0.0e+00, v26;
	v19 =	vld.idx.msk [tilespmem:v19+s25+$0x0], $0xffff;
	v53 =	vpop (erf);
	(erf) = vrcp.f32 v34  }
0x15c: {  	v20 =	vmul.f32 $1.442695020e+00, v20;
	v21 =	vsub.f32 $0.0e+00, v21;
	_, v27, _ =	vpop (xrf1);
	(erf) = vrcp.f32 v35  }
0x15d: {  	v26 =	vmul.f32 $1.442695020e+00, v26;
	v52 =	vadd.s32 s17, v27;
	v54 =	vpop (erf);
	(erf) = vpow2.f32 v24  }
0x15e: {  	v24 =	vsub.f32 $0.0e+00, v25;
	v25 =	vand.u32 $0x3F, v52;
	v55 =	vpop (erf);
	(erf) = vpow2.f32 v20  }
0x15f: {  	v20 =	vmul.f32 $1.442695020e+00, v21;
	v21 =	vor.u32 s9, v25;
	(erf) = vpow2.f32 v23;
	v23 =	vpop (erf)  }
0x160: {  	v25 =	vsub.f32 $0.0e+00, v19;
	v19 =	vnsel vm0, $0x0, v23;
	v23 =	vmul.f32 $1.442695020e+00, v24  }
0x161: {  	_, v35, _ =	vpop (xrf1);
	(erf) = vpow2.f32 v26;
	v26 =	vadd.f32 $1.000000000e+00, v51  }
0x162: {  	v24 =	vadd.s32 s18, v35;
	(erf) = vpow2.f32 v28;
	v25 =	vmul.f32 $1.442695020e+00, v25;
	(xrf2) =	vadd.scan.msk.f32 $0xffff, v19;
	v28 =	vpop (erf)  }
0x163: {  	v24 =	vand.u32 $0x3F, v24;
	(erf) = vpow2.f32 v20;
	v28 =	vadd.f32 v28, v11;
	v20 =	vpop (erf)  }
0x164: {  	v24 =	vor.u32 s8, v24;
	(erf) = vpow2.f32 v23;
	v20 =	vadd.f32 v20, v12;
	v23 =	vpop (erf)  }
0x165: {  	_, v36, _ =	vpop (xrf1);
	(xrf1) =	vsort.dscd.msk.f32 $0xffff, v28, v0;
	v23 =	vadd.f32 v23, v13  }
0x166: {  	v56 =	vadd.f32 $1.000000000e+00, v53;
	(erf) = vpow2.f32 v25;
	v25 =	vpop (erf);
	(xrf1) =	vsort.ascd.msk.f32 $0xffff, v20, v1;
	v20 =	vadd.f32 $1.000000000e+00, v55  }
0x167: {  	v57 =	vadd.f32 $1.000000000e+00, v54;
	(erf) = vrcp.f32 v26;
	v26 =	vpop (erf)  }
0x168: {  	v28 =	vadd.s32 s2, v36;
	(erf) = vrcp.f32 v56;
	v58 =	vpop (erf)  }
0x169: {  	v28 =	vand.u32 $0x3F, v28;
	v25 =	vadd.f32 v25, v14;
	(xrf1) =	vsort.dscd.msk.f32 $0xffff, v23, v2;
	v24 =	vld.idx.msk [tilespmem:v24+s25+$0x0], $0xffff;
	(erf) = vrcp.f32 v57;
	v23 =	vpop (erf)  }
0x16a: {  	v28 =	vor.u32 s7, v28;
	(erf) = vrcp.f32 v20;
	v20 =	vpop (erf)  }
0x16b: {  	(xrf1) =	vsort.ascd.msk.f32 $0xffff, v25, v3;
	v25 =	vadd.f32 $1.000000000e+00, v26;
	v59 =	vpop (erf)  }
0x16c: {  	v16 =	vand.u32 $0x7, v16;
	v17 =	vand.u32 $0x7, v17;
	v62, _, _ =	vpop (xrf2)  }
0x16d: {  	v34 =	vadd.f32 $1.000000000e+00, v58;
	(erf) = vrcp.f32 v25;
	v48 =	vpop (erf);
	v40 =	vadd.f32 $9.999999680e-21, v62  }
0x16e: {  	v63 =	vadd.f32 $1.000000000e+00, v20;
	v20 =	vand.u32 $0x7, v22;
	v22 =	vsub.f32 $0.0e+00, v24;
	v24 =	vpop (erf)  }
0x16f: {  	s19 =	simm.s32 $0x0;
	v60 =	vadd.f32 $1.000000000e+00, v23;
	v49 =	vld.idx.msk [tilespmem:v28+s25+$0x0], $0xffff;
	(erf) = vrcp.f32 v34;
	v50 =	vpop (erf);
	v40 =	vbroadcast v40, $0xF  }
0x170: {  	v15 =	vand.u32 $0x7, v15;
	v44 =	vmov s19;
	v61 =	vadd.s32 s12, v2;
	v51 =	vpop (erf)  }
0x171: {  	v21 =	vld.idx.msk [tilespmem:v21+s25+$0x0], $0xffff;
	v37 =	vadd.f32 $1.000000000e+00, v59;
	v39 =	vadd.f32 v51, v11;
	v53 =	vpop (erf);
	(erf) = vrcp.f32 v40  }
0x172: {  	v52 =	vadd.f32 $1.000000000e+00, v48;
	v54 =	vadd.f32 v53, v12;
	v55 =	vpop (erf);
	(erf) = vrcp.f32 v60  }
0x173: {  	v24 =	vadd.f32 $1.000000000e+00, v24;
	v56 =	vadd.f32 v55, v13;
	(xrf1) =	vsort.dscd.msk.f32 $0xffff, v39, v0;
	v57 =	vpop (erf);
	(erf) = vrcp.f32 v63  }
0x174: {  	v58 =	vsub.f32 $0.0e+00, v49;
	v59, v60, _ =	vpop (xrf1);
	v39 =	vadd.f32 v57, v14;
	(erf) = vrcp.f32 v37;
	(xrf1) =	vsort.ascd.msk.f32 $0xffff, v54, v1  }
0x175: {  	v25 =	vand.u32 $0x3F, v61;
	v61 =	vadd.f32 $1.000000000e+00, v50;
	v62, v63, _ =	vpop (xrf1);
	(erf) = vrcp.f32 v52;
	(xrf1) =	vsort.dscd.msk.f32 $0xffff, v56, v2  }
0x176: {  	v21 =	vsub.f32 $0.0e+00, v21;
	v41 =	vmul.f32 $1.442695020e+00, v58;
	v57 =	vpop (erf);
	(erf) = vrcp.f32 v24;
	(xrf1) =	vsort.ascd.msk.f32 $0xffff, v39, v3  }
0x177: {  	vm2 =	vgt.f32 v59, v62;
	vm3 =	vlt.s32 v60, v63;
	v24, v53, _ =	vpop (xrf1);
	(erf) = vrcp.f32 v61  }
0x178: {  	vm1 =	veq.f32 v59, v62;
	v58 =	vpop (erf);
	v37 =	vsel vm2, v60, v63;
	v38 =	vsel vm3, v60, v63  }
0x179: {  	v21 =	vmul.f32 $1.442695020e+00, v21;
	v56 =	vmax.f32 v59, v62;
	v55, v54, _ =	vpop (xrf1);
	v37 =	vsel vm1, v38, v37  }
0x17a: {  	vm13 =	veq.f32 v24, v55;
	vm2 =	vgt.f32 v24, v55;
	vm5 =	vlt.s32 v53, v54;
	v59 =	vpop (erf)  }
0x17b: {  	v24 =	vmax.f32 v24, v55;
	v60 =	vsel vm2, v53, v54;
	v62 =	vsel vm5, v53, v54;
	v61 =	vpop (erf)  }
0x17c: {  	v44 =	vand.u32 $0xFFFFFFE0, v44;
	v22 =	vmul.f32 $1.442695020e+00, v22;
	(xrf1) =	vsort.dscd.msk.f32 $0xffff, v56, v37;
	v38 =	vsel vm13, v62, v60;
	v45 =	vpop (erf)  }
0x17d: {  	s20 =	simm.s32 $0x8;
	v52 =	vmov s1;
	v46 =	vadd.f32 v57, v11;
	(erf) = vpow2.f32 v21;
	(xrf1) =	vsort.ascd.msk.f32 $0xffff, v24, v38;
	v21 =	vpop (erf)  }
0x17e: {  	v48 =	vmov s20;
	(erf) = vpow2.f32 v22;
	v22 =	vadd.f32 v58, v12;
	v24 =	vpop (erf)  }
0x17f: {  	v43 =	vand.u32 $0xFFFFFFF8, v52;
	v38 =	vmul.f32 v59, v19;
	v19 =	vadd.f32 v61, v13;
	(xrf1) =	vsort.dscd.msk.f32 $0xffff, v46, v0;
	v47 =	vpop (erf)  }
0x180: {  	v63 =	vbroadcast v43, $0x0;
	(erf) = vpow2.f32 v41;
	v49 =	vadd.f32 v45, v14;
	(xrf1) =	vsort.ascd.msk.f32 $0xffff, v22, v1;
	v50 =	vpop (erf)  }
0x181: {  	s21 =	simm.s32 $0x10;
	v37 =	vand.u32 $0xFFFFFFE8, v48;
	v21 =	vadd.f32 v21, v11;
	(xrf1) =	vsort.dscd.msk.f32 $0xffff, v19, v2;
	v24 =	vadd.f32 v24, v12;
	v51, v52, _ =	vpop (xrf1)  }
0x182: {  	v22 =	vmov s21;
	v34 =	vadd.f32 v47, v13;
	v19 =	vadd.f32 v50, v14;
	v54, v53, _ =	vpop (xrf1);
	(xrf1) =	vsort.ascd.msk.f32 $0xffff, v49, v3  }
0x183: {  	v22 =	vand.u32 $0xFFFFFFF0, v22;
	vm1 =	vgt.f32 v51, v54;
	vm2 =	vlt.s32 v52, v53;
	v56, v55, _ =	vpop (xrf1);
	(xrf1) =	vsort.dscd.msk.f32 $0xffff, v21, v0  }
0x184: {  	v22 =	vbroadcast v22, $0x0;
	v57 =	vsel vm1, v52, v53;
	v42 =	vsel vm2, v52, v53;
	v59, v58, _ =	vpop (xrf1);
	(xrf1) =	vsort.ascd.msk.f32 $0xffff, v24, v1  }
0x185: {  	vm1 =	vgt.f32 v56, v59;
	vm2 =	vlt.s32 v55, v58;
	v39 =	vmax.f32 v56, v59  }
0x186: {  	v61 =	vsel vm1, v55, v58;
	v45 =	vsel vm2, v55, v58;
	vm2 =	veq.f32 v56, v59  }
0x187: {  	v60 =	vpop (erf);
	v24 =	vbroadcast v37, $0x0;
	(xrf1) =	vsort.dscd.msk.f32 $0xffff, v34, v2;
	vm1 =	veq.f32 v51, v54;
	v37 =	vsel vm2, v45, v61  }
0x188: {  	v26 =	vadd.s32 s12, v1;
	v48 =	vmax.f32 v51, v54;
	(xrf1) =	vsort.ascd.msk.f32 $0xffff, v19, v3;
	v19 =	vpop (erf);
	v49 =	vsel vm1, v42, v57  }
0x189: {  	v17 =	vor.u32 v17, v63;
	v21 =	vbroadcast v44, $0x0;
	v63 =	vadd.f32 $1.000000000e+00, v19;
	v19 =	vpop (erf);
	(xrf1) =	vsort.dscd.msk.f32 $0xffff, v48, v49  }
0x18a: {  	v32 =	vadd.s32 s12, v0;
	v26 =	vand.u32 $0x3F, v26;
	v23 =	vadd.s32 s12, v3;
	(xrf1) =	vsort.ascd.msk.f32 $0xffff, v39, v37;
	v37, v39, _ =	vpop (xrf1)  }
0x18b: {  	v40 =	vadd.f32 $1.000000000e+00, v19;
	v19 =	vor.u32 v20, v21;
	v21 =	vor.u32 v15, v22;
	v15, v22, _ =	vpop (xrf1)  }
0x18c: {  	v34 =	vand.u32 $0x3F, v23;
	vm1 =	vgt.f32 v37, v15;
	vm2 =	vlt.s32 v39, v22  }
0x18d: {  	vm3 =	veq.f32 v37, v15;
	v23 =	vsel vm1, v39, v22;
	v22 =	vsel vm2, v39, v22  }
0x18e: {  	v62 =	vadd.f32 $1.000000000e+00, v60;
	v15 =	vmax.f32 v37, v15;
	v22 =	vsel vm3, v22, v23  }
0x18f: {  	s17 =	simm.s32 $0x9;
	s18 =	simm.s32 $0xA;
	v28 =	vand.u32 $0x3F, v32;
	[tilespmem:v17+s26+$0x0] =	vst.idx.msk $0xff, v18;
	v20 =	vor.u32 v16, v24;
	v24, v50, _ =	vpop (xrf1);
	(xrf1) =	vsort.dscd.msk.f32 $0xffff, v15, v22  }
0x190: {  	v41 =	vadd.s32 s17, v1;
	[tilespmem:v17+s28+$0x0] =	vst.idx.msk $0xff, v38;
	v17 =	vadd.s32 s18, v1;
	(erf) = vrcp.f32 v62;
	v23, v51, _ =	vpop (xrf1)  }
0x191: {  	v42 =	vadd.s32 s17, v2;
	(erf) = vrcp.f32 v63;
	vm1 =	vgt.f32 v24, v23;
	v43, v52, _ =	vpop (xrf1)  }
0x192: {  	vm2 =	vlt.s32 v50, v51;
	vm3 =	veq.f32 v24, v23;
	v23 =	vmax.f32 v24, v23;
	v22, v53, _ =	vpop (xrf1)  }
0x193: {  	v15 =	vsel vm1, v50, v51;
	v37 =	vsel vm2, v50, v51;
	vm1 =	vgt.f32 v43, v22  }
0x194: {  	vm2 =	veq.f32 v43, v22;
	v39, v54, _ =	vpop (xrf1);
	vm14 =	vlt.s32 v52, v53;
	v15 =	vsel vm3, v37, v15  }
0x195: {  	v22 =	vmax.f32 v43, v22;
	v55 =	vsel vm1, v52, v53;
	v57, v56, _ =	vpop (xrf1);
	v44 =	vsel vm14, v52, v53  }
0x196: {  	(erf) = vrcp.f32 v40;
	(xrf1) =	vsort.dscd.msk.f32 $0xffff, v23, v15;
	vm1 =	vgt.f32 v39, v57;
	vm3 =	vlt.s32 v54, v56  }
0x197: {  	v59, v58, _ =	vpop (xrf1);
	vm15 =	veq.f32 v39, v57;
	v37 =	vsel vm2, v44, v55;
	v39 =	vmax.f32 v39, v57  }
0x198: {  	v16 =	vadd.s32 s17, v0;
	v60 =	vsel vm1, v54, v56;
	v46 =	vsel vm3, v54, v56;
	v62, v61, _ =	vpop (xrf1);
	(xrf1) =	vsort.ascd.msk.f32 $0xffff, v22, v37  }
0x199: {  	vm1 =	vgt.f32 v59, v62;
	vm2 =	vlt.s32 v58, v61;
	v46 =	vsel vm15, v46, v60;
	v55, v54, _ =	vpop (xrf1)  }
0x19a: {  	v63 =	vsel vm1, v58, v61;
	v49 =	vsel vm2, v58, v61;
	vm1 =	veq.f32 v59, v62;
	v56, v24, _ =	vpop (xrf1)  }
0x19b: {  	v40 =	vmax.f32 v59, v62;
	v44 =	vsel vm1, v49, v63;
	vm1 =	vgt.f32 v55, v56  }
0x19c: {  	v15 =	vpop (erf);
	v22 =	vand.u32 $0x3F, v16;
	(xrf1) =	vsort.dscd.msk.f32 $0xffff, v39, v46;
	vm2 =	vlt.s32 v54, v24;
	v58 =	vsel vm1, v54, v24  }
0x19d: {  	v37 =	vand.u32 $0x3F, v41;
	v59 =	vsel vm2, v54, v24;
	vm1 =	veq.f32 v55, v56;
	_, v18, _ =	vpop (xrf1);
	(xrf1) =	vsort.ascd.msk.f32 $0xffff, v40, v44  }
0x19e: {  	s20 =	simm.s32 $0x240;
	v23 =	vnsel vm0, $0x0, v15;
	v61 =	vmax.f32 v55, v56;
	v62 =	vsel vm1, v59, v58  }
0x19f: {  	v57 =	vpop (erf);
	v60 =	vadd.s32 s17, v3;
	v15 =	vadd.s32 s18, v0;
	v47 =	vor.u32 s20, v37;
	(xrf1) =	vsort.dscd.msk.f32 $0xffff, v61, v62  }
0x1a0: {  	[tilespmem:v20+s26+$0x0] =	vst.idx.msk $0xff, v27;
	v43 =	vand.u32 $0x3F, v60;
	v39 =	vand.u32 $0x3F, v15;
	v27 =	vpop (erf);
	v46 =	vor.u32 s20, v22  }
0x1a1: {  	v63 =	vadd.s32 s18, v2;
	v27 =	vnsel vm0, $0x0, v27;
	v55 =	vadd.s32 s14, v18  }
0x1a2: {  	(xrf2) =	vadd.scan.msk.f32 $0xffff, v23;
	v24 =	vnsel vm0, $0x0, v57;
	v54 =	vadd.s32 s18, v3;
	s14 =	simm.s32 $0xB;
	v41 =	vand.u32 $0x3F, v55  }
0x1a3: {  	p2 =	por $0x1, $0x1;
	v40 =	vand.u32 $0x3F, v17;
	v17 =	vadd.s32 s14, v0;
	v57 =	vor.u32 s13, v41  }
.Ltmp3:
0x1a4: {  	v59 =	vadd.s32 s14, v1;
	v61 =	vadd.s32 s14, v2;
	v58 =	vand.u32 $0x3F, v17;
	s13 =	simm.s32 $0x2C0;
	(pc) =	sbr.rel @!p2 .LBB2_8-.Ltmp3, $4  }
0x1a5: {  	(xrf2) =	vadd.scan.msk.f32 $0xffff, v24;
	v41 =	vand.u32 $0x3F, v63;
	v60 =	vand.u32 $0x3F, v59;
	v48 =	vor.u32 s13, v58  }
0x1a6: {  	[tilespmem:v19+s26+$0x0] =	vst.idx.msk $0xff, v36;
	v62 =	vand.u32 $0x3F, v61;
	v63 =	vadd.s32 s14, v3;
	v49 =	vor.u32 s13, v60  }
0x1a7: {  	s10 =	simm.s32 $0x200;
	s11 =	simm.s32 $0x280;
	[tilespmem:v21+s26+$0x0] =	vst.idx.msk $0xff, v35;
	v56 =	vand.u32 $0x3F, v42;
	v50 =	vor.u32 s13, v62;
	v22 =	vand.u32 $0x3F, v63  }
0x1a8: {  	p1 =	por $0x1, $0x1;
	s19 =	simm.s32 $0x18;
	s7 =	simm.s32 $0xC;
	v42 =	vand.u32 $0x3F, v54;
	v45 =	vor.u32 s20, v56;
	(xrf2) =	vadd.scan.msk.f32 $0xffff, v27;
	v52 =	vor.u32 s13, v22;
	v44, v51, _ =	vpop (xrf1);
	v53 =	vld.idx.msk [tilespmem:v57+s25+$0x0], $0xffff  }
.LBB2_9:
0x1a9: {  	p2 =	slt.u32 s7, $0x1FC;
	v35 =	vor.u32 s20, v43;
	v36 =	vor.u32 s11, v39;
	v37 =	vor.u32 s11, v40;
	v38, v39, _ =	vpop (xrf1)  }
0x1aa: {  	v28 =	vor.u32 s10, v28;
	v40 =	vor.u32 s11, v41;
	v41 =	vor.u32 s11, v42;
	v42 =	vld.idx.msk [tilespmem:v48+s25+$0x0], $0xffff;
	v43, v48, _ =	vpop (xrf1)  }
0x1ab: {  	v26 =	vor.u32 s10, v26;
	v25 =	vor.u32 s10, v25;
	v34 =	vor.u32 s10, v34;
	v49 =	vld.idx.msk [tilespmem:v49+s25+$0x0], $0xffff;
	v54, v55, _ =	vpop (xrf1)  }
0x1ac: {  	vm2 =	vgt.f32 v44, v38;
	vm3 =	vlt.s32 v51, v39;
	v50 =	vld.idx.msk [tilespmem:v50+s25+$0x0], $0xffff;
	vm1 =	vgt.f32 v43, v54;
	v56, _, _ =	vpop (xrf2)  }
0x1ad: {  	v57 =	vsel vm2, v51, v39;
	vm4 =	vlt.s32 v48, v55;
	v59 =	vsub.f32 $0.0e+00, v53;
	v52 =	vld.idx.msk [tilespmem:v52+s25+$0x0], $0xffff;
	_, v22, _ =	vpop (xrf1)  }
0x1ae: {  	v39 =	vsel vm3, v51, v39;
	v58 =	vsel vm1, v48, v55;
	v48 =	vsel vm4, v48, v55;
	v46 =	vld.idx.msk [tilespmem:v46+s25+$0x0], $0xffff  }
0x1af: {  	vm2 =	veq.f32 v44, v38;
	vm1 =	veq.f32 v43, v54;
	v51 =	vmul.f32 $1.442695020e+00, v59;
	v47 =	vld.idx.msk [tilespmem:v47+s25+$0x0], $0xffff;
	v53, _, _ =	vpop (xrf2)  }
0x1b0: {  	v39 =	vsel vm2, v39, v57;
	v48 =	vsel vm1, v48, v58;
	v42 =	vsub.f32 $0.0e+00, v42;
	v45 =	vld.idx.msk [tilespmem:v45+s25+$0x0], $0xffff  }
0x1b1: {  	v38 =	vmax.f32 v44, v38;
	v49 =	vsub.f32 $0.0e+00, v49;
	v35 =	vld.idx.msk [tilespmem:v35+s25+$0x0], $0xffff;
	(erf) = vpow2.f32 v51  }
0x1b2: {  	v43 =	vmax.f32 v43, v54;
	v42 =	vmul.f32 $1.442695020e+00, v42;
	v44 =	vsub.f32 $0.0e+00, v50;
	v36 =	vld.idx.msk [tilespmem:v36+s25+$0x0], $0xffff;
	v50, _, _ =	vpop (xrf2)  }
0x1b3: {  	v49 =	vmul.f32 $1.442695020e+00, v49;
	v51 =	vsub.f32 $0.0e+00, v52;
	v52 =	vadd.s32 s15, v22;
	s15 =	smov.u32 s17;
	v37 =	vld.idx.msk [tilespmem:v37+s25+$0x0], $0xffff  }
0x1b4: {  	v46 =	vsub.f32 $0.0e+00, v46;
	v44 =	vmul.f32 $1.442695020e+00, v44;
	v40 =	vld.idx.msk [tilespmem:v40+s25+$0x0], $0xffff;
	(erf) = vpow2.f32 v42  }
0x1b5: {  	v42 =	vsub.f32 $0.0e+00, v47;
	v47 =	vmul.f32 $1.442695020e+00, v51;
	v41 =	vld.idx.msk [tilespmem:v41+s25+$0x0], $0xffff;
	(erf) = vpow2.f32 v49  }
0x1b6: {  	v46 =	vmul.f32 $1.442695020e+00, v46;
	v45 =	vsub.f32 $0.0e+00, v45;
	v28 =	vld.idx.msk [tilespmem:v28+s25+$0x0], $0xffff;
	(erf) = vpow2.f32 v44;
	(xrf1) =	vsort.dscd.msk.f32 $0xffff, v38, v39  }
0x1b7: {  	v38 =	vmul.f32 $1.442695020e+00, v42;
	v35 =	vsub.f32 $0.0e+00, v35;
	v26 =	vld.idx.msk [tilespmem:v26+s25+$0x0], $0xffff;
	(erf) = vpow2.f32 v47  }
0x1b8: {  	v42 =	vmul.f32 $1.442695020e+00, v45;
	v36 =	vsub.f32 $0.0e+00, v36;
	v25 =	vld.idx.msk [tilespmem:v25+s25+$0x0], $0xffff;
	(erf) = vpow2.f32 v46  }
0x1b9: {  	v35 =	vmul.f32 $1.442695020e+00, v35;
	v37 =	vsub.f32 $0.0e+00, v37;
	v34 =	vld.idx.msk [tilespmem:v34+s25+$0x0], $0xffff;
	(erf) = vpow2.f32 v38;
	(xrf1) =	vsort.dscd.msk.f32 $0xffff, v43, v48  }
0x1ba: {  	v36 =	vmul.f32 $1.442695020e+00, v36;
	v38 =	vsub.f32 $0.0e+00, v40;
	(erf) = vpow2.f32 v42;
	v39 =	vpop (erf)  }
0x1bb: {  	v37 =	vmul.f32 $1.442695020e+00, v37;
	v40 =	vsub.f32 $0.0e+00, v41;
	v41 =	vadd.f32 $1.000000000e+00, v39  }
0x1bc: {  	v28 =	vsub.f32 $0.0e+00, v28;
	v38 =	vmul.f32 $1.442695020e+00, v38;
	(erf) = vpow2.f32 v35  }
0x1bd: {  	v26 =	vsub.f32 $0.0e+00, v26;
	v40 =	vmul.f32 $1.442695020e+00, v40;
	v35 =	vpop (erf);
	(erf) = vrcp.f32 v41  }
0x1be: {  	v28 =	vmul.f32 $1.442695020e+00, v28;
	v25 =	vsub.f32 $0.0e+00, v25;
	v44 =	vadd.f32 $1.000000000e+00, v35;
	v39 =	vpop (erf)  }
0x1bf: {  	v26 =	vmul.f32 $1.442695020e+00, v26;
	v34 =	vsub.f32 $0.0e+00, v34;
	v43 =	vadd.f32 $1.000000000e+00, v39;
	v41 =	vpop (erf)  }
0x1c0: {  	v25 =	vmul.f32 $1.442695020e+00, v25;
	v41 =	vadd.f32 $1.000000000e+00, v41;
	(erf) = vrcp.f32 v44;
	v35 =	vpop (erf)  }
0x1c1: {  	v34 =	vmul.f32 $1.442695020e+00, v34;
	v46 =	vadd.f32 $1.000000000e+00, v35;
	v42 =	vpop (erf);
	(erf) = vrcp.f32 v43  }
0x1c2: {  	v42 =	vadd.f32 $1.000000000e+00, v42;
	v39 =	vpop (erf);
	(erf) = vrcp.f32 v41;
	v41 =	vand.u32 $0x3F, v52  }
0x1c3: {  	v43 =	vadd.f32 $1.000000000e+00, v39;
	v39 =	vpop (erf);
	(erf) = vrcp.f32 v46;
	v44 =	vor.u32 s29, v41;
	s29 =	smov.u32 s20  }
0x1c4: {  	v45 =	vadd.f32 $1.000000000e+00, v39;
	(erf) = vpow2.f32 v36;
	_, v35, _ =	vpop (xrf1);
	v36 =	vadd.f32 $9.999999680e-21, v56  }
0x1c5: {  	v46 =	vadd.f32 $9.999999680e-21, v53;
	v39 =	vpop (erf);
	(erf) = vpow2.f32 v37;
	v49 =	vadd.s32 s16, v35;
	s16 =	smov.u32 s18  }
0x1c6: {  	v47 =	vadd.f32 $1.000000000e+00, v39;
	(erf) = vpow2.f32 v38;
	v39 =	vand.u32 $0x3F, v49;
	v38 =	vpop (erf)  }
0x1c7: {  	(erf) = vpow2.f32 v40;
	v48 =	vor.u32 s5, v39;
	v41 =	vnsel vm0, $0x0, v38;
	_, v37, _ =	vpop (xrf1);
	s5 =	smov.u32 s11  }
0x1c8: {  	v39 =	vadd.f32 $9.999999680e-21, v50;
	(erf) = vpow2.f32 v28;
	v28 =	vadd.s32 s6, v37;
	v44 =	vld.idx.msk [tilespmem:v44+s25+$0x0], $0xffff;
	(xrf2) =	vadd.scan.msk.f32 $0xffff, v41;
	s6 =	smov.u32 s12;
	s12 =	smov.u32 s7  }
0x1c9: {  	v40 =	vbroadcast v36, $0xF;
	v38 =	vbroadcast v46, $0xF;
	v49 =	vpop (erf);
	v28 =	vand.u32 $0x3F, v28  }
0x1ca: {  	v36 =	vadd.f32 v49, v11;
	(erf) = vpow2.f32 v26;
	v26 =	vpop (erf);
	v28 =	vor.u32 s30, v28;
	s30 =	smov.u32 s10  }
0x1cb: {  	v39 =	vbroadcast v39, $0xF;
	v49 =	vadd.f32 v26, v12;
	(erf) = vpow2.f32 v25;
	v25 =	vpop (erf)  }
0x1cc: {  	v25 =	vadd.f32 v25, v13;
	(erf) = vpow2.f32 v34;
	(xrf1) =	vsort.dscd.msk.f32 $0xffff, v36, v0;
	v34 =	vpop (erf);
	v46 =	vld.idx.msk [tilespmem:v48+s25+$0x0], $0xffff  }
0x1cd: {  	v36 =	vadd.s32 s7, v0;
	v34 =	vadd.f32 v34, v14;
	(erf) = vrcp.f32 v42;
	v42 =	vpop (erf);
	(xrf1) =	vsort.ascd.msk.f32 $0xffff, v49, v1  }
0x1ce: {  	v42 =	vadd.f32 $1.000000000e+00, v42;
	(erf) = vrcp.f32 v43;
	v26 =	vpop (erf);
	(xrf1) =	vsort.dscd.msk.f32 $0xffff, v25, v2;
	v25 =	vsub.f32 $0.0e+00, v44  }
0x1cf: {  	v43 =	vadd.s32 s7, v1;
	v44 =	vadd.f32 $1.000000000e+00, v26;
	(erf) = vrcp.f32 v45;
	v26 =	vpop (erf);
	(xrf1) =	vsort.ascd.msk.f32 $0xffff, v34, v3;
	v45 =	vld.idx.msk [tilespmem:v28+s25+$0x0], $0xffff  }
0x1d0: {  	v48 =	vadd.f32 $1.000000000e+00, v26;
	(erf) = vrcp.f32 v47;
	v26 =	vpop (erf);
	v47 =	vmul.f32 $1.442695020e+00, v25  }
0x1d1: {  	v34 =	vadd.s32 s7, v3;
	v25 =	vadd.s32 s7, v2;
	v49 =	vadd.f32 $1.000000000e+00, v26;
	v26 =	vpop (erf)  }
0x1d2: {  	v30 =	vand.u32 $0x7, v30;
	v46 =	vsub.f32 $0.0e+00, v46;
	v50 =	vadd.f32 $1.000000000e+00, v26;
	v51, _, _ =	vpop (xrf2)  }
0x1d3: {  	v28 =	vand.u32 $0x3F, v36;
	v26 =	vand.u32 $0x3F, v43;
	v43 =	vpop (erf);
	v51 =	vadd.f32 $9.999999680e-21, v51  }
0x1d4: {  	v25 =	vand.u32 $0x3F, v25;
	v46 =	vmul.f32 $1.442695020e+00, v46;
	v43 =	vadd.f32 $1.000000000e+00, v43;
	v52 =	vpop (erf)  }
0x1d5: {  	v52 =	vadd.f32 $1.000000000e+00, v52;
	v53 =	vpop (erf);
	(erf) = vrcp.f32 v42;
	v42 =	vbroadcast v51, $0xF  }
0x1d6: {  	v51 =	vadd.f32 $1.000000000e+00, v53;
	v53 =	vpop (erf);
	(erf) = vrcp.f32 v44;
	v44 =	vsub.f32 $0.0e+00, v45  }
0x1d7: {  	v31 =	vand.u32 $0x7, v31;
	v54 =	vadd.f32 v53, v11;
	v53 =	vpop (erf);
	(erf) = vrcp.f32 v42  }
0x1d8: {  	s19 =	sadd.s32 $0x20, s19;
	v55 =	vadd.f32 v53, v12;
	v53 =	vpop (erf);
	(erf) = vrcp.f32 v48;
	v44 =	vmul.f32 $1.442695020e+00, v44  }
0x1d9: {  	s8 =	sadd.s32 $0xFFFFFFE8, s19;
	s9 =	sadd.s32 $0xFFFFFFF0, s19;
	s10 =	sadd.s32 $0xFFFFFFF8, s19;
	v53 =	vadd.f32 v53, v13;
	(xrf1) =	vsort.dscd.msk.f32 $0xffff, v54, v0;
	v45 =	vpop (erf);
	(erf) = vrcp.f32 v49;
	v49 =	vmov s19  }
0x1da: {  	v54 =	vadd.f32 v45, v14;
	(erf) = vrcp.f32 v50;
	(xrf1) =	vsort.ascd.msk.f32 $0xffff, v55, v1;
	v42, v50, _ =	vpop (xrf1);
	v49 =	vand.u32 $0xFFFFFFF8, v49  }
0x1db: {  	(erf) = vrcp.f32 v43;
	(xrf1) =	vsort.dscd.msk.f32 $0xffff, v53, v2;
	v43, v48, _ =	vpop (xrf1);
	v53 =	vmov s8;
	v49 =	vbroadcast v49, $0x0  }
0x1dc: {  	v33 =	vand.u32 $0x7, v33;
	(erf) = vrcp.f32 v52;
	(xrf1) =	vsort.ascd.msk.f32 $0xffff, v54, v3;
	v45, v52, _ =	vpop (xrf1);
	v54 =	vmov s9  }
0x1dd: {  	v56 =	vmov s10;
	(erf) = vrcp.f32 v51;
	v51, v55, _ =	vpop (xrf1);
	v33 =	vor.u32 v33, v49  }
0x1de: {  	vm1 =	veq.f32 v42, v43;
	v49 =	vmax.f32 v42, v43;
	v57 =	vmax.f32 v45, v51;
	v58 =	vpop (erf)  }
0x1df: {  	vm2 =	vgt.f32 v42, v43;
	vm3 =	vlt.s32 v50, v48;
	vm4 =	veq.f32 v45, v51;
	v42 =	vpop (erf)  }
0x1e0: {  	v43 =	vsel vm2, v50, v48;
	vm2 =	vgt.f32 v45, v51;
	vm5 =	vlt.s32 v52, v55;
	v45 =	vpop (erf)  }
0x1e1: {  	v59 =	vsel vm3, v50, v48;
	v50 =	vsel vm2, v52, v55;
	v51 =	vpop (erf);
	v41 =	vmul.f32 v45, v41  }
0x1e2: {  	v43 =	vsel vm1, v59, v43;
	v52 =	vsel vm5, v52, v55;
	v48 =	vpop (erf);
	[tilespmem:v33+s26+$0x0] =	vst.idx.msk $0xff, v18;
	(erf) = vpow2.f32 v47  }
0x1e3: {  	v18 =	vsel vm4, v52, v50;
	v45 =	vpop (erf);
	(xrf1) =	vsort.dscd.msk.f32 $0xffff, v49, v43;
	[tilespmem:v33+s28+$0x0] =	vst.idx.msk $0xff, v41;
	(erf) = vpow2.f32 v46  }
0x1e4: {  	v47 =	vadd.f32 v42, v12;
	v33 =	vadd.f32 v58, v11;
	v42 =	vpop (erf);
	(xrf1) =	vsort.ascd.msk.f32 $0xffff, v57, v18;
	(erf) = vpow2.f32 v44  }
0x1e5: {  	v43 =	vadd.f32 v48, v14;
	v18 =	vadd.f32 v51, v13;
	v44 =	vpop (erf);
	(erf) = vrcp.f32 v40  }
0x1e6: {  	v40 =	vadd.f32 v45, v11;
	v42 =	vadd.f32 v42, v12;
	v46 =	vpop (erf);
	(xrf1) =	vsort.dscd.msk.f32 $0xffff, v33, v0;
	(erf) = vrcp.f32 v38  }
0x1e7: {  	v33 =	vadd.f32 v44, v13;
	v38 =	vadd.f32 v46, v14;
	v44, v45, _ =	vpop (xrf1);
	(xrf1) =	vsort.ascd.msk.f32 $0xffff, v47, v1;
	(erf) = vrcp.f32 v39  }
0x1e8: {  	v46 =	vand.u32 $0xFFFFFFE8, v54;
	v47 =	vand.u32 $0xFFFFFFF0, v56;
	v39, v41, _ =	vpop (xrf1);
	(xrf1) =	vsort.dscd.msk.f32 $0xffff, v18, v2;
	v18 =	vand.u32 $0xFFFFFFE0, v53  }
0x1e9: {  	vm1 =	vgt.f32 v44, v39;
	vm2 =	vlt.s32 v45, v41;
	v48, v49, _ =	vpop (xrf1);
	(xrf1) =	vsort.ascd.msk.f32 $0xffff, v43, v3;
	v18 =	vbroadcast v18, $0x0  }
0x1ea: {  	v43 =	vsel vm1, v45, v41;
	v41 =	vsel vm2, v45, v41;
	(xrf1) =	vsort.dscd.msk.f32 $0xffff, v40, v0;
	v40, v45, _ =	vpop (xrf1)  }
0x1eb: {  	v46 =	vbroadcast v46, $0x0;
	vm1 =	vgt.f32 v48, v40;
	vm2 =	vlt.s32 v49, v45  }
0x1ec: {  	(xrf1) =	vsort.ascd.msk.f32 $0xffff, v42, v1;
	v42 =	vbroadcast v47, $0x0;
	v47 =	vpop (erf);
	v50 =	vsel vm1, v49, v45;
	vm1 =	veq.f32 v44, v39  }
0x1ed: {  	v45 =	vsel vm2, v49, v45;
	(xrf1) =	vsort.dscd.msk.f32 $0xffff, v33, v2;
	v33 =	vadd.f32 $1.000000000e+00, v47;
	v47 =	vpop (erf);
	v41 =	vsel vm1, v41, v43  }
0x1ee: {  	vm2 =	veq.f32 v48, v40;
	(xrf1) =	vsort.ascd.msk.f32 $0xffff, v38, v3;
	v38 =	vadd.f32 $1.000000000e+00, v47;
	v47 =	vpop (erf)  }
0x1ef: {  	v39 =	vmax.f32 v44, v39;
	v43 =	vsel vm2, v45, v50;
	v44 =	vpop (erf)  }
0x1f0: {  	v40 =	vmax.f32 v48, v40;
	(xrf1) =	vsort.dscd.msk.f32 $0xffff, v39, v41;
	v39 =	vadd.f32 $1.000000000e+00, v47;
	v23 =	vmul.f32 v44, v23;
	v41 =	vpop (erf)  }
0x1f1: {  	v45 =	vand.u32 $0x7, v29;
	(xrf1) =	vsort.ascd.msk.f32 $0xffff, v40, v43;
	v40 =	vor.u32 v30, v18;
	v47 =	vmul.f32 v41, v24;
	v29 =	vpop (erf)  }
0x1f2: {  	s17 =	sadd.s32 $0x1, s7;
	v31 =	vor.u32 v31, v46;
	v42 =	vor.u32 v45, v42;
	v30, v41, _ =	vpop (xrf1);
	v27 =	vmul.f32 v29, v27  }
0x1f3: {  	v34 =	vand.u32 $0x3F, v34;
	v43 =	vadd.s32 s17, v1;
	v29 =	vadd.s32 s17, v0;
	v18, v44, _ =	vpop (xrf1);
	[tilespmem:v21+s28+$0x0] =	vst.idx.msk $0xff, v47  }
0x1f4: {  	vm1 =	vgt.f32 v30, v18;
	vm2 =	vlt.s32 v41, v44;
	(erf) = vrcp.f32 v33;
	[tilespmem:v20+s28+$0x0] =	vst.idx.msk $0xff, v23  }
0x1f5: {  	vm3 =	veq.f32 v30, v18;
	v20 =	vsel vm1, v41, v44;
	v44 =	vsel vm2, v41, v44;
	v23, v24, _ =	vpop (xrf1)  }
0x1f6: {  	v33 =	vadd.s32 s17, v2;
	v18 =	vmax.f32 v30, v18;
	v20 =	vsel vm3, v44, v20;
	v21, v30, _ =	vpop (xrf1);
	[tilespmem:v40+s26+$0x0] =	vst.idx.msk $0xff, v37  }
0x1f7: {  	vm1 =	vgt.f32 v23, v21;
	vm2 =	vlt.s32 v24, v30;
	v37, v41, _ =	vpop (xrf1);
	(xrf1) =	vsort.dscd.msk.f32 $0xffff, v18, v20;
	(erf) = vrcp.f32 v38  }
0x1f8: {  	vm3 =	veq.f32 v23, v21;
	v18 =	vsel vm1, v24, v30;
	v20 =	vsel vm2, v24, v30;
	v24, v30, _ =	vpop (xrf1)  }
0x1f9: {  	vm1 =	vgt.f32 v37, v24;
	vm2 =	veq.f32 v37, v24;
	vm4 =	vlt.s32 v41, v30;
	v38, v44, _ =	vpop (xrf1)  }
0x1fa: {  	v18 =	vsel vm3, v20, v18;
	v20 =	vsel vm1, v41, v30;
	v49 =	vsel vm4, v41, v30;
	v41, v45, _ =	vpop (xrf1)  }
0x1fb: {  	vm1 =	vgt.f32 v38, v41;
	vm3 =	veq.f32 v38, v41;
	vm4 =	vlt.s32 v44, v45;
	v46, v47, _ =	vpop (xrf1)  }
0x1fc: {  	v20 =	vsel vm2, v49, v20;
	v48 =	vsel vm1, v44, v45;
	v44 =	vsel vm4, v44, v45;
	v30, v45, _ =	vpop (xrf1)  }
0x1fd: {  	vm1 =	vgt.f32 v46, v30;
	vm2 =	veq.f32 v46, v30;
	vm4 =	vlt.s32 v47, v45;
	v49 =	vpop (erf)  }
0x1fe: {  	v44 =	vsel vm3, v44, v48;
	v48 =	vsel vm1, v47, v45;
	v45 =	vsel vm4, v47, v45;
	v47, v50, _ =	vpop (xrf1)  }
0x1ff: {  	v21 =	vmax.f32 v23, v21;
	v23 =	vmax.f32 v37, v24;
	v45 =	vsel vm2, v45, v48;
	v37, v24, _ =	vpop (xrf1)  }
0x200: {  	v38 =	vmax.f32 v38, v41;
	v30 =	vmax.f32 v46, v30;
	(xrf1) =	vsort.dscd.msk.f32 $0xffff, v21, v18;
	(erf) = vrcp.f32 v39;
	v18 =	vpop (erf)  }
0x201: {  	vm1 =	vgt.f32 v47, v37;
	vm2 =	vlt.s32 v50, v24;
	(xrf1) =	vsort.ascd.msk.f32 $0xffff, v23, v20;
	v23 =	vnsel vm0, $0x0, v49  }
0x202: {  	v20 =	vsel vm1, v50, v24;
	v21 =	vsel vm2, v50, v24;
	v24 =	vnsel vm0, $0x0, v18;
	(xrf1) =	vsort.dscd.msk.f32 $0xffff, v38, v44  }
0x203: {  	s18 =	sadd.s32 $0x2, s7;
	v39 =	vmax.f32 v47, v37;
	vm1 =	veq.f32 v47, v37;
	v38 =	vadd.s32 s17, v3;
	(xrf1) =	vsort.ascd.msk.f32 $0xffff, v30, v45  }
0x204: {  	v41 =	vadd.s32 s18, v1;
	v37 =	vadd.s32 s18, v0;
	v20 =	vsel vm1, v21, v20;
	v30 =	vmovc v32;
	[tilespmem:v31+s26+$0x0] =	vst.idx.msk $0xff, v22  }
0x205: {  	v44 =	vadd.s32 s18, v3;
	v22 =	vadd.s32 s18, v2;
	(xrf1) =	vsort.dscd.msk.f32 $0xffff, v39, v20;
	_, v18, _ =	vpop (xrf1);
	[tilespmem:v42+s26+$0x0] =	vst.idx.msk $0xff, v35  }
0x206: {  	v45 =	vand.u32 $0x3F, v43;
	v32 =	vmovc v36;
	v35 =	vand.u32 $0x3F, v29;
	v39 =	vadd.s32 s14, v18;
	[tilespmem:v19+s28+$0x0] =	vst.idx.msk $0xff, v27;
	v19 =	vmovc v40  }
0x207: {  	v36 =	vand.u32 $0x3F, v33;
	v43 =	vand.u32 $0x3F, v38;
	v21 =	vmovc v42;
	v20 =	vmovc v31;
	v27 =	vand.u32 $0x3F, v39  }
0x208: {  	v31 =	vmovc v16;
	v40 =	vand.u32 $0x3F, v41;
	s14 =	sadd.s32 $0x3, s7;
	v39 =	vand.u32 $0x3F, v37;
	v38 =	vor.u32 s13, v27;
	(xrf2) =	vadd.scan.msk.f32 $0xffff, v23  }
0x209: {  	v42 =	vand.u32 $0x3F, v44;
	v41 =	vand.u32 $0x3F, v22;
	v22 =	vadd.s32 s14, v0;
	v16 =	vpop (erf)  }
.Ltmp4:
0x20a: {  	v44 =	vadd.s32 s14, v1;
	v47 =	vand.u32 $0x3F, v22;
	s13 =	sadd.s32 $0x100, s13;
	v27 =	vnsel vm0, $0x0, v16;
	v16 =	vmovc v29;
	v29 =	vmovc v15;
	(pc) =	sbr.rel @p2 .LBB2_9-.Ltmp4, $4  }
0x20b: {  	v46 =	vand.u32 $0x3F, v44;
	v44 =	vadd.s32 s14, v2;
	s10 =	sadd.s32 $0xFFFFFF40, s13;
	s20 =	sadd.s32 $0xFFFFFF80, s13;
	s11 =	sadd.s32 $0xFFFFFFC0, s13;
	v48 =	vor.u32 s13, v47;
	v15 =	vmovc v37;
	(xrf2) =	vadd.scan.msk.f32 $0xffff, v24  }
0x20c: {  	v33 =	vmovc v17;
	v54 =	vadd.s32 s14, v3;
	v17 =	vmovc v22;
	v49 =	vor.u32 s13, v46;
	v37 =	vand.u32 $0x3F, v44  }
0x20d: {  	v22 =	vand.u32 $0x3F, v54;
	v46 =	vor.u32 s20, v35;
	v50 =	vor.u32 s13, v37;
	v53 =	vld.idx.msk [tilespmem:v38+s25+$0x0], $0xffff  }
0x20e: {  	s7 =	sadd.s32 $0x4, s7;
	v52 =	vor.u32 s13, v22;
	v47 =	vor.u32 s20, v45;
	v45 =	vor.u32 s20, v36;
	v44, v51, _ =	vpop (xrf1);
	(xrf2) =	vadd.scan.msk.f32 $0xffff, v27  }
0x20f: {  	s21 =	smov.u32 s6;
	s9 =	smov.u32 s29  }
0x210: {  	s8 =	smov.u32 s5;
	s6 =	smov.u32 s12;
	s7 =	smov.u32 s30;
	v37 =	vmovc v30;
	v38 =	vmovc v31;
	v36 =	vmov v33;
	v35 =	vmov v29;
	v22 =	vmov v32  }
.LBB2_11:
0x211: {  	_ =	sdelay $0x3  }
0x212: {  	v31 =	vor.u32 s20, v43;
	v33 =	vor.u32 s11, v39;
	v32 =	vld.idx.msk [tilespmem:v48+s25+$0x0], $0xffff;
	v40 =	vor.u32 s11, v40  }
0x213: {  	v29, v30, _ =	vpop @p0 (xrf1);
	v41 =	vor.u32 s11, v41;
	v60 =	vld.idx.msk [tilespmem:v49+s25+$0x0], $0xffff;
	v42 =	vor.u32 s11, v42;
	v53 =	vsub.f32 @p0 $0.0e+00, v53  }
0x214: {  	v50 =	vld.idx.msk [tilespmem:v50+s25+$0x0], $0xffff;
	v26 =	vor.u32 s10, v26;
	v39, v43, _ =	vpop @p0 (xrf1);
	vm2 =	vgt.f32 @p0 v44, v29;
	vm3 =	vlt.s32 @p0 v51, v30  }
0x215: {  	v52 =	vld.idx.msk [tilespmem:v52+s25+$0x0], $0xffff;
	v49, v54, _ =	vpop @p0 (xrf1);
	v55 =	vsel @p0 vm2, v51, v30;
	v30 =	vsel @p0 vm3, v51, v30;
	v53 =	vmul.f32 @p0 $1.442695020e+00, v53  }
0x216: {  	v46 =	vld.idx.msk [tilespmem:v46+s25+$0x0], $0xffff;
	vm2 =	veq.f32 @p0 v44, v29;
	v29 =	vmax.f32 @p0 v44, v29;
	vm1 =	vgt.f32 @p0 v39, v49  }
0x217: {  	v47 =	vld.idx.msk [tilespmem:v47+s25+$0x0], $0xffff;
	vm4 =	vlt.s32 @p0 v43, v54;
	v32 =	vsub.f32 $0.0e+00, v32;
	(erf) = vpow2.f32 @p0 v53  }
0x218: {  	v45 =	vld.idx.msk [tilespmem:v45+s25+$0x0], $0xffff;
	v30 =	vsel @p0 vm2, v30, v55;
	v56 =	vsel @p0 vm1, v43, v54;
	v48 =	vsub.f32 $0.0e+00, v60  }
0x219: {  	v43 =	vsel @p0 vm4, v43, v54;
	v31 =	vld.idx.msk [tilespmem:v31+s25+$0x0], $0xffff;
	v50 =	vsub.f32 $0.0e+00, v50;
	v32 =	vmul.f32 $1.442695020e+00, v32  }
0x21a: {  	vm1 =	veq.f32 @p0 v39, v49;
	v61 =	vsub.f32 $0.0e+00, v52;
	v48 =	vmul.f32 $1.442695020e+00, v48  }
0x21b: {  	v46 =	vsub.f32 $0.0e+00, v46;
	v50 =	vmul.f32 $1.442695020e+00, v50;
	(erf) = vpow2.f32 v32  }
0x21c: {  	v62 =	vsub.f32 $0.0e+00, v47;
	v63 =	vmul.f32 $1.442695020e+00, v61;
	(erf) = vpow2.f32 v48  }
0x21d: {  	v45 =	vsub.f32 $0.0e+00, v45;
	v46 =	vmul.f32 $1.442695020e+00, v46;
	(erf) = vpow2.f32 v50  }
0x21e: {  	v32 =	vmul.f32 $1.442695020e+00, v62;
	v31 =	vsub.f32 $0.0e+00, v31;
	(erf) = vpow2.f32 v63  }
0x21f: {  	v39 =	vmax.f32 @p0 v39, v49;
	v48 =	vmul.f32 $1.442695020e+00, v45;
	(erf) = vpow2.f32 v46  }
0x220: {  	(xrf1) =	vsort.dscd.msk.f32 @p0 $0xffff, v29, v30;
	v43 =	vsel @p0 vm1, v43, v56;
	v50 =	vmul.f32 $1.442695020e+00, v31;
	(erf) = vpow2.f32 v32;
	v30 =	vpop @p0 (erf)  }
0x221: {  	v51 =	vor.u32 s10, v28;
	_, v28, _ =	vpop @p0 (xrf1);
	v53 =	vld.idx.msk [tilespmem:v40+s25+$0x0], $0xffff;
	(xrf1) =	vsort.dscd.msk.f32 @p0 $0xffff, v39, v43;
	(erf) = vpow2.f32 v48;
	v30 =	vadd.f32 @p0 $1.000000000e+00, v30  }
0x222: {  	v52 =	vld.idx.msk [tilespmem:v33+s25+$0x0], $0xffff;
	v32, _, _ =	vpop @p1 (xrf2);
	(erf) = vpow2.f32 v50  }
0x223: {  	v54 =	vld.idx.msk [tilespmem:v41+s25+$0x0], $0xffff;
	v33, _, _ =	vpop @p1 (xrf2);
	(erf) = vrcp.f32 @p0 v30  }
0x224: {  	v25 =	vor.u32 s10, v25;
	v56 =	vld.idx.msk [tilespmem:v42+s25+$0x0], $0xffff;
	v55 =	vpop (erf)  }
0x225: {  	v34 =	vor.u32 s10, v34;
	v26 =	vld.idx.msk [tilespmem:v26+s25+$0x0], $0xffff;
	v40 =	vadd.f32 $1.000000000e+00, v55;
	v57 =	vpop (erf)  }
0x226: {  	v29 =	vsub.f32 $0.0e+00, v53;
	v42 =	vadd.f32 $1.000000000e+00, v57;
	v58 =	vpop (erf)  }
0x227: {  	v39 =	vsub.f32 $0.0e+00, v52;
	v31 =	vld.idx.msk [tilespmem:v51+s25+$0x0], $0xffff;
	v43 =	vadd.f32 $1.000000000e+00, v58;
	(erf) = vrcp.f32 v40;
	v59 =	vpop (erf)  }
0x228: {  	v29 =	vmul.f32 $1.442695020e+00, v29;
	v40 =	vadd.f32 $1.000000000e+00, v59;
	v60 =	vpop (erf);
	(erf) = vrcp.f32 v42  }
0x229: {  	v25 =	vld.idx.msk [tilespmem:v25+s25+$0x0], $0xffff;
	v39 =	vmul.f32 $1.442695020e+00, v39;
	v30 =	vsub.f32 $0.0e+00, v54;
	v61 =	vpop (erf);
	(erf) = vrcp.f32 v43  }
0x22a: {  	v34 =	vld.idx.msk [tilespmem:v34+s25+$0x0], $0xffff;
	v41 =	vsub.f32 $0.0e+00, v56;
	v26 =	vsub.f32 $0.0e+00, v26;
	v62 =	vpop (erf);
	(erf) = vrcp.f32 v40  }
0x22b: {  	v30 =	vmul.f32 $1.442695020e+00, v30;
	(erf) = vpow2.f32 v39;
	v63 =	vpop (erf)  }
0x22c: {  	v41 =	vmul.f32 $1.442695020e+00, v41;
	v47 =	vsub.f32 $0.0e+00, v31;
	(erf) = vpow2.f32 v29;
	v29 =	vpop @p0 (erf)  }
0x22d: {  	v31, _, _ =	vpop @p1 (xrf2);
	(erf) = vpow2.f32 v30;
	v29 =	vnsel @p0 vm0, $0x0, v29  }
0x22e: {  	v49 =	vsub.f32 $0.0e+00, v25;
	_, v25, _ =	vpop @p0 (xrf1);
	v48 =	vmul.f32 $1.442695020e+00, v47;
	(erf) = vpow2.f32 v41;
	(xrf2) =	vadd.scan.msk.f32 @p0 $0xffff, v29  }
0x22f: {  	v34 =	vsub.f32 $0.0e+00, v34;
	v50 =	vmul.f32 $1.442695020e+00, v26;
	_, v26, _ =	vpop @p0 (xrf1)  }
0x230: {  	v40 =	vmul.f32 $1.442695020e+00, v49;
	(erf) = vpow2.f32 v48;
	v51 =	vpop (erf)  }
0x231: {  	v34 =	vmul.f32 $1.442695020e+00, v34;
	v44 =	vadd.f32 $1.000000000e+00, v60;
	(erf) = vpow2.f32 v50;
	v52 =	vpop (erf)  }
0x232: {  	v42 =	vadd.f32 $1.000000000e+00, v61;
	v30 =	vadd.f32 v51, v11;
	(erf) = vpow2.f32 v40;
	v53 =	vpop (erf)  }
0x233: {  	v55 =	vadd.f32 $1.000000000e+00, v62;
	v41 =	vadd.f32 v52, v12;
	(erf) = vpow2.f32 v34;
	v54 =	vpop (erf)  }
0x234: {  	v39 =	vadd.f32 $1.000000000e+00, v63;
	v40 =	vadd.f32 v53, v13;
	(xrf1) =	vsort.dscd.msk.f32 $0xffff, v30, v0;
	(erf) = vrcp.f32 v44;
	v56 =	vpop (erf)  }
0x235: {  	v30 =	vadd.f32 v54, v14;
	(xrf1) =	vsort.ascd.msk.f32 $0xffff, v41, v1;
	(erf) = vrcp.f32 v42;
	v57 =	vpop (erf)  }
0x236: {  	(xrf1) =	vsort.dscd.msk.f32 $0xffff, v40, v2;
	(erf) = vrcp.f32 v55;
	v58 =	vpop (erf)  }
0x237: {  	(xrf1) =	vsort.ascd.msk.f32 $0xffff, v30, v3;
	(erf) = vrcp.f32 v39;
	v59 =	vpop (erf)  }
0x238: {  	v39, _, _ =	vpop @p0 (xrf2)  }
0x239: {  	v60 =	vadd.f32 $1.000000000e+00, v56;
	v61 =	vpop (erf);
	v39 =	vadd.f32 @p0 $9.999999680e-21, v39  }
0x23a: {  	v41 =	vadd.f32 $1.000000000e+00, v57;
	v62 =	vpop (erf)  }
0x23b: {  	(erf) = vrcp.f32 v60;
	v63 =	vpop (erf);
	v39 =	vbroadcast @p0 v39, $0xF  }
0x23c: {  	v34 =	vadd.f32 $1.000000000e+00, v58;
	(erf) = vrcp.f32 v41;
	v47 =	vpop (erf)  }
0x23d: {  	v30 =	vadd.f32 $1.000000000e+00, v59;
	v48 =	vpop (erf);
	(erf) = vrcp.f32 @p0 v39  }
0x23e: {  	v49 =	vadd.f32 $1.000000000e+00, v61;
	v41 =	vadd.f32 v48, v11;
	v50 =	vpop (erf);
	(erf) = vrcp.f32 v34  }
0x23f: {  	v51 =	vadd.f32 $1.000000000e+00, v62;
	v42 =	vadd.f32 v50, v12;
	v52 =	vpop (erf);
	(erf) = vrcp.f32 v30  }
0x240: {  	v53 =	vadd.f32 $1.000000000e+00, v63;
	v43 =	vadd.f32 v52, v13;
	(xrf1) =	vsort.dscd.msk.f32 $0xffff, v41, v0;
	v54 =	vpop (erf);
	(erf) = vrcp.f32 v49  }
0x241: {  	v55 =	vadd.f32 $1.000000000e+00, v47;
	v56 =	vadd.f32 v54, v14;
	(xrf1) =	vsort.ascd.msk.f32 $0xffff, v42, v1;
	(erf) = vrcp.f32 v51  }
0x242: {  	v57, v58, _ =	vpop (xrf1);
	(xrf1) =	vsort.dscd.msk.f32 $0xffff, v43, v2;
	(erf) = vrcp.f32 v53  }
0x243: {  	v59, v60, _ =	vpop (xrf1);
	(xrf1) =	vsort.ascd.msk.f32 $0xffff, v56, v3;
	(erf) = vrcp.f32 v55  }
0x244: {  	v61, v62, _ =	vpop (xrf1);
	vm1 =	veq.f32 v57, v59;
	vm2 =	vgt.f32 v57, v59;
	vm3 =	vlt.s32 v58, v60  }
0x245: {  	v49 =	vmax.f32 v57, v59;
	v48, v63, _ =	vpop (xrf1);
	v34 =	vsel vm2, v58, v60;
	v42 =	vsel vm3, v58, v60  }
0x246: {  	vm12 =	veq.f32 v61, v48;
	vm2 =	vgt.f32 v61, v48;
	vm5 =	vlt.s32 v62, v63  }
0x247: {  	v50 =	vpop (erf);
	v34 =	vsel vm1, v42, v34;
	v52 =	vsel vm2, v62, v63;
	v40 =	vsel vm5, v62, v63  }
0x248: {  	v51 =	vpop (erf);
	v39 =	vmax.f32 v61, v48;
	(xrf1) =	vsort.dscd.msk.f32 $0xffff, v49, v34;
	v40 =	vsel vm12, v40, v52  }
0x249: {  	v30 =	vpop @p0 (erf);
	(xrf1) =	vsort.ascd.msk.f32 $0xffff, v39, v40  }
0x24a: {  	v53 =	vpop (erf)  }
0x24b: {  	v54 =	vpop (erf)  }
0x24c: {  	v55 =	vpop (erf)  }
0x24d: {  	v41 =	vadd.f32 v50, v11;
	v56 =	vpop (erf)  }
0x24e: {  	v46 =	vadd.s32 @p0 s15, v28;
	v43 =	vadd.f32 v51, v12;
	v57 =	vpop (erf)  }
0x24f: {  	v46 =	vand.u32 @p0 $0x3F, v46;
	v34 =	vadd.f32 v53, v13;
	v39 =	vadd.f32 v54, v14;
	(xrf1) =	vsort.dscd.msk.f32 $0xffff, v41, v0;
	v58 =	vpop (erf)  }
0x250: {  	v44 =	vor.u32 @p0 s9, v46;
	v11 =	vadd.f32 v55, v11;
	v12 =	vadd.f32 v56, v12;
	v59, v60, _ =	vpop (xrf1);
	(xrf1) =	vsort.ascd.msk.f32 $0xffff, v43, v1  }
0x251: {  	v46 =	vadd.s32 @p0 s16, v25;
	v13 =	vadd.f32 v57, v13;
	v14 =	vadd.f32 v58, v14;
	v61, v62, _ =	vpop (xrf1);
	(xrf1) =	vsort.dscd.msk.f32 $0xffff, v34, v2  }
0x252: {  	v46 =	vand.u32 @p0 $0x3F, v46;
	vm1 =	vgt.f32 v59, v61;
	v52, v63, _ =	vpop (xrf1);
	vm2 =	vlt.s32 v60, v62;
	(xrf1) =	vsort.ascd.msk.f32 $0xffff, v39, v3  }
0x253: {  	v53 =	vsel vm1, v60, v62;
	v55, v54, _ =	vpop (xrf1);
	v41 =	vsel vm2, v60, v62;
	(xrf1) =	vsort.dscd.msk.f32 $0xffff, v11, v0;
	v11 =	vor.u32 @p0 s8, v46  }
0x254: {  	vm1 =	vgt.f32 v52, v55;
	vm2 =	vlt.s32 v63, v54;
	(xrf1) =	vsort.ascd.msk.f32 $0xffff, v12, v1  }
0x255: {  	v43 =	vadd.s32 @p0 s21, v26;
	v12 =	vsel vm1, v63, v54;
	v45 =	vsel vm2, v63, v54;
	(xrf1) =	vsort.dscd.msk.f32 $0xffff, v13, v2  }
0x256: {  	vm1 =	veq.f32 v59, v61;
	v13 =	vand.u32 @p0 $0x3F, v43;
	vm2 =	veq.f32 v52, v55;
	(xrf1) =	vsort.ascd.msk.f32 $0xffff, v14, v3;
	v40, v42, _ =	vpop (xrf1)  }
0x257: {  	v14 =	vmax.f32 v59, v61;
	v39 =	vsel vm1, v41, v53;
	v12 =	vsel vm2, v45, v12;
	v57, v56, _ =	vpop (xrf1)  }
0x258: {  	v13 =	vor.u32 @p0 s7, v13;
	v11 =	vld.idx.msk @p0 [tilespmem:v11+s25+$0x0], $0xffff;
	vm1 =	vgt.f32 v40, v57;
	vm2 =	vlt.s32 v42, v56  }
0x259: {  	(xrf1) =	vsort.dscd.msk.f32 $0xffff, v14, v39;
	v14 =	vsel vm1, v42, v56;
	v58 =	vsel vm2, v42, v56;
	v42 =	vld.idx.msk @p0 [tilespmem:v44+s25+$0x0], $0xffff  }
0x25a: {  	v34 =	vmax.f32 v52, v55;
	vm3 =	veq.f32 v40, v57  }
0x25b: {  	(xrf1) =	vsort.ascd.msk.f32 $0xffff, v34, v12;
	v12 =	vmax.f32 v40, v57;
	v14 =	vsel vm3, v58, v14  }
0x25c: {  	(xrf1) =	vsort.dscd.msk.f32 $0xffff, v12, v14;
	_ =	sdelay $0x1  }
0x25d: {  	v12 =	vld.idx.msk @p0 [tilespmem:v13+s25+$0x0], $0xffff;
	v11 =	vsub.f32 @p0 $0.0e+00, v11;
	v13 =	vsub.f32 @p0 $0.0e+00, v42;
	_ =	sdelay $0x1  }
0x25e: {  	v14, v59, _ =	vpop (xrf1);
	v11 =	vmul.f32 @p0 $1.442695020e+00, v11;
	v13 =	vmul.f32 @p0 $1.442695020e+00, v13  }
0x25f: {  	v39, v60, _ =	vpop (xrf1)  }
0x260: {  	v33 =	vadd.f32 @p1 $9.999999680e-21, v33;
	v41, v61, _ =	vpop (xrf1)  }
0x261: {  	v43, v62, _ =	vpop (xrf1)  }
0x262: {  	v32 =	vadd.f32 @p1 $9.999999680e-21, v32;
	v33 =	vbroadcast @p1 v33, $0xF;
	(erf) = vpow2.f32 @p0 v13;
	v13, v63, _ =	vpop (xrf1)  }
0x263: {  	vm1 =	vgt.f32 v14, v39;
	vm2 =	vlt.s32 v59, v60;
	(erf) = vpow2.f32 @p0 v11;
	v46, v11, _ =	vpop (xrf1)  }
0x264: {  	vm3 =	veq.f32 v14, v39;
	v14 =	vmax.f32 v14, v39;
	v12 =	vsub.f32 @p0 $0.0e+00, v12;
	v48, v49, _ =	vpop (xrf1)  }
0x265: {  	v56 =	vsel vm1, v59, v60;
	v34 =	vsel vm2, v59, v60;
	vm1 =	vgt.f32 v41, v43;
	v57, v50, _ =	vpop (xrf1)  }
0x266: {  	vm13 =	vlt.s32 v61, v62;
	v34 =	vsel vm3, v34, v56;
	v58 =	vsel vm1, v61, v62;
	v59, v52, _ =	vpop (xrf1)  }
0x267: {  	v42 =	vsel vm13, v61, v62;
	vm1 =	vgt.f32 v13, v46;
	vm3 =	vlt.s32 v63, v11;
	v61, v60, _ =	vpop (xrf1)  }
0x268: {  	vm2 =	veq.f32 v41, v43;
	v62 =	vsel vm1, v63, v11;
	v45 =	vsel vm3, v63, v11;
	_, v11, _ =	vpop (xrf1)  }
0x269: {  	v41 =	vmax.f32 v41, v43;
	v12 =	vmul.f32 @p0 $1.442695020e+00, v12;
	v63 =	vadd.s32 s14, v11  }
0x26a: {  	(xrf1) =	vsort.dscd.msk.f32 $0xffff, v14, v34;
	v14 =	vbroadcast @p1 v32, $0xF;
	v42 =	vsel vm2, v42, v58;
	v47 =	vand.u32 $0x3F, v63  }
0x26b: {  	(erf) = vpow2.f32 @p0 v12;
	vm14 =	veq.f32 v13, v46;
	v47 =	vor.u32 s13, v47  }
0x26c: {  	(xrf1) =	vsort.ascd.msk.f32 $0xffff, v41, v42;
	(erf) = vrcp.f32 @p1 v14;
	v13 =	vmax.f32 v13, v46;
	v45 =	vsel vm14, v45, v62  }
0x26d: {  	vm1 =	vgt.f32 v48, v57;
	vm3 =	vlt.s32 v49, v50;
	(xrf1) =	vsort.dscd.msk.f32 $0xffff, v13, v45;
	v13 =	vadd.f32 @p1 $9.999999680e-21, v31  }
0x26e: {  	vm2 =	veq.f32 v48, v57;
	v12 =	vsel vm1, v49, v50;
	v49 =	vsel vm3, v49, v50  }
0x26f: {  	v50 =	vmax.f32 v48, v57;
	v12 =	vsel vm2, v49, v12;
	v13 =	vbroadcast @p1 v13, $0xF  }
0x270: {  	(erf) = vrcp.f32 @p1 v33;
	(xrf1) =	vsort.ascd.msk.f32 $0xffff, v50, v12;
	v14 =	vpop @p0 (erf);
	v12 =	vld.idx.msk [tilespmem:v47+s25+$0x0], $0xffff  }
0x271: {  	v14 =	vadd.f32 @p0 $1.000000000e+00, v14;
	(erf) = vrcp.f32 @p1 v13;
	_ =	sdelay $0x1  }
0x272: {  	v31 =	vpop @p0 (erf);
	(erf) = vrcp.f32 @p0 v14;
	_ =	sdelay $0x1  }
0x273: {  	v13 =	vadd.f32 @p0 $1.000000000e+00, v31;
	v31 =	vpop @p0 (erf);
	v12 =	vsub.f32 $0.0e+00, v12  }
0x274: {  	vm1 =	vgt.f32 v59, v61;
	vm2 =	vlt.s32 v52, v60;
	v31 =	vadd.f32 @p0 $1.000000000e+00, v31  }
0x275: {  	v55 =	vsel vm1, v52, v60;
	(erf) = vrcp.f32 @p0 v13;
	v12 =	vmul.f32 $1.442695020e+00, v12  }
0x276: {  	v56 =	vsel vm2, v52, v60;
	vm1 =	veq.f32 v59, v61;
	v34 =	vpop @p1 (erf);
	(erf) = vrcp.f32 @p0 v31  }
0x277: {  	v32 =	vsel vm1, v56, v55;
	v33 =	vpop @p1 (erf);
	(erf) = vpow2.f32 v12  }
0x278: {  	v44 =	vpop @p1 (erf)  }
0x279: {  	v59 =	vmax.f32 v59, v61;
	v12, v13, _ =	vpop (xrf1)  }
0x27a: {  	(xrf1) =	vsort.dscd.msk.f32 $0xffff, v59, v32;
	v32 =	vpop @p0 (erf)  }
0x27b: {  	v14, v54, _ =	vpop (xrf1)  }
0x27c: {  	v58, v57, _ =	vpop (xrf1);
	vm2 =	vgt.f32 v12, v14;
	vm3 =	vlt.s32 v13, v54  }
0x27d: {  	v61, v60, _ =	vpop (xrf1);
	v62 =	vsel vm2, v13, v54;
	vm2 =	veq.f32 v12, v14;
	v12 =	vmax.f32 v12, v14  }
0x27e: {  	v42 =	vpop @p0 (erf);
	v13 =	vsel vm3, v13, v54;
	vm1 =	vgt.f32 v58, v61  }
0x27f: {  	v31 =	vpop @p0 (erf);
	vm15 =	vlt.s32 v57, v60;
	v13 =	vsel vm2, v13, v62;
	v63 =	vsel vm1, v57, v60  }
0x280: {  	v14 =	vsel vm15, v57, v60;
	vm1 =	veq.f32 v58, v61;
	(xrf1) =	vsort.dscd.msk.f32 $0xffff, v12, v13;
	v12 =	vpop (erf)  }
0x281: {  	v13 =	vsel vm1, v14, v63;
	v14 =	vmax.f32 v58, v61;
	v12 =	vadd.f32 $1.000000000e+00, v12  }
0x282: {  	(xrf1) =	vsort.dscd.msk.f32 $0xffff, v14, v13  }
0x283: {  	(erf) = vrcp.f32 v12;
	_ =	sdelay $0x6  }
0x284: {  	v39 =	vnsel @p0 vm0, $0x0, v32;
	_, v12, _ =	vpop (xrf1)  }
0x285: {  	v40 =	vnsel @p0 vm0, $0x0, v42;
	(xrf2) =	vadd.scan.msk.f32 @p0 $0xffff, v39;
	v48 =	vadd.s32 s17, v12  }
0x286: {  	(xrf2) =	vadd.scan.msk.f32 @p0 $0xffff, v40;
	v14 =	vnsel @p0 vm0, $0x0, v31;
	v31 =	vand.u32 $0x3F, v48;
	v13 =	vpop (erf)  }
0x287: {  	(xrf2) =	vadd.scan.msk.f32 @p0 $0xffff, v14;
	v32 =	vnsel vm0, $0x0, v13  }
0x288: {  	_, v13, _ =	vpop (xrf1);
	(xrf2) =	vadd.scan.msk.f32 $0xffff, v32  }
0x289: {  	v49 =	vadd.s32 s18, v13  }
0x28a: {  	v50 =	vor.u32 s20, v31;
	_, v31, _ =	vpop (xrf1);
	v41 =	vand.u32 $0x3F, v49  }
0x28b: {  	v51 =	vadd.s32 s6, v31;
	v41 =	vor.u32 s11, v41  }
0x28c: {  	v43 =	vand.u32 $0x3F, v51  }
0x28d: {  	v43 =	vor.u32 s10, v43;
	_ =	sdelay $0x1  }
0x28e: {  	v45, _, _ =	vpop @p0 (xrf2);
	v42 =	vld.idx.msk [tilespmem:v50+s25+$0x0], $0xffff  }
0x28f: {  	v46, _, _ =	vpop @p0 (xrf2);
	v41 =	vld.idx.msk [tilespmem:v41+s25+$0x0], $0xffff  }
0x290: {  	v47, _, _ =	vpop @p0 (xrf2)  }
0x291: {  	v43 =	vld.idx.msk [tilespmem:v43+s25+$0x0], $0xffff;
	v52, _, _ =	vpop (xrf2)  }
0x292: {  	v48 =	vadd.f32 $9.999999680e-21, v52  }
0x293: {  	v42 =	vsub.f32 $0.0e+00, v42  }
0x294: {  	v41 =	vsub.f32 $0.0e+00, v41;
	v48 =	vbroadcast v48, $0xF  }
0x295: {  	v42 =	vmul.f32 $1.442695020e+00, v42  }
0x296: {  	v43 =	vsub.f32 $0.0e+00, v43;
	v41 =	vmul.f32 $1.442695020e+00, v41;
	(erf) = vrcp.f32 v48  }
0x297: {  	(erf) = vpow2.f32 v42  }
0x298: {  	v53 =	vmul.f32 $1.442695020e+00, v43;
	(erf) = vpow2.f32 v41;
	_ =	sdelay $0x1  }
0x299: {  	(erf) = vpow2.f32 v53;
	_ =	sdelay $0x1  }
0x29a: {  	v41 =	vadd.f32 @p0 $9.999999680e-21, v45  }
0x29b: {  	v42 =	vadd.f32 @p0 $9.999999680e-21, v46  }
0x29c: {  	v43 =	vadd.f32 @p0 $9.999999680e-21, v47;
	v41 =	vbroadcast @p0 v41, $0xF  }
0x29d: {  	v42 =	vbroadcast @p0 v42, $0xF;
	v45 =	vpop (erf)  }
0x29e: {  	v43 =	vbroadcast @p0 v43, $0xF;
	(erf) = vrcp.f32 @p0 v41;
	v54 =	vpop (erf)  }
0x29f: {  	(erf) = vrcp.f32 @p0 v42;
	v41 =	vadd.f32 $1.000000000e+00, v54;
	v55 =	vpop (erf)  }
0x2a0: {  	(erf) = vrcp.f32 @p0 v43;
	v42 =	vadd.f32 $1.000000000e+00, v55  }
0x2a1: {  	v56 =	vpop (erf);
	(erf) = vrcp.f32 v41  }
0x2a2: {  	v57 =	vadd.f32 $1.000000000e+00, v56;
	(erf) = vrcp.f32 v42;
	_ =	sdelay $0x1  }
0x2a3: {  	(erf) = vrcp.f32 v57;
	_ =	sdelay $0x2  }
0x2a4: {  	v41 =	vpop @p0 (erf)  }
0x2a5: {  	v42 =	vpop @p0 (erf)  }
0x2a6: {  	v43 =	vpop @p0 (erf)  }
0x2a7: {  	v58 =	vpop (erf)  }
0x2a8: {  	s5 =	sadd.s32 @p1 $0x20, s19;
	s6 =	simm.s32 $0x18;
	v59 =	vpop (erf);
	v46 =	vnsel vm0, $0x0, v58  }
0x2a9: {  	s6 =	smov.u32 @p1 s5;
	v47 =	vnsel vm0, $0x0, v59;
	(xrf2) =	vadd.scan.msk.f32 $0xffff, v46  }
0x2aa: {  	v37 =	vand.u32 @p0 $0x7, v37;
	v38 =	vand.u32 @p0 $0x7, v38;
	s5 =	sadd.s32 @p0 $0xFFFFFFE8, s6;
	v60 =	vpop (erf);
	(xrf2) =	vadd.scan.msk.f32 $0xffff, v47  }
0x2ab: {  	v50 =	vmov @p0 s5;
	s5 =	sadd.s32 @p0 $0xFFFFFFF8, s6;
	v48 =	vmov @p0 s6;
	v49 =	vnsel vm0, $0x0, v60  }
0x2ac: {  	v36 =	vand.u32 @p0 $0x7, v36;
	v52 =	vmov @p0 s5;
	s5 =	sadd.s32 @p0 $0x20, s6;
	v48 =	vand.u32 @p0 $0xFFFFFFF8, v48;
	(xrf2) =	vadd.scan.msk.f32 $0xffff, v49  }
0x2ad: {  	v16 =	vand.u32 $0x7, v16;
	v23 =	vmul.f32 @p1 v34, v23;
	s7 =	sadd.s32 @p0 $0xFFFFFFF0, s6;
	s1 =	smov.u32 @p0 s5;
	v48 =	vbroadcast @p0 v48, $0x0  }
0x2ae: {  	v29 =	vmul.f32 @p0 v30, v29;
	v24 =	vmul.f32 @p1 v33, v24;
	v51 =	vmov @p0 s7;
	s15 =	sadd.s32 $0xFFFFFFF0, s1  }
0x2af: {  	[tilespmem:v20+s28+$0x0] =	vst.idx.msk @p1 $0xff, v23;
	v30 =	vand.u32 @p0 $0xFFFFFFE0, v50;
	v20 =	vmov s15;
	v36 =	vor.u32 @p0 v36, v48  }
0x2b0: {  	v50 =	vand.u32 @p0 $0xFFFFFFE8, v51;
	v30 =	vbroadcast @p0 v30, $0x0;
	v20 =	vand.u32 $0xFFFFFFE8, v20  }
0x2b1: {  	v17 =	vand.u32 $0x7, v17;
	v20 =	vbroadcast v20, $0x0;
	v48 =	vbroadcast @p0 v50, $0x0  }
0x2b2: {  	v30 =	vor.u32 @p0 v37, v30;
	v51 =	vand.u32 @p0 $0xFFFFFFF0, v52;
	v62 =	vmov s1  }
0x2b3: {  	v20 =	vor.u32 v16, v20;
	v33 =	vor.u32 @p0 v38, v48;
	v38 =	vpsel p0, v39, v0;
	v61, _, _ =	vpop (xrf2)  }
0x2b4: {  	v39 =	vpsel p0, v40, v0;
	[tilespmem:v36+s26+$0x0] =	vst.idx.msk @p0 $0xff, v18;
	v18 =	vand.u32 $0xFFFFFFF8, v62;
	v63, _, _ =	vpop (xrf2);
	v40 =	vadd.f32 $9.999999680e-21, v61  }
0x2b5: {  	v50 =	vbroadcast @p0 v51, $0x0;
	v18 =	vbroadcast v18, $0x0;
	v51 =	vadd.f32 $9.999999680e-21, v63  }
0x2b6: {  	v34 =	vand.u32 @p0 $0x7, v35;
	v27 =	vmul.f32 @p1 v44, v27;
	v53, _, _ =	vpop (xrf2);
	v40 =	vbroadcast v40, $0xF  }
0x2b7: {  	[tilespmem:v21+s28+$0x0] =	vst.idx.msk @p1 $0xff, v24;
	s5 =	sadd.s32 $0xFFFFFFE8, s1;
	s1 =	sadd.s32 $0xFFFFFFF8, s1;
	v17 =	vor.u32 v17, v18;
	v21 =	vadd.f32 $9.999999680e-21, v53;
	v54 =	vbroadcast v51, $0xF  }
0x2b8: {  	[tilespmem:v19+s28+$0x0] =	vst.idx.msk @p1 $0xff, v27;
	v52 =	vmov s5;
	v23 =	vmov s1;
	(erf) = vrcp.f32 v40  }
0x2b9: {  	[tilespmem:v30+s26+$0x0] =	vst.idx.msk @p0 $0xff, v26;
	v34 =	vor.u32 @p0 v34, v50;
	v21 =	vbroadcast v21, $0xF;
	(erf) = vrcp.f32 v54  }
0x2ba: {  	v23 =	vand.u32 $0xFFFFFFF0, v23;
	v37 =	vmovc @p0 v34;
	[tilespmem:v20+s26+$0x0] =	vst.idx.msk $0xff, v12;
	v19 =	vmul.f32 v45, v32;
	v18 =	vand.u32 $0xFFFFFFE0, v52  }
0x2bb: {  	v35 =	vmovc @p0 v33;
	v37 =	vpsel p0, v37, v0;
	[tilespmem:v36+s28+$0x0] =	vst.idx.msk @p0 $0xff, v29;
	v18 =	vbroadcast v18, $0x0;
	(erf) = vrcp.f32 v21  }
0x2bc: {  	v22 =	vand.u32 $0x7, v22;
	v35 =	vpsel p0, v35, v0;
	[tilespmem:v17+s26+$0x0] =	vst.idx.msk $0xff, v11;
	v21 =	vbroadcast v23, $0x0  }
0x2bd: {  	v18 =	vor.u32 v22, v18;
	v11 =	vand.u32 $0x7, v15;
	[tilespmem:v17+s28+$0x0] =	vst.idx.msk $0xff, v19;
	v17 =	vmul.f32 @p0 v41, v38  }
0x2be: {  	v16 =	vmov @p0 v30;
	[tilespmem:v33+s26+$0x0] =	vst.idx.msk @p0 $0xff, v28;
	v15 =	vmul.f32 @p0 v42, v39;
	v19 =	vor.u32 v11, v21  }
0x2bf: {  	s1 =	simm.s32 $0x0;
	v16 =	vpsel p0, v16, v0;
	[tilespmem:v34+s26+$0x0] =	vst.idx.msk @p0 $0xff, v25  }
0x2c0: {  	[tilespmem:v37+s28+$0x0] =	vst.idx.msk @p0 $0xff, v15;
	v15 =	vmov s1;
	v11 =	vmul.u32 $0x8, v0  }
0x2c1: {  	v14 =	vpsel p0, v14, v0;
	s5 =	simm.s32 $0x10;
	v12 =	vand.u32 $0x7, v0;
	[tilespmem:v35+s28+$0x0] =	vst.idx.msk @p0 $0xff, v17;
	v15 =	vshll.u32 v15, $0x3;
	v17 =	vpop (erf)  }
0x2c2: {  	v22 =	vmov s5;
	v14 =	vmul.f32 @p0 v43, v14;
	[tilespmem:v18+s26+$0x0] =	vst.idx.msk $0xff, v31;
	v15 =	vor.u32 v11, v15;
	v21 =	vpop (erf)  }
0x2c3: {  	s9 =	simm.s32 $0x20;
	v22 =	vshll.u32 v22, $0x3;
	[tilespmem:v19+s26+$0x0] =	vst.idx.msk $0xff, v13;
	v13 =	vmul.f32 v21, v47;
	v21 =	vor.u32 v12, v15  }
0x2c4: {  	[tilespmem:v16+s28+$0x0] =	vst.idx.msk @p0 $0xff, v14;
	v16 =	vor.u32 v11, v22;
	v22 =	vmov s9;
	v14 =	vmul.f32 v17, v46;
	v17 =	vpop (erf)  }
0x2c5: {  	s6 =	simm.s32 $0x30;
	v17 =	vmul.f32 v17, v49;
	[tilespmem:v19+s28+$0x0] =	vst.idx.msk $0xff, v13;
	v19 =	vor.u32 v12, v16;
	v13 =	vshll.u32 v22, $0x3  }
0x2c6: {  	[tilespmem:v20+s28+$0x0] =	vst.idx.msk $0xff, v14;
	v20 =	vmov s6;
	v14 =	vor.u32 v11, v13  }
0x2c7: {  	[tilespmem:v18+s28+$0x0] =	vst.idx.msk $0xff, v17;
	v13 =	vshll.u32 v20, $0x3;
	v17 =	vor.u32 v12, v14  }
0x2c8: {  	v13 =	vor.u32 v11, v13;
	v18 =	vld.idx.msk [tilespmem:v21+s26+$0x0], $0xffff  }
0x2c9: {  	v20 =	vld.idx.msk [tilespmem:v21+s28+$0x0], $0xffff;
	v21 =	vor.u32 v12, v13  }
0x2ca: {  	v22 =	vld.idx.msk [tilespmem:v19+s26+$0x0], $0xffff  }
0x2cb: {  	v23 =	vor.u32 v4, v15;
	v19 =	vld.idx.msk [tilespmem:v19+s28+$0x0], $0xffff  }
0x2cc: {  	s17 =	sand.u32 $0xC00, s2;
	s16 =	sand.u32 $0x40, s1;
	v55 =	vld.idx.msk [tilespmem:v17+s26+$0x0], $0xffff  }
0x2cd: {  	s8 =	sor.u32 s16, s17;
	v56 =	vor.u32 v4, v16;
	v17 =	vld.idx.msk [tilespmem:v17+s28+$0x0], $0xffff  }
0x2ce: {  	s18 =	sand.u32 $0x50, s5;
	[tilespmem:s8+$0x12080] =	vst v18;
	v18 =	vld.idx.msk [tilespmem:v21+s26+$0x0], $0xffff  }
0x2cf: {  	s10 =	sor.u32 s17, s18;
	[tilespmem:s8+$0x13080] =	vst v20;
	v20 =	vor.u32 v4, v14;
	v21 =	vld.idx.msk [tilespmem:v21+s28+$0x0], $0xffff  }
0x2d0: {  	s19 =	sand.u32 $0x60, s9;
	v26 =	vld.idx.msk [tilespmem:v23+s28+$0x0], $0xffff;
	[tilespmem:s10+$0x12080] =	vst v22  }
0x2d1: {  	s11 =	sor.u32 s17, s19;
	v22 =	vld.idx.msk [tilespmem:v23+s26+$0x0], $0xffff;
	[tilespmem:s10+$0x13080] =	vst v19;
	v19 =	vor.u32 v4, v13  }
0x2d2: {  	s12 =	sand.u32 $0x70, s6;
	v23 =	vld.idx.msk [tilespmem:v56+s26+$0x0], $0xffff;
	[tilespmem:s11+$0x12080] =	vst v55  }
0x2d3: {  	s12 =	sor.u32 s17, s12;
	v57 =	vor.u32 v5, v15;
	v25 =	vld.idx.msk [tilespmem:v56+s28+$0x0], $0xffff;
	[tilespmem:s11+$0x13080] =	vst v17  }
0x2d4: {  	v17 =	vld.idx.msk [tilespmem:v20+s26+$0x0], $0xffff;
	[tilespmem:s12+$0x12080] =	vst v18  }
0x2d5: {  	v18 =	vor.u32 v5, v16;
	v20 =	vld.idx.msk [tilespmem:v20+s28+$0x0], $0xffff;
	[tilespmem:s12+$0x13080] =	vst v21  }
0x2d6: {  	[tilespmem:s8+$0x13100] =	vst v26;
	v21 =	vld.idx.msk [tilespmem:v19+s26+$0x0], $0xffff  }
0x2d7: {  	[tilespmem:s8+$0x12100] =	vst v22;
	v22 =	vor.u32 v5, v14;
	v19 =	vld.idx.msk [tilespmem:v19+s28+$0x0], $0xffff  }
0x2d8: {  	v26 =	vld.idx.msk [tilespmem:v57+s26+$0x0], $0xffff;
	[tilespmem:s10+$0x12100] =	vst v23  }
0x2d9: {  	v58 =	vor.u32 v5, v13;
	v23 =	vld.idx.msk [tilespmem:v57+s28+$0x0], $0xffff;
	[tilespmem:s10+$0x13100] =	vst v25  }
0x2da: {  	v25 =	vld.idx.msk [tilespmem:v18+s26+$0x0], $0xffff;
	[tilespmem:s11+$0x12100] =	vst v17  }
0x2db: {  	v17 =	vor.u32 v6, v15;
	v18 =	vld.idx.msk [tilespmem:v18+s28+$0x0], $0xffff;
	[tilespmem:s11+$0x13100] =	vst v20  }
0x2dc: {  	v20 =	vld.idx.msk [tilespmem:v22+s26+$0x0], $0xffff;
	[tilespmem:s12+$0x12100] =	vst v21  }
0x2dd: {  	v21 =	vor.u32 v6, v16;
	v22 =	vld.idx.msk [tilespmem:v22+s28+$0x0], $0xffff;
	[tilespmem:s12+$0x13100] =	vst v19  }
0x2de: {  	[tilespmem:s8+$0x12180] =	vst v26;
	v19 =	vld.idx.msk [tilespmem:v58+s26+$0x0], $0xffff  }
0x2df: {  	[tilespmem:s8+$0x13180] =	vst v23;
	v23 =	vor.u32 v6, v14;
	v24 =	vld.idx.msk [tilespmem:v58+s28+$0x0], $0xffff  }
0x2e0: {  	v26 =	vld.idx.msk [tilespmem:v17+s26+$0x0], $0xffff;
	[tilespmem:s10+$0x12180] =	vst v25  }
0x2e1: {  	v17 =	vld.idx.msk [tilespmem:v17+s28+$0x0], $0xffff;
	[tilespmem:s10+$0x13180] =	vst v18;
	v18 =	vor.u32 v6, v13  }
0x2e2: {  	v25 =	vld.idx.msk [tilespmem:v21+s26+$0x0], $0xffff;
	[tilespmem:s11+$0x12180] =	vst v20  }
0x2e3: {  	v20 =	vor.u32 v7, v15;
	v21 =	vld.idx.msk [tilespmem:v21+s28+$0x0], $0xffff;
	[tilespmem:s11+$0x13180] =	vst v22  }
0x2e4: {  	s20 =	sor.u32 s1, s17;
	v22 =	vld.idx.msk [tilespmem:v23+s26+$0x0], $0xffff;
	[tilespmem:s12+$0x12180] =	vst v19  }
0x2e5: {  	s8 =	sor.u32 $0x180, s20;
	v19 =	vor.u32 v7, v16;
	v23 =	vld.idx.msk [tilespmem:v23+s28+$0x0], $0xffff;
	[tilespmem:s12+$0x13180] =	vst v24  }
0x2e6: {  	s21 =	sor.u32 s5, s17;
	[tilespmem:s8+$0x12080] =	vst v26;
	v24 =	vld.idx.msk [tilespmem:v18+s26+$0x0], $0xffff  }
0x2e7: {  	s29 =	sor.u32 $0x180, s21;
	[tilespmem:s8+$0x13080] =	vst v17;
	v17 =	vor.u32 v7, v14;
	v18 =	vld.idx.msk [tilespmem:v18+s28+$0x0], $0xffff  }
0x2e8: {  	s30 =	sor.u32 s9, s17;
	v26 =	vld.idx.msk [tilespmem:v20+s26+$0x0], $0xffff;
	[tilespmem:s29+$0x12080] =	vst v25  }
0x2e9: {  	p0 =	por $0x0, $0x0;
	s10 =	simm.s32 $0x1;
	s11 =	sor.u32 $0x180, s30;
	v20 =	vld.idx.msk [tilespmem:v20+s28+$0x0], $0xffff;
	[tilespmem:s29+$0x13080] =	vst v21;
	v21 =	vor.u32 v7, v13  }
0x2ea: {  	s7 =	sor.u32 s6, s17;
	s10 =	simm.s32 @!p0 $0x0;
	v25 =	vld.idx.msk [tilespmem:v19+s26+$0x0], $0xffff;
	[tilespmem:s11+$0x12080] =	vst v22  }
0x2eb: {  	s7 =	sor.u32 $0x180, s7;
	s10 =	sshll.u32 s10, $0x6;
	s12 =	sand.u32 $0x7, s2;
	v22 =	vor.u32 v8, v15;
	v19 =	vld.idx.msk [tilespmem:v19+s28+$0x0], $0xffff;
	[tilespmem:s11+$0x13080] =	vst v23  }
0x2ec: {  	s10 =	sadd.s32 $0x0, s10;
	s13 =	sshll.u32 s12, $0x4;
	v23 =	vld.idx.msk [tilespmem:v17+s26+$0x0], $0xffff;
	[tilespmem:s7+$0x12080] =	vst v24  }
0x2ed: {  	s14 =	sand.u32 $0x3, s2;
	v59 =	vor.u32 v8, v16;
	s15 =	sor.u32 $0x200, s10;
	s8 =	sadd.s32 $0x0, s13;
	v17 =	vld.idx.msk [tilespmem:v17+s28+$0x0], $0xffff;
	[tilespmem:s7+$0x13080] =	vst v18  }
0x2ee: {  	s16 =	sshll.u32 s14, $0x5;
	s17 =	sadd.s32 $0x10, s8;
	[tilespmem:s15+$0x12080] =	vst v26;
	v18 =	vld.idx.msk [tilespmem:v21+s26+$0x0], $0xffff  }
0x2ef: {  	s18 =	sor.u32 $0x200, s17;
	s7 =	sadd.s32 $0x0, s16;
	[tilespmem:s15+$0x13080] =	vst v20;
	v20 =	vor.u32 v8, v14;
	v21 =	vld.idx.msk [tilespmem:v21+s28+$0x0], $0xffff  }
0x2f0: {  	s13 =	sadd.s32 $0x20, s7;
	v26 =	vld.idx.msk [tilespmem:v22+s28+$0x0], $0xffff;
	[tilespmem:s18+$0x12080] =	vst v25  }
0x2f1: {  	s7 =	sor.u32 $0x200, s13;
	v22 =	vld.idx.msk [tilespmem:v22+s26+$0x0], $0xffff;
	[tilespmem:s18+$0x13080] =	vst v19;
	v19 =	vor.u32 v8, v13  }
0x2f2: {  	s12 =	sadd.s32 $0x30, s8;
	v25 =	vld.idx.msk [tilespmem:v59+s26+$0x0], $0xffff;
	[tilespmem:s7+$0x12080] =	vst v23  }
0x2f3: {  	s19 =	sor.u32 $0x200, s12;
	v24 =	vld.idx.msk [tilespmem:v59+s28+$0x0], $0xffff;
	v23 =	vor.u32 v9, v15;
	[tilespmem:s7+$0x13080] =	vst v17  }
0x2f4: {  	v17 =	vld.idx.msk [tilespmem:v20+s26+$0x0], $0xffff;
	[tilespmem:s19+$0x12080] =	vst v18  }
0x2f5: {  	s20 =	sor.u32 $0x280, s10;
	v18 =	vor.u32 v9, v16;
	v27 =	vld.idx.msk [tilespmem:v20+s28+$0x0], $0xffff;
	[tilespmem:s19+$0x13080] =	vst v21  }
0x2f6: {  	[tilespmem:s20+$0x13080] =	vst v26;
	v60 =	vld.idx.msk [tilespmem:v19+s26+$0x0], $0xffff  }
0x2f7: {  	v61 =	vor.u32 v9, v14;
	s21 =	sor.u32 $0x280, s17;
	[tilespmem:s20+$0x12080] =	vst v22;
	v62 =	vld.idx.msk [tilespmem:v19+s28+$0x0], $0xffff  }
0x2f8: {  	[tilespmem:s21+$0x12080] =	vst v25;
	v63 =	vld.idx.msk [tilespmem:v23+s26+$0x0], $0xffff  }
0x2f9: {  	p1 =	por $0x1, $0x1;
	s29 =	sor.u32 $0x280, s13;
	[tilespmem:s21+$0x13080] =	vst v24;
	v22 =	vld.idx.msk [tilespmem:v23+s28+$0x0], $0xffff;
	v23 =	vor.u32 v9, v13  }
.Ltmp5:
0x2fa: {  	v21 =	vld.idx.msk [tilespmem:v18+s26+$0x0], $0xffff;
	[tilespmem:s29+$0x12080] =	vst v17;
	(pc) =	sbr.rel @!p1 .LBB2_13-.Ltmp5, $4  }
0x2fb: {  	s8 =	simm.s32 $0x0;
	s30 =	sor.u32 $0x280, s12;
	v15 =	vor.u32 v10, v15;
	v20 =	vld.idx.msk [tilespmem:v18+s28+$0x0], $0xffff;
	[tilespmem:s29+$0x13080] =	vst v27  }
0x2fc: {  	s14 =	sor.u32 $0x300, s17;
	s11 =	simm.s32 $0x0;
	s16 =	sor.u32 $0x300, s10;
	v17 =	vld.idx.msk [tilespmem:v61+s26+$0x0], $0xffff;
	[tilespmem:s30+$0x12080] =	vst v60  }
0x2fd: {  	s10 =	simm.s32 $0x0;
	s7 =	sor.u32 s1, s2;
	s1 =	sor.u32 s6, s2;
	v16 =	vor.u32 v10, v16;
	v19 =	vld.idx.msk [tilespmem:v61+s28+$0x0], $0xffff;
	[tilespmem:s30+$0x13080] =	vst v62  }
0x2fe: {  	v14 =	vor.u32 v10, v14;
	s6 =	sor.u32 s5, s2;
	s5 =	sor.u32 s9, s2;
	s9 =	simm.s32 $0x70;
	[tilespmem:s16+$0x12080] =	vst v63;
	v18 =	vld.idx.msk [tilespmem:v23+s26+$0x0], $0xffff  }
.LBB2_12:
0x2ff: {  	s15 =	sadd.s32 $0xFFFFFFD0, s9;
	s8 =	sadd.s32 $0x4, s8;
	[tilespmem:s16+$0x13080] =	vst v22;
	v22 =	vld.idx.msk [tilespmem:v23+s28+$0x0], $0xffff;
	s2 =	sadd.s32 $0x200, s2  }
0x300: {  	v23 =	vmov s15;
	s16 =	sand.u32 $0x40, s15;
	s21 =	sor.u32 s15, s2;
	s20 =	sor.u32 s9, s2;
	v24 =	vld.idx.msk [tilespmem:v15+s28+$0x0], $0xffff;
	[tilespmem:s14+$0x12080] =	vst v21;
	v21 =	vor.u32 v10, v13  }
0x301: {  	s18 =	sadd.s32 $0xFFFFFFE0, s9;
	s13 =	sor.u32 $0x300, s13;
	p1 =	slt.u32 s8, $0x1C;
	v13 =	vshll.u32 v23, $0x3;
	v23 =	vmov s9;
	v25 =	vld.idx.msk [tilespmem:v15+s26+$0x0], $0xffff;
	[tilespmem:s14+$0x13080] =	vst v20  }
0x302: {  	s17 =	sand.u32 $0x50, s18;
	s14 =	sor.u32 s18, s2;
	v15 =	vor.u32 v11, v13;
	v13 =	vmov s18;
	v20 =	vshll.u32 v23, $0x3;
	v23 =	vld.idx.msk [tilespmem:v16+s26+$0x0], $0xffff;
	[tilespmem:s13+$0x12080] =	vst v17  }
0x303: {  	s19 =	sadd.s32 $0xFFFFFFF0, s9;
	s12 =	sor.u32 $0x300, s12;
	v26 =	vor.u32 v12, v15;
	v17 =	vshll.u32 v13, $0x3;
	v13 =	vor.u32 v11, v20;
	v20 =	vld.idx.msk [tilespmem:v16+s28+$0x0], $0xffff;
	[tilespmem:s13+$0x13080] =	vst v19  }
0x304: {  	s13 =	sor.u32 s19, s2;
	v16 =	vor.u32 v11, v17;
	v17 =	vmov s19;
	v19 =	vld.idx.msk [tilespmem:v14+s26+$0x0], $0xffff;
	[tilespmem:s12+$0x12080] =	vst v18  }
0x305: {  	s29 =	sor.u32 $0x380, s7;
	s7 =	smov.u32 s21;
	v18 =	vor.u32 v12, v16;
	v17 =	vshll.u32 v17, $0x3;
	v27 =	vld.idx.msk [tilespmem:v14+s28+$0x0], $0xffff;
	[tilespmem:s12+$0x13080] =	vst v22  }
0x306: {  	v17 =	vor.u32 v11, v17;
	[tilespmem:s29+$0x13080] =	vst v24;
	v22 =	vld.idx.msk [tilespmem:v21+s26+$0x0], $0xffff  }
0x307: {  	s12 =	sor.u32 $0x380, s6;
	s6 =	smov.u32 s14;
	v24 =	vor.u32 v12, v17;
	v14 =	vor.u32 v10, v17;
	[tilespmem:s29+$0x12080] =	vst v25;
	v21 =	vld.idx.msk [tilespmem:v21+s28+$0x0], $0xffff  }
0x308: {  	v25 =	vld.idx.msk [tilespmem:v26+s26+$0x0], $0xffff;
	[tilespmem:s12+$0x12080] =	vst v23  }
0x309: {  	v23 =	vld.idx.msk [tilespmem:v26+s28+$0x0], $0xffff;
	v26 =	vor.u32 v12, v13;
	[tilespmem:s12+$0x13080] =	vst v20;
	s12 =	sor.u32 $0x380, s5;
	s5 =	smov.u32 s13  }
0x30a: {  	v20 =	vld.idx.msk [tilespmem:v18+s26+$0x0], $0xffff;
	[tilespmem:s12+$0x12080] =	vst v19  }
0x30b: {  	v19 =	vor.u32 v4, v15;
	v18 =	vld.idx.msk [tilespmem:v18+s28+$0x0], $0xffff;
	[tilespmem:s12+$0x13080] =	vst v27;
	s12 =	sor.u32 $0x380, s1;
	s1 =	smov.u32 s20  }
0x30c: {  	s20 =	sand.u32 $0xC00, s2;
	v27 =	vld.idx.msk [tilespmem:v24+s26+$0x0], $0xffff;
	[tilespmem:s12+$0x12080] =	vst v22  }
0x30d: {  	s16 =	sor.u32 s16, s20;
	v22 =	vor.u32 v4, v16;
	s14 =	sor.u32 s18, s20;
	s13 =	sor.u32 s19, s20;
	v24 =	vld.idx.msk [tilespmem:v24+s28+$0x0], $0xffff;
	[tilespmem:s12+$0x13080] =	vst v21  }
0x30e: {  	s15 =	sor.u32 s15, s20;
	s12 =	sor.u32 s9, s20;
	[tilespmem:s16+$0x12080] =	vst v25;
	v21 =	vld.idx.msk [tilespmem:v26+s26+$0x0], $0xffff  }
0x30f: {  	s17 =	sor.u32 s20, s17;
	[tilespmem:s16+$0x13080] =	vst v23;
	v23 =	vor.u32 v4, v17;
	v25 =	vld.idx.msk [tilespmem:v26+s28+$0x0], $0xffff  }
0x310: {  	s18 =	sand.u32 $0x60, s19;
	v26 =	vld.idx.msk [tilespmem:v19+s28+$0x0], $0xffff;
	[tilespmem:s17+$0x12080] =	vst v20  }
0x311: {  	s18 =	sor.u32 s20, s18;
	v19 =	vld.idx.msk [tilespmem:v19+s26+$0x0], $0xffff;
	[tilespmem:s17+$0x13080] =	vst v18;
	v18 =	vor.u32 v4, v13  }
0x312: {  	s19 =	sand.u32 $0x70, s9;
	v20 =	vld.idx.msk [tilespmem:v22+s26+$0x0], $0xffff;
	[tilespmem:s18+$0x12080] =	vst v27  }
0x313: {  	s19 =	sor.u32 s20, s19;
	v27 =	vor.u32 v5, v15;
	v22 =	vld.idx.msk [tilespmem:v22+s28+$0x0], $0xffff;
	[tilespmem:s18+$0x13080] =	vst v24  }
0x314: {  	v24 =	vld.idx.msk [tilespmem:v23+s26+$0x0], $0xffff;
	[tilespmem:s19+$0x12080] =	vst v21  }
0x315: {  	v21 =	vor.u32 v5, v16;
	v23 =	vld.idx.msk [tilespmem:v23+s28+$0x0], $0xffff;
	[tilespmem:s19+$0x13080] =	vst v25  }
0x316: {  	[tilespmem:s16+$0x13100] =	vst v26;
	v25 =	vld.idx.msk [tilespmem:v18+s26+$0x0], $0xffff  }
0x317: {  	[tilespmem:s16+$0x12100] =	vst v19;
	v19 =	vor.u32 v5, v17;
	v18 =	vld.idx.msk [tilespmem:v18+s28+$0x0], $0xffff  }
0x318: {  	v26 =	vld.idx.msk [tilespmem:v27+s26+$0x0], $0xffff;
	[tilespmem:s17+$0x12100] =	vst v20  }
0x319: {  	v20 =	vld.idx.msk [tilespmem:v27+s28+$0x0], $0xffff;
	[tilespmem:s17+$0x13100] =	vst v22;
	v22 =	vor.u32 v5, v13  }
0x31a: {  	v27 =	vld.idx.msk [tilespmem:v21+s26+$0x0], $0xffff;
	[tilespmem:s18+$0x12100] =	vst v24  }
0x31b: {  	v24 =	vor.u32 v6, v15;
	v21 =	vld.idx.msk [tilespmem:v21+s28+$0x0], $0xffff;
	[tilespmem:s18+$0x13100] =	vst v23  }
0x31c: {  	v23 =	vld.idx.msk [tilespmem:v19+s26+$0x0], $0xffff;
	[tilespmem:s19+$0x12100] =	vst v25  }
0x31d: {  	v25 =	vor.u32 v6, v16;
	v19 =	vld.idx.msk [tilespmem:v19+s28+$0x0], $0xffff;
	[tilespmem:s19+$0x13100] =	vst v18  }
0x31e: {  	[tilespmem:s16+$0x12180] =	vst v26;
	v18 =	vld.idx.msk [tilespmem:v22+s26+$0x0], $0xffff  }
0x31f: {  	[tilespmem:s16+$0x13180] =	vst v20;
	v20 =	vor.u32 v6, v17;
	v22 =	vld.idx.msk [tilespmem:v22+s28+$0x0], $0xffff  }
0x320: {  	v26 =	vld.idx.msk [tilespmem:v24+s26+$0x0], $0xffff;
	[tilespmem:s17+$0x12180] =	vst v27  }
0x321: {  	v24 =	vld.idx.msk [tilespmem:v24+s28+$0x0], $0xffff;
	[tilespmem:s17+$0x13180] =	vst v21;
	v21 =	vor.u32 v6, v13  }
0x322: {  	v27 =	vld.idx.msk [tilespmem:v25+s26+$0x0], $0xffff;
	[tilespmem:s18+$0x12180] =	vst v23  }
0x323: {  	v23 =	vor.u32 v7, v15;
	v25 =	vld.idx.msk [tilespmem:v25+s28+$0x0], $0xffff;
	[tilespmem:s18+$0x13180] =	vst v19  }
0x324: {  	v19 =	vld.idx.msk [tilespmem:v20+s26+$0x0], $0xffff;
	[tilespmem:s19+$0x12180] =	vst v18  }
0x325: {  	s15 =	sor.u32 $0x180, s15;
	v18 =	vor.u32 v7, v16;
	v20 =	vld.idx.msk [tilespmem:v20+s28+$0x0], $0xffff;
	[tilespmem:s19+$0x13180] =	vst v22  }
0x326: {  	[tilespmem:s15+$0x12080] =	vst v26;
	v22 =	vld.idx.msk [tilespmem:v21+s26+$0x0], $0xffff  }
0x327: {  	s14 =	sor.u32 $0x180, s14;
	[tilespmem:s15+$0x13080] =	vst v24;
	v24 =	vor.u32 v7, v17;
	v21 =	vld.idx.msk [tilespmem:v21+s28+$0x0], $0xffff  }
0x328: {  	v26 =	vld.idx.msk [tilespmem:v23+s26+$0x0], $0xffff;
	[tilespmem:s14+$0x12080] =	vst v27  }
0x329: {  	p0 =	por !p0, !p0;
	s13 =	sor.u32 $0x180, s13;
	v23 =	vld.idx.msk [tilespmem:v23+s28+$0x0], $0xffff;
	[tilespmem:s14+$0x13080] =	vst v25;
	v25 =	vor.u32 v7, v13;
	s14 =	simm.s32 $0x1  }
0x32a: {  	s10 =	sadd.s32 $0x4, s10;
	s14 =	simm.s32 @!p0 $0x0;
	v27 =	vld.idx.msk [tilespmem:v18+s26+$0x0], $0xffff;
	[tilespmem:s13+$0x12080] =	vst v19  }
0x32b: {  	s12 =	sor.u32 $0x180, s12;
	s15 =	sand.u32 $0x7, s10;
	v19 =	vor.u32 v8, v15;
	s14 =	sshll.u32 s14, $0x6;
	v18 =	vld.idx.msk [tilespmem:v18+s28+$0x0], $0xffff;
	[tilespmem:s13+$0x13080] =	vst v20  }
0x32c: {  	s11 =	sadd.s32 $0x2, s11;
	s13 =	sshll.u32 s15, $0x4;
	s15 =	sadd.s32 s14, s2;
	v20 =	vld.idx.msk [tilespmem:v24+s26+$0x0], $0xffff;
	[tilespmem:s12+$0x12080] =	vst v22  }
0x32d: {  	s13 =	sadd.s32 s2, s13;
	s14 =	sand.u32 $0x3, s11;
	v22 =	vor.u32 v8, v16;
	s16 =	sor.u32 $0x200, s15;
	v24 =	vld.idx.msk [tilespmem:v24+s28+$0x0], $0xffff;
	[tilespmem:s12+$0x13080] =	vst v21  }
0x32e: {  	s14 =	sshll.u32 s14, $0x5;
	s17 =	sadd.s32 $0x10, s13;
	s12 =	sadd.s32 $0x30, s13;
	[tilespmem:s16+$0x12080] =	vst v26;
	v21 =	vld.idx.msk [tilespmem:v25+s26+$0x0], $0xffff  }
0x32f: {  	s13 =	sadd.s32 s2, s14;
	s14 =	sor.u32 $0x300, s17;
	[tilespmem:s16+$0x13080] =	vst v23;
	s16 =	sor.u32 $0x200, s17;
	v23 =	vor.u32 v8, v17;
	v25 =	vld.idx.msk [tilespmem:v25+s28+$0x0], $0xffff  }
0x330: {  	s13 =	sadd.s32 $0x20, s13;
	v26 =	vld.idx.msk [tilespmem:v19+s28+$0x0], $0xffff;
	[tilespmem:s16+$0x12080] =	vst v27  }
0x331: {  	v19 =	vld.idx.msk [tilespmem:v19+s26+$0x0], $0xffff;
	[tilespmem:s16+$0x13080] =	vst v18;
	s16 =	sor.u32 $0x200, s13;
	v18 =	vor.u32 v8, v13  }
0x332: {  	v27 =	vld.idx.msk [tilespmem:v22+s26+$0x0], $0xffff;
	[tilespmem:s16+$0x12080] =	vst v20  }
0x333: {  	v20 =	vor.u32 v9, v15;
	v28 =	vld.idx.msk [tilespmem:v22+s28+$0x0], $0xffff;
	[tilespmem:s16+$0x13080] =	vst v24;
	s16 =	sor.u32 $0x200, s12  }
0x334: {  	v24 =	vld.idx.msk [tilespmem:v23+s26+$0x0], $0xffff;
	[tilespmem:s16+$0x12080] =	vst v21  }
0x335: {  	v29 =	vor.u32 v9, v16;
	s18 =	sor.u32 $0x280, s15;
	v30 =	vld.idx.msk [tilespmem:v23+s28+$0x0], $0xffff;
	[tilespmem:s16+$0x13080] =	vst v25  }
0x336: {  	[tilespmem:s18+$0x13080] =	vst v26;
	v25 =	vld.idx.msk [tilespmem:v18+s26+$0x0], $0xffff  }
0x337: {  	s16 =	sor.u32 $0x280, s17;
	[tilespmem:s18+$0x12080] =	vst v19;
	v19 =	vor.u32 v9, v17;
	v18 =	vld.idx.msk [tilespmem:v18+s28+$0x0], $0xffff  }
0x338: {  	v26 =	vld.idx.msk [tilespmem:v20+s26+$0x0], $0xffff;
	[tilespmem:s16+$0x12080] =	vst v27  }
0x339: {  	v23 =	vor.u32 v9, v13;
	v22 =	vld.idx.msk [tilespmem:v20+s28+$0x0], $0xffff;
	[tilespmem:s16+$0x13080] =	vst v28;
	s16 =	sor.u32 $0x280, s13  }
.Ltmp6:
0x33a: {  	v21 =	vld.idx.msk [tilespmem:v29+s26+$0x0], $0xffff;
	[tilespmem:s16+$0x12080] =	vst v24;
	(pc) =	sbr.rel @p1 .LBB2_12-.Ltmp6, $4  }
0x33b: {  	v15 =	vor.u32 v10, v15;
	s17 =	sor.u32 $0x280, s12;
	v20 =	vld.idx.msk [tilespmem:v29+s28+$0x0], $0xffff;
	[tilespmem:s16+$0x13080] =	vst v30  }
0x33c: {  	v17 =	vld.idx.msk [tilespmem:v19+s26+$0x0], $0xffff;
	[tilespmem:s17+$0x12080] =	vst v25  }
0x33d: {  	v16 =	vor.u32 v10, v16;
	s16 =	sor.u32 $0x300, s15;
	v19 =	vld.idx.msk [tilespmem:v19+s28+$0x0], $0xffff;
	[tilespmem:s17+$0x13080] =	vst v18  }
0x33e: {  	s9 =	sadd.s32 $0x40, s9;
	[tilespmem:s16+$0x12080] =	vst v26;
	v18 =	vld.idx.msk [tilespmem:v23+s26+$0x0], $0xffff  }
.LBB2_13:
0x33f: {  	_ =	sdelay $0x2  }
0x340: {  	[tilespmem:s16+$0x13080] =	vst v22  }
0x341: {  	v11 =	vld.idx.msk [tilespmem:v23+s28+$0x0], $0xffff;
	[tilespmem:s14+$0x12080] =	vst v21  }
0x342: {  	s2 =	sor.u32 $0x300, s13;
	v12 =	vld.idx.msk [tilespmem:v15+s28+$0x0], $0xffff;
	[tilespmem:s14+$0x13080] =	vst v20  }
0x343: {  	v13 =	vor.u32 v10, v13;
	v59 =	vld.idx.msk [tilespmem:v15+s26+$0x0], $0xffff;
	[tilespmem:s2+$0x12080] =	vst v17  }
0x344: {  	s18 =	sor.u32 $0x300, s12;
	v60 =	vld.idx.msk [tilespmem:v16+s26+$0x0], $0xffff;
	[tilespmem:s2+$0x13080] =	vst v19  }
0x345: {  	v61 =	vld.idx.msk [tilespmem:v16+s28+$0x0], $0xffff;
	[tilespmem:s18+$0x12080] =	vst v18  }
0x346: {  	s7 =	sor.u32 $0x380, s7;
	v62 =	vld.idx.msk [tilespmem:v14+s26+$0x0], $0xffff;
	[tilespmem:s18+$0x13080] =	vst v11  }
0x347: {  	v11 =	vld.idx.msk [tilespmem:v14+s28+$0x0], $0xffff;
	[tilespmem:s7+$0x13080] =	vst v12  }
0x348: {  	s19 =	sor.u32 $0x380, s6;
	v63 =	vld.idx.msk [tilespmem:v13+s26+$0x0], $0xffff;
	[tilespmem:s7+$0x12080] =	vst v59  }
0x349: {  	v13 =	vld.idx.msk [tilespmem:v13+s28+$0x0], $0xffff;
	[tilespmem:s19+$0x12080] =	vst v60  }
0x34a: {  	s20 =	sor.u32 $0x380, s5;
	[tilespmem:s19+$0x13080] =	vst v61  }
0x34b: {  	[tilespmem:s20+$0x12080] =	vst v62  }
0x34c: {  	s1 =	sor.u32 $0x380, s1;
	[tilespmem:s20+$0x13080] =	vst v11  }
0x34d: {  	[tilespmem:s1+$0x12080] =	vst v63  }
0x34e: {  	[tilespmem:s1+$0x13080] =	vst v13  }
0x34f: {  	s21 =	simm.s32 $0x12080;
	s1 =	rddreg [dreg:$0xc]  }
0x350: {  	[hbm4b:s1+s3] =	stream.linear.scatter [tilespmem:s21], [sflag:$0x2], $0x1000, $0x38;
	[tilespmem:$0x14080] =	vst v63  }
0x351: {  	s30 =	simm.s32 $0x13080;
	s0 =	sadd.s32 $0x1, s0;
	s29 =	rddreg [dreg:$0xd]  }
0x352: {  	[hbm4b:s29+s3] =	stream.linear.scatter [tilespmem:s30], [sflag:$0x2], $0x1000, $0x38;
	[tilespmem:$0x14080] =	vst v63  }
0x353: {  	p0 =	sne.s32 s0, s22;
	_ =	swait.ge [sflag:s31], $0x1000  }
.Ltmp7:
0x354: {  	[sflag:s31] =	ssyncset.done $0x0;
	(pc) =	sbr.rel @p0 .LBB2_1-.Ltmp7, $4  }
.Ltmp8:
0x355: {  	[sflag:s31] =	ssyncadd.s32 $0xFFFFF000;
	(pc) =	sbr.rel @!p0 .LBB2_14-.Ltmp8, $4  }
0x356: {  	_ =	swait.ge [sflag:s31], $0x1000  }
0x357: {  	[sflag:s31] =	ssyncset.done $0x0  }
0x358: {  	[sflag:s31] =	ssyncadd.s32 $0xFFFFF000  }
0x359: {  	_ = 	snop  }
.LBB2_4:
.Ltmp9:
0x35a: {  	(pc) =	sbr.rel .LBB2_11-.Ltmp9, $3  }
0x35b: {  	_ =	sdelay $0x1  }
0x35c: {  	s20 =	simm.s32 $0x40;
	s11 =	simm.s32 $0x80  }
0x35d: {  	s10 =	simm.s32 $0x0;
	s6 =	simm.s32 $0x0;
	s19 =	simm.s32 $0x18  }
.LBB2_6:
.Ltmp10:
0x35e: {  	(pc) =	sbr.rel .LBB2_11-.Ltmp10, $4  }
0x35f: {  	_ = 	snop  }
0x360: {  	s20 =	simm.s32 $0x140;
	s11 =	simm.s32 $0x180;
	s10 =	simm.s32 $0x100  }
0x361: {  	s15 =	simm.s32 $0x1;
	s17 =	simm.s32 $0x5;
	s16 =	simm.s32 $0x2;
	v37 =	vmov v22;
	v38 =	vmov v16;
	v36 =	vmov v17  }
0x362: {  	v35 =	vmovc v15;
	s18 =	simm.s32 $0x6;
	s21 =	simm.s32 $0x0;
	s19 =	simm.s32 $0x18;
	v22 =	vmovc v30;
	v16 =	vmov v31;
	v15 =	vmov v29;
	v17 =	vmov v33  }
.LBB2_8:
.Ltmp11:
0x363: {  	(pc) =	sbr.rel .LBB2_11-.Ltmp11, $3  }
0x364: {  	_ =	sdelay $0x1  }
0x365: {  	s9 =	simm.s32 $0x140;
	s8 =	simm.s32 $0x180;
	s21 =	simm.s32 $0x4  }
0x366: {  	s6 =	simm.s32 $0x8;
	s7 =	simm.s32 $0x100;
	v37 =	vmovc v30;
	v38 =	vmovc v31;
	s19 =	simm.s32 $0x18;
	v36 =	vmov v33;
	v35 =	vmov v29;
	v22 =	vmov v32  }
.LBB2_14:
0x367: {  	_ =	sfence.sel $0x180000  }
0x368: {  	[bflag:$0x0] =	sbarrier.arrive $0xFFFF  }
0x369: {  	_ =	strace $0x90000047  }
0x36a: {  	s0 =	stileid.u32;
	[bflag:$0x2] =	sbarrier.arrive $0xFFFF  }
0x36b: {  	p0 =	sne.s32 s0, $0x0;
	s0 =	rddreg [dreg:$0x4]  }
0x36c: {  	s0 =	sadd.s32 @!p0 $0x100000, s0  }
0x36d: {  	[sflag:s0] =	ssyncadd.tile.s32 @!p0 $0x1;
	_ =	shalt  }
.Lfunc_end2:
_tile_overlayer_lowered:
.L_overlay_start_2:
0x36e: {  	(tag) =	ssettag $0x2  }
0x36f: {  	s0 =	rddreg [dreg:$0x0];
	s2 =	stileid.u32  }
0x370: {  	s1 =	rddreg [dreg:$0x1];
	p0 =	sne.s32 s2, $0x0  }
0x371: {  	s3 =	rddreg [dreg:$0x2];
	[bflag:$0x3] =	sbarrier.arrive $0xFFFF;
	s2 =	simm.s32 @!p0 $0x1C03  }
0x372: {  	[timem:s3], [sflag:s2] =	dma.local @!p0 [hbm:s0], s1  }
0x373: {  	s0 =	simm.s32 @!p0 $0x3  }
0x374: {  	_ =	swait.ge @!p0 [sflag:s0], s1  }
0x375: {  	s1 =	ssub.s32 @!p0 $0x0, s1;
	[sflag:s0] =	ssyncset.done @!p0 $0x0  }
0x376: {  	[sflag:s0] =	ssyncadd.s32 @!p0 s1  }
0x377: {  	[bflag:$0x3] =	sbarrier.arrive $0xFFFF  }
0x378: {  	_ =	shalt  }

</sc_bundles>
